<compile_context>
chip_gen: v7x
topology: tpu7x:2x2x1
jax: 0.10.2.dev20260603
libtpu: 0.0.44.dev20260713+nightly
codegen_flags: <defaults>
</compile_context>

<pallas_src>
import jax
import jax.numpy as jnp
from jax import lax
from jax.experimental import pallas as pl
from jax.experimental.pallas import tpu as pltpu
from jax.experimental.pallas import tpu_sc as plsc

ROWS = 1000000
RANK = 32
NNZ = 1048576

TBLK = 16384
TGRID = (ROWS + TBLK - 1) // TBLK
PACKED_ROWS = TGRID * (TBLK // 4)
SLOTS = PACKED_ROWS * 4

NUM_WORKERS = 32
LANES = 16
CHUNK = 512
GATHER = 128
N_PER_W = NNZ // NUM_WORKERS
N_ITERS = N_PER_W // CHUNK
N_GATHERS = CHUNK // GATHER
NBUF = 2


def _repack_body(at_ref, bt_ref, ap_ref, bp_ref):
  q4 = TBLK // 4
  for src, dst in ((at_ref, ap_ref), (bt_ref, bp_ref)):
    v = jnp.concatenate(
        [src[:, q * q4:(q + 1) * q4] for q in range(4)], axis=0)
    dst[...] = v.T


def _tc_repack(at, bt):
  return pl.pallas_call(
      _repack_body,
      grid=(TGRID,),
      in_specs=[
          pl.BlockSpec((RANK, TBLK), lambda i: (0, i)),
          pl.BlockSpec((RANK, TBLK), lambda i: (0, i)),
      ],
      out_specs=[
          pl.BlockSpec((TBLK // 4, 128), lambda i: (i, 0)),
          pl.BlockSpec((TBLK // 4, 128), lambda i: (i, 0)),
      ],
      out_shape=[
          jax.ShapeDtypeStruct((PACKED_ROWS, 128), jnp.float32),
          jax.ShapeDtypeStruct((PACKED_ROWS, 128), jnp.float32),
      ],
  )(at, bt)


_DNUMS = lax.GatherDimensionNumbers(
    offset_dims=(), collapsed_slice_dims=(0,), start_index_map=(0,))


def _shuf(w, idx):
  return lax.gather(w, idx[:, None], _DNUMS, (1,),
                    mode=lax.GatherScatterMode.PROMISE_IN_BOUNDS)


def _slot_map(j):
  return (j & -16384) | ((j & 4095) << 2) | ((j & 16383) >> 12)


def _dot_kernel(x_hbm, a_hbm, b_hbm, out_hbm,
                idx0_v, idx1_v, rows_a, rows_b, out_v, sem_g, sem_o):
  nc = 2
  wid = lax.axis_index("s") * nc + lax.axis_index("c")
  lane_iota = lax.iota(jnp.int32, LANES)
  shuf_idx = [jnp.bitwise_xor(lane_iota, sh) for sh in (8, 4, 2, 1)]

  def fire(it, buf):
    base = pl.multiple_of(wid * N_PER_W + it * CHUNK, CHUNK)
    pltpu.sync_copy(x_hbm.at[0, pl.ds(base, CHUNK)], idx0_v.at[buf])
    pltpu.sync_copy(x_hbm.at[1, pl.ds(base, CHUNK)], idx1_v.at[buf])

    def remap(m, _):
      sl = pl.ds(m * LANES, LANES)
      idx0_v[buf, sl] = _slot_map(idx0_v[buf, sl])
      idx1_v[buf, sl] = _slot_map(idx1_v[buf, sl])
      return 0

    lax.fori_loop(0, CHUNK // LANES, remap, 0)
    for j in range(N_GATHERS):
      pltpu.async_copy(a_hbm.at[idx0_v.at[buf, pl.ds(j * GATHER, GATHER)]],
                       rows_a.at[buf, pl.ds(j * GATHER, GATHER)], sem_g.at[buf])
      pltpu.async_copy(b_hbm.at[idx1_v.at[buf, pl.ds(j * GATHER, GATHER)]],
                       rows_b.at[buf, pl.ds(j * GATHER, GATHER)], sem_g.at[buf])

  def drain(buf):
    for j in range(N_GATHERS):
      pltpu.make_async_copy(a_hbm.at[idx0_v.at[buf, pl.ds(j * GATHER, GATHER)]],
                            rows_a.at[buf, pl.ds(j * GATHER, GATHER)],
                            sem_g.at[buf]).wait()
      pltpu.make_async_copy(b_hbm.at[idx1_v.at[buf, pl.ds(j * GATHER, GATHER)]],
                            rows_b.at[buf, pl.ds(j * GATHER, GATHER)],
                            sem_g.at[buf]).wait()

  for b in range(NBUF):
    fire(b, b)

  def body(it, _):
    buf = lax.rem(it, NBUF)
    drain(buf)

    @pl.when(it >= NBUF)
    def _():
      prev_base = wid * N_PER_W + (it - NBUF) * CHUNK
      pltpu.make_async_copy(out_v.at[buf], out_hbm.at[pl.ds(prev_base, CHUNK)],
                            sem_o.at[buf]).wait()

    def blk_body(blk, _):
      r0 = blk * LANES
      o = jnp.zeros((LANES,), jnp.float32)
      for r in range(LANES):
        row_i = r0 + r
        a_lo = rows_a[buf, row_i, pl.ds(0, LANES)]
        a_hi = rows_a[buf, row_i, pl.ds(LANES, LANES)]
        b_lo = rows_b[buf, row_i, pl.ds(0, LANES)]
        b_hi = rows_b[buf, row_i, pl.ds(LANES, LANES)]
        w = a_lo * b_lo + a_hi * b_hi
        for si in shuf_idx:
          w = w + _shuf(w, si)
        o = jnp.where(lane_iota == r, w, o)
      out_v[buf, pl.ds(r0, LANES)] = o
      return 0

    lax.fori_loop(0, CHUNK // LANES, blk_body, 0)
    base = wid * N_PER_W + it * CHUNK
    pltpu.async_copy(out_v.at[buf], out_hbm.at[pl.ds(base, CHUNK)], sem_o.at[buf])

    @pl.when(it + NBUF < N_ITERS)
    def _():
      fire(it + NBUF, buf)
    return 0

  lax.fori_loop(0, N_ITERS, body, 0)
  for b in range(NBUF):
    it = N_ITERS - NBUF + b
    buf = it % NBUF
    base = wid * N_PER_W + it * CHUNK
    pltpu.make_async_copy(out_v.at[buf], out_hbm.at[pl.ds(base, CHUNK)],
                          sem_o.at[buf]).wait()


def kernel(x, A, B):
  if x.dtype != jnp.int32:
    x = x.astype(jnp.int32)

  ap, bp = _tc_repack(A.T, B.T)
  a_lin = ap.reshape(SLOTS, RANK)
  b_lin = bp.reshape(SLOTS, RANK)

  mesh = plsc.VectorSubcoreMesh(core_axis_name="c", subcore_axis_name="s")
  run = pl.kernel(
      _dot_kernel,
      out_type=jax.ShapeDtypeStruct((NNZ,), jnp.float32),
      mesh=mesh,
      scratch_types=[
          pltpu.VMEM((NBUF, CHUNK), jnp.int32),
          pltpu.VMEM((NBUF, CHUNK), jnp.int32),
          pltpu.VMEM((NBUF, CHUNK, RANK), jnp.float32),
          pltpu.VMEM((NBUF, CHUNK, RANK), jnp.float32),
          pltpu.VMEM((NBUF, CHUNK), jnp.float32),
          pltpu.SemaphoreType.DMA((NBUF,)),
          pltpu.SemaphoreType.DMA((NBUF,)),
      ],
      compiler_params=pltpu.CompilerParams(use_tc_tiling_on_sc=False),
  )
  return run(x, a_lin, b_lin)

# --- scband reference (transcript-rebuilt; emitter-appended) ---
"""Pipeline reference for scband-gradient-descent-method-81913616269324 (READ-ONLY COPY).

The authoritative reference and input builder live on the scoring server;
editing this copy changes nothing except your own understanding.
"""

import jax, jax.numpy as jnp
import numpy as np

ROW = 1000000
COL = 1000000
RANK = 32
NNZ = 1048576

def setup_inputs(seed: int = 0) -> dict:
    key = jax.random.key(seed)
    k1, k2, k3 = jax.random.split(key, 3)
    x = jax.random.randint(k1, (2, NNZ), 0, ROW, dtype=jnp.int64)
    A = jax.random.normal(k2, (ROW, RANK), dtype=jnp.float32)
    B = jax.random.normal(k3, (COL, RANK), dtype=jnp.float32)
    return {"x": x, "A": A, "B": B}

def reference(x, A, B):
    # forward: gather rows from A and B embedding tables, then row-wise dot product
    Asel = jnp.take(A, x[0], axis=0)          # [NNZ, RANK]
    Bsel = jnp.take(B, x[1], axis=0)          # [NNZ, RANK]
    result = jnp.einsum('ik,ik->i', Asel, Bsel)  # [NNZ]
    return result

if __name__ == "__main__":
    import jax
    _d = setup_inputs()
    print(jax.jit(kernel)(*tuple(_d.values())))

</pallas_src>

<mosaic_0001>
#map = affine_map<(d0, d1) -> (0, 0)>
#map1 = affine_map<(d0, d1) -> (0)>
module attributes {stable_mosaic.version = 14 : i64} {
  func.func @_dot_kernel(%arg0: i32, %arg1: i32, %arg2: memref<2x1048576xi32, #tpu.memory_space<hbm>>, %arg3: memref<1015808x32xf32, #tpu.memory_space<hbm>>, %arg4: memref<1015808x32xf32, #tpu.memory_space<hbm>>, %arg5: memref<1048576xf32, #tpu.memory_space<hbm>>, %arg6: memref<2x512xi32, #tpu.memory_space<vmem>>, %arg7: memref<2x512xi32, #tpu.memory_space<vmem>>, %arg8: memref<2x512x32xf32, #tpu.memory_space<vmem>>, %arg9: memref<2x512x32xf32, #tpu.memory_space<vmem>>, %arg10: memref<2x512xf32, #tpu.memory_space<vmem>>, %arg11: memref<2x!tpu.dma_semaphore, #tpu.memory_space<semaphore_mem>>, %arg12: memref<2x!tpu.dma_semaphore, #tpu.memory_space<semaphore_mem>>) attributes {dimension_semantics = [#tpu.dimension_semantics<core_parallel>, #tpu.dimension_semantics<subcore_parallel>], iteration_bounds = array<i64: 2, 16>, scalar_prefetch = 0 : i64, scratch_operands = 7 : i64, tpu.core_type = #tpu.core_type<sc_vector_subcore>, window_params = [{transform_indices = #map}, {transform_indices = #map}, {transform_indices = #map}, {transform_indices = #map1}]} {
    %mul3A = arith.constant 2 : i32
    %mul3A_0 = arith.muli %arg1, %mul3A : i32
    %add3A = arith.addi %mul3A_0, %arg0 : i32
    %iota3A = tpu.iota {dimensions = array<i32: 0>} : vector<16xi32>
    %xor3A = arith.constant 8 : i32
    %xor3A_1 = vector.broadcast %xor3A : i32 to vector<16xi32>
    %xor3A_2 = arith.xori %iota3A, %xor3A_1 : vector<16xi32>
    %xor3A_3 = arith.constant 4 : i32
    %xor3A_4 = vector.broadcast %xor3A_3 : i32 to vector<16xi32>
    %xor3A_5 = arith.xori %iota3A, %xor3A_4 : vector<16xi32>
    %xor3A_6 = arith.constant 2 : i32
    %xor3A_7 = vector.broadcast %xor3A_6 : i32 to vector<16xi32>
    %xor3A_8 = arith.xori %iota3A, %xor3A_7 : vector<16xi32>
    %xor3A_9 = arith.constant 1 : i32
    %xor3A_10 = vector.broadcast %xor3A_9 : i32 to vector<16xi32>
    %xor3A_11 = arith.xori %iota3A, %xor3A_10 : vector<16xi32>
    %mul3A_12 = arith.constant 32768 : i32
    %mul3A_13 = arith.muli %add3A, %mul3A_12 : i32
    %add3A_14 = arith.constant 0 : i32
    %add3A_15 = arith.addi %mul3A_13, %add3A_14 : i32
    %multiple_of3A = tpu.assume_multiple %add3A_15, 512 : i32
    %run_scoped3A = arith.constant 0 : i32
    %run_scoped3A_16 = arith.constant 0 : i32
    "tpu.region"() ({
      %run_scoped3A_318 = tpu.sem_alloc : memref<!tpu.dma_semaphore, #tpu.memory_space<semaphore_mem>>
      %dma_start3A_319 = arith.constant 0 : i32
      %dma_start3A_320 = tpu.memref_slice %arg6[%run_scoped3A_16, %dma_start3A_319] : memref<2x512xi32, #tpu.memory_space<vmem>> -> memref<1x512xi32, #tpu.memory_space<vmem>>
      %dma_start3A_321 = tpu.memref_squeeze %dma_start3A_320 : memref<1x512xi32, #tpu.memory_space<vmem>> -> memref<512xi32, #tpu.memory_space<vmem>>
      %dma_start3A_322 = tpu.memref_slice %arg2[%run_scoped3A, %multiple_of3A] : memref<2x1048576xi32, #tpu.memory_space<hbm>> -> memref<1x512xi32, #tpu.memory_space<hbm>>
      %dma_start3A_323 = tpu.memref_squeeze %dma_start3A_322 : memref<1x512xi32, #tpu.memory_space<hbm>> -> memref<512xi32, #tpu.memory_space<hbm>>
      %dma_start3A_324 = arith.constant 0 : i32
      %dma_start3A_325 = tpu.memref_slice %arg6[%run_scoped3A_16, %dma_start3A_324] : memref<2x512xi32, #tpu.memory_space<vmem>> -> memref<1x512xi32, #tpu.memory_space<vmem>>
      %dma_start3A_326 = tpu.memref_squeeze %dma_start3A_325 : memref<1x512xi32, #tpu.memory_space<vmem>> -> memref<512xi32, #tpu.memory_space<vmem>>
      %dma_start3A_327 = tpu.memref_slice %arg2[%run_scoped3A, %multiple_of3A] : memref<2x1048576xi32, #tpu.memory_space<hbm>> -> memref<1x512xi32, #tpu.memory_space<hbm>>
      %dma_start3A_328 = tpu.memref_squeeze %dma_start3A_327 : memref<1x512xi32, #tpu.memory_space<hbm>> -> memref<512xi32, #tpu.memory_space<hbm>>
      tpu.enqueue_dma source(%dma_start3A_328 : memref<512xi32, #tpu.memory_space<hbm>>) target(%dma_start3A_326 : memref<512xi32, #tpu.memory_space<vmem>>) target_semaphore(%run_scoped3A_318 : memref<!tpu.dma_semaphore, #tpu.memory_space<semaphore_mem>>)
      %dma_wait3A_329 = arith.constant 0 : i32
      %dma_wait3A_330 = tpu.memref_slice %arg6[%run_scoped3A_16, %dma_wait3A_329] : memref<2x512xi32, #tpu.memory_space<vmem>> -> memref<1x512xi32, #tpu.memory_space<vmem>>
      %dma_wait3A_331 = tpu.memref_squeeze %dma_wait3A_330 : memref<1x512xi32, #tpu.memory_space<vmem>> -> memref<512xi32, #tpu.memory_space<vmem>>
      %dma_wait3A_332 = tpu.memref_slice %arg2[%run_scoped3A, %multiple_of3A] : memref<2x1048576xi32, #tpu.memory_space<hbm>> -> memref<1x512xi32, #tpu.memory_space<hbm>>
      %dma_wait3A_333 = tpu.memref_squeeze %dma_wait3A_332 : memref<1x512xi32, #tpu.memory_space<hbm>> -> memref<512xi32, #tpu.memory_space<hbm>>
      %dma_wait3A_334 = arith.constant 0 : i32
      %dma_wait3A_335 = tpu.memref_slice %arg6[%run_scoped3A_16, %dma_wait3A_334] : memref<2x512xi32, #tpu.memory_space<vmem>> -> memref<1x512xi32, #tpu.memory_space<vmem>>
      %dma_wait3A_336 = tpu.memref_squeeze %dma_wait3A_335 : memref<1x512xi32, #tpu.memory_space<vmem>> -> memref<512xi32, #tpu.memory_space<vmem>>
      %dma_wait3A_337 = tpu.memref_slice %arg2[%run_scoped3A, %multiple_of3A] : memref<2x1048576xi32, #tpu.memory_space<hbm>> -> memref<1x512xi32, #tpu.memory_space<hbm>>
      %dma_wait3A_338 = tpu.memref_squeeze %dma_wait3A_337 : memref<1x512xi32, #tpu.memory_space<hbm>> -> memref<512xi32, #tpu.memory_space<hbm>>
      tpu.wait_dma2 semaphore(%run_scoped3A_318 : memref<!tpu.dma_semaphore, #tpu.memory_space<semaphore_mem>>) src(%dma_wait3A_338 : memref<512xi32, #tpu.memory_space<hbm>>) dst(%dma_wait3A_336 : memref<512xi32, #tpu.memory_space<vmem>>)
      tpu.yield
    }) : () -> ()
    %run_scoped3A_17 = arith.constant 1 : i32
    %run_scoped3A_18 = arith.constant 0 : i32
    "tpu.region"() ({
      %run_scoped3A_318 = tpu.sem_alloc : memref<!tpu.dma_semaphore, #tpu.memory_space<semaphore_mem>>
      %dma_start3A_319 = arith.constant 0 : i32
      %dma_start3A_320 = tpu.memref_slice %arg7[%run_scoped3A_18, %dma_start3A_319] : memref<2x512xi32, #tpu.memory_space<vmem>> -> memref<1x512xi32, #tpu.memory_space<vmem>>
      %dma_start3A_321 = tpu.memref_squeeze %dma_start3A_320 : memref<1x512xi32, #tpu.memory_space<vmem>> -> memref<512xi32, #tpu.memory_space<vmem>>
      %dma_start3A_322 = tpu.memref_slice %arg2[%run_scoped3A_17, %multiple_of3A] : memref<2x1048576xi32, #tpu.memory_space<hbm>> -> memref<1x512xi32, #tpu.memory_space<hbm>>
      %dma_start3A_323 = tpu.memref_squeeze %dma_start3A_322 : memref<1x512xi32, #tpu.memory_space<hbm>> -> memref<512xi32, #tpu.memory_space<hbm>>
      %dma_start3A_324 = arith.constant 0 : i32
      %dma_start3A_325 = tpu.memref_slice %arg7[%run_scoped3A_18, %dma_start3A_324] : memref<2x512xi32, #tpu.memory_space<vmem>> -> memref<1x512xi32, #tpu.memory_space<vmem>>
      %dma_start3A_326 = tpu.memref_squeeze %dma_start3A_325 : memref<1x512xi32, #tpu.memory_space<vmem>> -> memref<512xi32, #tpu.memory_space<vmem>>
      %dma_start3A_327 = tpu.memref_slice %arg2[%run_scoped3A_17, %multiple_of3A] : memref<2x1048576xi32, #tpu.memory_space<hbm>> -> memref<1x512xi32, #tpu.memory_space<hbm>>
      %dma_start3A_328 = tpu.memref_squeeze %dma_start3A_327 : memref<1x512xi32, #tpu.memory_space<hbm>> -> memref<512xi32, #tpu.memory_space<hbm>>
      tpu.enqueue_dma source(%dma_start3A_328 : memref<512xi32, #tpu.memory_space<hbm>>) target(%dma_start3A_326 : memref<512xi32, #tpu.memory_space<vmem>>) target_semaphore(%run_scoped3A_318 : memref<!tpu.dma_semaphore, #tpu.memory_space<semaphore_mem>>)
      %dma_wait3A_329 = arith.constant 0 : i32
      %dma_wait3A_330 = tpu.memref_slice %arg7[%run_scoped3A_18, %dma_wait3A_329] : memref<2x512xi32, #tpu.memory_space<vmem>> -> memref<1x512xi32, #tpu.memory_space<vmem>>
      %dma_wait3A_331 = tpu.memref_squeeze %dma_wait3A_330 : memref<1x512xi32, #tpu.memory_space<vmem>> -> memref<512xi32, #tpu.memory_space<vmem>>
      %dma_wait3A_332 = tpu.memref_slice %arg2[%run_scoped3A_17, %multiple_of3A] : memref<2x1048576xi32, #tpu.memory_space<hbm>> -> memref<1x512xi32, #tpu.memory_space<hbm>>
      %dma_wait3A_333 = tpu.memref_squeeze %dma_wait3A_332 : memref<1x512xi32, #tpu.memory_space<hbm>> -> memref<512xi32, #tpu.memory_space<hbm>>
      %dma_wait3A_334 = arith.constant 0 : i32
      %dma_wait3A_335 = tpu.memref_slice %arg7[%run_scoped3A_18, %dma_wait3A_334] : memref<2x512xi32, #tpu.memory_space<vmem>> -> memref<1x512xi32, #tpu.memory_space<vmem>>
      %dma_wait3A_336 = tpu.memref_squeeze %dma_wait3A_335 : memref<1x512xi32, #tpu.memory_space<vmem>> -> memref<512xi32, #tpu.memory_space<vmem>>
      %dma_wait3A_337 = tpu.memref_slice %arg2[%run_scoped3A_17, %multiple_of3A] : memref<2x1048576xi32, #tpu.memory_space<hbm>> -> memref<1x512xi32, #tpu.memory_space<hbm>>
      %dma_wait3A_338 = tpu.memref_squeeze %dma_wait3A_337 : memref<1x512xi32, #tpu.memory_space<hbm>> -> memref<512xi32, #tpu.memory_space<hbm>>
      tpu.wait_dma2 semaphore(%run_scoped3A_318 : memref<!tpu.dma_semaphore, #tpu.memory_space<semaphore_mem>>) src(%dma_wait3A_338 : memref<512xi32, #tpu.memory_space<hbm>>) dst(%dma_wait3A_336 : memref<512xi32, #tpu.memory_space<vmem>>)
      tpu.yield
    }) : () -> ()
    %scan3A = arith.constant 0 : i32
    %scan3A_19 = arith.constant 0 : i32
    %scan3A_20 = arith.constant 32 : i32
    %scan3A_21 = arith.addi %scan3A_19, %scan3A_20 : i32
    %scan3A_22 = arith.constant 1 : i32
    %scan3A_23 = scf.for %scan3A_318 = %scan3A_19 to %scan3A_21 step %scan3A_22 iter_args(%scan3A_319 = %scan3A) -> (i32)  : i32 {
      %mul3A_320 = arith.constant 16 : i32
      %mul3A_321 = arith.muli %scan3A_318, %mul3A_320 : i32
      %get3A = arith.constant 0 : i32
      %get3A_322 = arith.index_cast %get3A : i32 to index
      %get3A_323 = arith.index_cast %mul3A_321 : i32 to index
      %get3A_324 = tpu.vector_load %arg6[%get3A_322, %get3A_323] {strides = array<i32>} : memref<2x512xi32, #tpu.memory_space<vmem>>, vector<1x16xi32>,
      %get3A_325 = vector.shape_cast %get3A_324 : vector<1x16xi32> to vector<16xi32>
      %and3A = arith.constant -16384 : i32
      %and3A_326 = vector.broadcast %and3A : i32 to vector<16xi32>
      %and3A_327 = arith.andi %get3A_325, %and3A_326 : vector<16xi32>
      %and3A_328 = arith.constant 4095 : i32
      %and3A_329 = vector.broadcast %and3A_328 : i32 to vector<16xi32>
      %and3A_330 = arith.andi %get3A_325, %and3A_329 : vector<16xi32>
      %shift_left3A = arith.constant 2 : i32
      %shift_left3A_331 = vector.broadcast %shift_left3A : i32 to vector<16xi32>
      %shift_left3A_332 = arith.shli %and3A_330, %shift_left3A_331 : vector<16xi32>
      %or3A = arith.ori %and3A_327, %shift_left3A_332 : vector<16xi32>
      %and3A_333 = arith.constant 16383 : i32
      %and3A_334 = vector.broadcast %and3A_333 : i32 to vector<16xi32>
      %and3A_335 = arith.andi %get3A_325, %and3A_334 : vector<16xi32>
      %shift_right_arithmetic3A = arith.constant 12 : i32
      %shift_right_arithmetic3A_336 = vector.broadcast %shift_right_arithmetic3A : i32 to vector<16xi32>
      %shift_right_arithmetic3A_337 = arith.shrsi %and3A_335, %shift_right_arithmetic3A_336 : vector<16xi32>
      %or3A_338 = arith.ori %or3A, %shift_right_arithmetic3A_337 : vector<16xi32>
      %swap3A = arith.constant 0 : i32
      %swap3A_339 = arith.index_cast %swap3A : i32 to index
      %swap3A_340 = arith.index_cast %mul3A_321 : i32 to index
      %swap3A_341 = tpu.vector_load %arg6[%swap3A_339, %swap3A_340] {strides = array<i32>} : memref<2x512xi32, #tpu.memory_space<vmem>>, vector<1x16xi32>,
      %swap3A_342 = vector.shape_cast %swap3A_341 : vector<1x16xi32> to vector<16xi32>
      %swap3A_343 = vector.shape_cast %or3A_338 : vector<16xi32> to vector<1x16xi32>
      tpu.vector_store %arg6[%swap3A_339, %swap3A_340], %swap3A_343 {strides = array<i32>} : memref<2x512xi32, #tpu.memory_space<vmem>>, vector<1x16xi32>,
      %get3A_344 = arith.constant 0 : i32
      %get3A_345 = arith.index_cast %get3A_344 : i32 to index
      %get3A_346 = arith.index_cast %mul3A_321 : i32 to index
      %get3A_347 = tpu.vector_load %arg7[%get3A_345, %get3A_346] {strides = array<i32>} : memref<2x512xi32, #tpu.memory_space<vmem>>, vector<1x16xi32>,
      %get3A_348 = vector.shape_cast %get3A_347 : vector<1x16xi32> to vector<16xi32>
      %and3A_349 = arith.constant -16384 : i32
      %and3A_350 = vector.broadcast %and3A_349 : i32 to vector<16xi32>
      %and3A_351 = arith.andi %get3A_348, %and3A_350 : vector<16xi32>
      %and3A_352 = arith.constant 4095 : i32
      %and3A_353 = vector.broadcast %and3A_352 : i32 to vector<16xi32>
      %and3A_354 = arith.andi %get3A_348, %and3A_353 : vector<16xi32>
      %shift_left3A_355 = arith.constant 2 : i32
      %shift_left3A_356 = vector.broadcast %shift_left3A_355 : i32 to vector<16xi32>
      %shift_left3A_357 = arith.shli %and3A_354, %shift_left3A_356 : vector<16xi32>
      %or3A_358 = arith.ori %and3A_351, %shift_left3A_357 : vector<16xi32>
      %and3A_359 = arith.constant 16383 : i32
      %and3A_360 = vector.broadcast %and3A_359 : i32 to vector<16xi32>
      %and3A_361 = arith.andi %get3A_348, %and3A_360 : vector<16xi32>
      %shift_right_arithmetic3A_362 = arith.constant 12 : i32
      %shift_right_arithmetic3A_363 = vector.broadcast %shift_right_arithmetic3A_362 : i32 to vector<16xi32>
      %shift_right_arithmetic3A_364 = arith.shrsi %and3A_361, %shift_right_arithmetic3A_363 : vector<16xi32>
      %or3A_365 = arith.ori %or3A_358, %shift_right_arithmetic3A_364 : vector<16xi32>
      %swap3A_366 = arith.constant 0 : i32
      %swap3A_367 = arith.index_cast %swap3A_366 : i32 to index
      %swap3A_368 = arith.index_cast %mul3A_321 : i32 to index
      %swap3A_369 = tpu.vector_load %arg7[%swap3A_367, %swap3A_368] {strides = array<i32>} : memref<2x512xi32, #tpu.memory_space<vmem>>, vector<1x16xi32>,
      %swap3A_370 = vector.shape_cast %swap3A_369 : vector<1x16xi32> to vector<16xi32>
      %swap3A_371 = vector.shape_cast %or3A_365 : vector<16xi32> to vector<1x16xi32>
      tpu.vector_store %arg7[%swap3A_367, %swap3A_368], %swap3A_371 {strides = array<i32>} : memref<2x512xi32, #tpu.memory_space<vmem>>, vector<1x16xi32>,
      %scan3A_372 = arith.constant 0 : i32
      scf.yield %scan3A_372 : i32
    }
    %scan3A_24 = arith.constant 32 : i32
    %dma_start3A = arith.constant 0 : i32
    %dma_start3A_25 = arith.constant 0 : i32
    %dma_start3A_26 = arith.constant 0 : i32
    %dma_start3A_27 = arith.constant 0 : i32
    %dma_start3A_28 = arith.constant 0 : i32
    %dma_start3A_29 = tpu.memref_slice %arg8[%dma_start3A_25, %dma_start3A_27, %dma_start3A_28] : memref<2x512x32xf32, #tpu.memory_space<vmem>> -> memref<1x128x32xf32, #tpu.memory_space<vmem>>
    %dma_start3A_30 = tpu.memref_squeeze %dma_start3A_29 : memref<1x128x32xf32, #tpu.memory_space<vmem>> -> memref<128x32xf32, #tpu.memory_space<vmem>>
    %dma_start3A_31 = arith.constant 0 : i32
    %dma_start3A_32 = tpu.memref_slice %arg6[%dma_start3A, %dma_start3A_31] : memref<2x512xi32, #tpu.memory_space<vmem>> -> memref<1x128xi32, #tpu.memory_space<vmem>>
    %dma_start3A_33 = tpu.memref_squeeze %dma_start3A_32 : memref<1x128xi32, #tpu.memory_space<vmem>> -> memref<128xi32, #tpu.memory_space<vmem>>
    %dma_start3A_34 = arith.constant 0 : i32
    %dma_start3A_35 = arith.constant 0 : i32
    %dma_start3A_36 = tpu.memref_slice %arg3[%dma_start3A_34, %dma_start3A_35] : memref<1015808x32xf32, #tpu.memory_space<hbm>> -> memref<1015808x32xf32, #tpu.memory_space<hbm>>
    %dma_start3A_37 = tpu.memref_slice %arg11[%dma_start3A_26] : memref<2x!tpu.dma_semaphore, #tpu.memory_space<semaphore_mem>> -> memref<1x!tpu.dma_semaphore, #tpu.memory_space<semaphore_mem>>
    %dma_start3A_38 = tpu.memref_squeeze %dma_start3A_37 : memref<1x!tpu.dma_semaphore, #tpu.memory_space<semaphore_mem>> -> memref<!tpu.dma_semaphore, #tpu.memory_space<semaphore_mem>>
    tpu.enqueue_indirect_dma source(%dma_start3A_36 : memref<1015808x32xf32, #tpu.memory_space<hbm>>) target(%dma_start3A_30 : memref<128x32xf32, #tpu.memory_space<vmem>>) offsets(%dma_start3A_33 : memref<128xi32, #tpu.memory_space<vmem>>) semaphore(%dma_start3A_38 : memref<!tpu.dma_semaphore, #tpu.memory_space<semaphore_mem>>)
    %dma_start3A_39 = arith.constant 0 : i32
    %dma_start3A_40 = arith.constant 0 : i32
    %dma_start3A_41 = arith.constant 0 : i32
    %dma_start3A_42 = arith.constant 0 : i32
    %dma_start3A_43 = arith.constant 0 : i32
    %dma_start3A_44 = tpu.memref_slice %arg9[%dma_start3A_40, %dma_start3A_42, %dma_start3A_43] : memref<2x512x32xf32, #tpu.memory_space<vmem>> -> memref<1x128x32xf32, #tpu.memory_space<vmem>>
    %dma_start3A_45 = tpu.memref_squeeze %dma_start3A_44 : memref<1x128x32xf32, #tpu.memory_space<vmem>> -> memref<128x32xf32, #tpu.memory_space<vmem>>
    %dma_start3A_46 = arith.constant 0 : i32
    %dma_start3A_47 = tpu.memref_slice %arg7[%dma_start3A_39, %dma_start3A_46] : memref<2x512xi32, #tpu.memory_space<vmem>> -> memref<1x128xi32, #tpu.memory_space<vmem>>
    %dma_start3A_48 = tpu.memref_squeeze %dma_start3A_47 : memref<1x128xi32, #tpu.memory_space<vmem>> -> memref<128xi32, #tpu.memory_space<vmem>>
    %dma_start3A_49 = arith.constant 0 : i32
    %dma_start3A_50 = arith.constant 0 : i32
    %dma_start3A_51 = tpu.memref_slice %arg4[%dma_start3A_49, %dma_start3A_50] : memref<1015808x32xf32, #tpu.memory_space<hbm>> -> memref<1015808x32xf32, #tpu.memory_space<hbm>>
    %dma_start3A_52 = tpu.memref_slice %arg11[%dma_start3A_41] : memref<2x!tpu.dma_semaphore, #tpu.memory_space<semaphore_mem>> -> memref<1x!tpu.dma_semaphore, #tpu.memory_space<semaphore_mem>>
    %dma_start3A_53 = tpu.memref_squeeze %dma_start3A_52 : memref<1x!tpu.dma_semaphore, #tpu.memory_space<semaphore_mem>> -> memref<!tpu.dma_semaphore, #tpu.memory_space<semaphore_mem>>
    tpu.enqueue_indirect_dma source(%dma_start3A_51 : memref<1015808x32xf32, #tpu.memory_space<hbm>>) target(%dma_start3A_45 : memref<128x32xf32, #tpu.memory_space<vmem>>) offsets(%dma_start3A_48 : memref<128xi32, #tpu.memory_space<vmem>>) semaphore(%dma_start3A_53 : memref<!tpu.dma_semaphore, #tpu.memory_space<semaphore_mem>>)
    %dma_start3A_54 = arith.constant 0 : i32
    %dma_start3A_55 = arith.constant 0 : i32
    %dma_start3A_56 = arith.constant 0 : i32
    %dma_start3A_57 = arith.constant 128 : i32
    %dma_start3A_58 = arith.constant 0 : i32
    %dma_start3A_59 = tpu.memref_slice %arg8[%dma_start3A_55, %dma_start3A_57, %dma_start3A_58] : memref<2x512x32xf32, #tpu.memory_space<vmem>> -> memref<1x128x32xf32, #tpu.memory_space<vmem>>
    %dma_start3A_60 = tpu.memref_squeeze %dma_start3A_59 : memref<1x128x32xf32, #tpu.memory_space<vmem>> -> memref<128x32xf32, #tpu.memory_space<vmem>>
    %dma_start3A_61 = arith.constant 128 : i32
    %dma_start3A_62 = tpu.memref_slice %arg6[%dma_start3A_54, %dma_start3A_61] : memref<2x512xi32, #tpu.memory_space<vmem>> -> memref<1x128xi32, #tpu.memory_space<vmem>>
    %dma_start3A_63 = tpu.memref_squeeze %dma_start3A_62 : memref<1x128xi32, #tpu.memory_space<vmem>> -> memref<128xi32, #tpu.memory_space<vmem>>
    %dma_start3A_64 = arith.constant 0 : i32
    %dma_start3A_65 = arith.constant 0 : i32
    %dma_start3A_66 = tpu.memref_slice %arg3[%dma_start3A_64, %dma_start3A_65] : memref<1015808x32xf32, #tpu.memory_space<hbm>> -> memref<1015808x32xf32, #tpu.memory_space<hbm>>
    %dma_start3A_67 = tpu.memref_slice %arg11[%dma_start3A_56] : memref<2x!tpu.dma_semaphore, #tpu.memory_space<semaphore_mem>> -> memref<1x!tpu.dma_semaphore, #tpu.memory_space<semaphore_mem>>
    %dma_start3A_68 = tpu.memref_squeeze %dma_start3A_67 : memref<1x!tpu.dma_semaphore, #tpu.memory_space<semaphore_mem>> -> memref<!tpu.dma_semaphore, #tpu.memory_space<semaphore_mem>>
    tpu.enqueue_indirect_dma source(%dma_start3A_66 : memref<1015808x32xf32, #tpu.memory_space<hbm>>) target(%dma_start3A_60 : memref<128x32xf32, #tpu.memory_space<vmem>>) offsets(%dma_start3A_63 : memref<128xi32, #tpu.memory_space<vmem>>) semaphore(%dma_start3A_68 : memref<!tpu.dma_semaphore, #tpu.memory_space<semaphore_mem>>)
    %dma_start3A_69 = arith.constant 0 : i32
    %dma_start3A_70 = arith.constant 0 : i32
    %dma_start3A_71 = arith.constant 0 : i32
    %dma_start3A_72 = arith.constant 128 : i32
    %dma_start3A_73 = arith.constant 0 : i32
    %dma_start3A_74 = tpu.memref_slice %arg9[%dma_start3A_70, %dma_start3A_72, %dma_start3A_73] : memref<2x512x32xf32, #tpu.memory_space<vmem>> -> memref<1x128x32xf32, #tpu.memory_space<vmem>>
    %dma_start3A_75 = tpu.memref_squeeze %dma_start3A_74 : memref<1x128x32xf32, #tpu.memory_space<vmem>> -> memref<128x32xf32, #tpu.memory_space<vmem>>
    %dma_start3A_76 = arith.constant 128 : i32
    %dma_start3A_77 = tpu.memref_slice %arg7[%dma_start3A_69, %dma_start3A_76] : memref<2x512xi32, #tpu.memory_space<vmem>> -> memref<1x128xi32, #tpu.memory_space<vmem>>
    %dma_start3A_78 = tpu.memref_squeeze %dma_start3A_77 : memref<1x128xi32, #tpu.memory_space<vmem>> -> memref<128xi32, #tpu.memory_space<vmem>>
    %dma_start3A_79 = arith.constant 0 : i32
    %dma_start3A_80 = arith.constant 0 : i32
    %dma_start3A_81 = tpu.memref_slice %arg4[%dma_start3A_79, %dma_start3A_80] : memref<1015808x32xf32, #tpu.memory_space<hbm>> -> memref<1015808x32xf32, #tpu.memory_space<hbm>>
    %dma_start3A_82 = tpu.memref_slice %arg11[%dma_start3A_71] : memref<2x!tpu.dma_semaphore, #tpu.memory_space<semaphore_mem>> -> memref<1x!tpu.dma_semaphore, #tpu.memory_space<semaphore_mem>>
    %dma_start3A_83 = tpu.memref_squeeze %dma_start3A_82 : memref<1x!tpu.dma_semaphore, #tpu.memory_space<semaphore_mem>> -> memref<!tpu.dma_semaphore, #tpu.memory_space<semaphore_mem>>
    tpu.enqueue_indirect_dma source(%dma_start3A_81 : memref<1015808x32xf32, #tpu.memory_space<hbm>>) target(%dma_start3A_75 : memref<128x32xf32, #tpu.memory_space<vmem>>) offsets(%dma_start3A_78 : memref<128xi32, #tpu.memory_space<vmem>>) semaphore(%dma_start3A_83 : memref<!tpu.dma_semaphore, #tpu.memory_space<semaphore_mem>>)
    %dma_start3A_84 = arith.constant 0 : i32
    %dma_start3A_85 = arith.constant 0 : i32
    %dma_start3A_86 = arith.constant 0 : i32
    %dma_start3A_87 = arith.constant 256 : i32
    %dma_start3A_88 = arith.constant 0 : i32
    %dma_start3A_89 = tpu.memref_slice %arg8[%dma_start3A_85, %dma_start3A_87, %dma_start3A_88] : memref<2x512x32xf32, #tpu.memory_space<vmem>> -> memref<1x128x32xf32, #tpu.memory_space<vmem>>
    %dma_start3A_90 = tpu.memref_squeeze %dma_start3A_89 : memref<1x128x32xf32, #tpu.memory_space<vmem>> -> memref<128x32xf32, #tpu.memory_space<vmem>>
    %dma_start3A_91 = arith.constant 256 : i32
    %dma_start3A_92 = tpu.memref_slice %arg6[%dma_start3A_84, %dma_start3A_91] : memref<2x512xi32, #tpu.memory_space<vmem>> -> memref<1x128xi32, #tpu.memory_space<vmem>>
    %dma_start3A_93 = tpu.memref_squeeze %dma_start3A_92 : memref<1x128xi32, #tpu.memory_space<vmem>> -> memref<128xi32, #tpu.memory_space<vmem>>
    %dma_start3A_94 = arith.constant 0 : i32
    %dma_start3A_95 = arith.constant 0 : i32
    %dma_start3A_96 = tpu.memref_slice %arg3[%dma_start3A_94, %dma_start3A_95] : memref<1015808x32xf32, #tpu.memory_space<hbm>> -> memref<1015808x32xf32, #tpu.memory_space<hbm>>
    %dma_start3A_97 = tpu.memref_slice %arg11[%dma_start3A_86] : memref<2x!tpu.dma_semaphore, #tpu.memory_space<semaphore_mem>> -> memref<1x!tpu.dma_semaphore, #tpu.memory_space<semaphore_mem>>
    %dma_start3A_98 = tpu.memref_squeeze %dma_start3A_97 : memref<1x!tpu.dma_semaphore, #tpu.memory_space<semaphore_mem>> -> memref<!tpu.dma_semaphore, #tpu.memory_space<semaphore_mem>>
    tpu.enqueue_indirect_dma source(%dma_start3A_96 : memref<1015808x32xf32, #tpu.memory_space<hbm>>) target(%dma_start3A_90 : memref<128x32xf32, #tpu.memory_space<vmem>>) offsets(%dma_start3A_93 : memref<128xi32, #tpu.memory_space<vmem>>) semaphore(%dma_start3A_98 : memref<!tpu.dma_semaphore, #tpu.memory_space<semaphore_mem>>)
    %dma_start3A_99 = arith.constant 0 : i32
    %dma_start3A_100 = arith.constant 0 : i32
    %dma_start3A_101 = arith.constant 0 : i32
    %dma_start3A_102 = arith.constant 256 : i32
    %dma_start3A_103 = arith.constant 0 : i32
    %dma_start3A_104 = tpu.memref_slice %arg9[%dma_start3A_100, %dma_start3A_102, %dma_start3A_103] : memref<2x512x32xf32, #tpu.memory_space<vmem>> -> memref<1x128x32xf32, #tpu.memory_space<vmem>>
    %dma_start3A_105 = tpu.memref_squeeze %dma_start3A_104 : memref<1x128x32xf32, #tpu.memory_space<vmem>> -> memref<128x32xf32, #tpu.memory_space<vmem>>
    %dma_start3A_106 = arith.constant 256 : i32
    %dma_start3A_107 = tpu.memref_slice %arg7[%dma_start3A_99, %dma_start3A_106] : memref<2x512xi32, #tpu.memory_space<vmem>> -> memref<1x128xi32, #tpu.memory_space<vmem>>
    %dma_start3A_108 = tpu.memref_squeeze %dma_start3A_107 : memref<1x128xi32, #tpu.memory_space<vmem>> -> memref<128xi32, #tpu.memory_space<vmem>>
    %dma_start3A_109 = arith.constant 0 : i32
    %dma_start3A_110 = arith.constant 0 : i32
    %dma_start3A_111 = tpu.memref_slice %arg4[%dma_start3A_109, %dma_start3A_110] : memref<1015808x32xf32, #tpu.memory_space<hbm>> -> memref<1015808x32xf32, #tpu.memory_space<hbm>>
    %dma_start3A_112 = tpu.memref_slice %arg11[%dma_start3A_101] : memref<2x!tpu.dma_semaphore, #tpu.memory_space<semaphore_mem>> -> memref<1x!tpu.dma_semaphore, #tpu.memory_space<semaphore_mem>>
    %dma_start3A_113 = tpu.memref_squeeze %dma_start3A_112 : memref<1x!tpu.dma_semaphore, #tpu.memory_space<semaphore_mem>> -> memref<!tpu.dma_semaphore, #tpu.memory_space<semaphore_mem>>
    tpu.enqueue_indirect_dma source(%dma_start3A_111 : memref<1015808x32xf32, #tpu.memory_space<hbm>>) target(%dma_start3A_105 : memref<128x32xf32, #tpu.memory_space<vmem>>) offsets(%dma_start3A_108 : memref<128xi32, #tpu.memory_space<vmem>>) semaphore(%dma_start3A_113 : memref<!tpu.dma_semaphore, #tpu.memory_space<semaphore_mem>>)
    %dma_start3A_114 = arith.constant 0 : i32
    %dma_start3A_115 = arith.constant 0 : i32
    %dma_start3A_116 = arith.constant 0 : i32
    %dma_start3A_117 = arith.constant 384 : i32
    %dma_start3A_118 = arith.constant 0 : i32
    %dma_start3A_119 = tpu.memref_slice %arg8[%dma_start3A_115, %dma_start3A_117, %dma_start3A_118] : memref<2x512x32xf32, #tpu.memory_space<vmem>> -> memref<1x128x32xf32, #tpu.memory_space<vmem>>
    %dma_start3A_120 = tpu.memref_squeeze %dma_start3A_119 : memref<1x128x32xf32, #tpu.memory_space<vmem>> -> memref<128x32xf32, #tpu.memory_space<vmem>>
    %dma_start3A_121 = arith.constant 384 : i32
    %dma_start3A_122 = tpu.memref_slice %arg6[%dma_start3A_114, %dma_start3A_121] : memref<2x512xi32, #tpu.memory_space<vmem>> -> memref<1x128xi32, #tpu.memory_space<vmem>>
    %dma_start3A_123 = tpu.memref_squeeze %dma_start3A_122 : memref<1x128xi32, #tpu.memory_space<vmem>> -> memref<128xi32, #tpu.memory_space<vmem>>
    %dma_start3A_124 = arith.constant 0 : i32
    %dma_start3A_125 = arith.constant 0 : i32
    %dma_start3A_126 = tpu.memref_slice %arg3[%dma_start3A_124, %dma_start3A_125] : memref<1015808x32xf32, #tpu.memory_space<hbm>> -> memref<1015808x32xf32, #tpu.memory_space<hbm>>
    %dma_start3A_127 = tpu.memref_slice %arg11[%dma_start3A_116] : memref<2x!tpu.dma_semaphore, #tpu.memory_space<semaphore_mem>> -> memref<1x!tpu.dma_semaphore, #tpu.memory_space<semaphore_mem>>
    %dma_start3A_128 = tpu.memref_squeeze %dma_start3A_127 : memref<1x!tpu.dma_semaphore, #tpu.memory_space<semaphore_mem>> -> memref<!tpu.dma_semaphore, #tpu.memory_space<semaphore_mem>>
    tpu.enqueue_indirect_dma source(%dma_start3A_126 : memref<1015808x32xf32, #tpu.memory_space<hbm>>) target(%dma_start3A_120 : memref<128x32xf32, #tpu.memory_space<vmem>>) offsets(%dma_start3A_123 : memref<128xi32, #tpu.memory_space<vmem>>) semaphore(%dma_start3A_128 : memref<!tpu.dma_semaphore, #tpu.memory_space<semaphore_mem>>)
    %dma_start3A_129 = arith.constant 0 : i32
    %dma_start3A_130 = arith.constant 0 : i32
    %dma_start3A_131 = arith.constant 0 : i32
    %dma_start3A_132 = arith.constant 384 : i32
    %dma_start3A_133 = arith.constant 0 : i32
    %dma_start3A_134 = tpu.memref_slice %arg9[%dma_start3A_130, %dma_start3A_132, %dma_start3A_133] : memref<2x512x32xf32, #tpu.memory_space<vmem>> -> memref<1x128x32xf32, #tpu.memory_space<vmem>>
    %dma_start3A_135 = tpu.memref_squeeze %dma_start3A_134 : memref<1x128x32xf32, #tpu.memory_space<vmem>> -> memref<128x32xf32, #tpu.memory_space<vmem>>
    %dma_start3A_136 = arith.constant 384 : i32
    %dma_start3A_137 = tpu.memref_slice %arg7[%dma_start3A_129, %dma_start3A_136] : memref<2x512xi32, #tpu.memory_space<vmem>> -> memref<1x128xi32, #tpu.memory_space<vmem>>
    %dma_start3A_138 = tpu.memref_squeeze %dma_start3A_137 : memref<1x128xi32, #tpu.memory_space<vmem>> -> memref<128xi32, #tpu.memory_space<vmem>>
    %dma_start3A_139 = arith.constant 0 : i32
    %dma_start3A_140 = arith.constant 0 : i32
    %dma_start3A_141 = tpu.memref_slice %arg4[%dma_start3A_139, %dma_start3A_140] : memref<1015808x32xf32, #tpu.memory_space<hbm>> -> memref<1015808x32xf32, #tpu.memory_space<hbm>>
    %dma_start3A_142 = tpu.memref_slice %arg11[%dma_start3A_131] : memref<2x!tpu.dma_semaphore, #tpu.memory_space<semaphore_mem>> -> memref<1x!tpu.dma_semaphore, #tpu.memory_space<semaphore_mem>>
    %dma_start3A_143 = tpu.memref_squeeze %dma_start3A_142 : memref<1x!tpu.dma_semaphore, #tpu.memory_space<semaphore_mem>> -> memref<!tpu.dma_semaphore, #tpu.memory_space<semaphore_mem>>
    tpu.enqueue_indirect_dma source(%dma_start3A_141 : memref<1015808x32xf32, #tpu.memory_space<hbm>>) target(%dma_start3A_135 : memref<128x32xf32, #tpu.memory_space<vmem>>) offsets(%dma_start3A_138 : memref<128xi32, #tpu.memory_space<vmem>>) semaphore(%dma_start3A_143 : memref<!tpu.dma_semaphore, #tpu.memory_space<semaphore_mem>>)
    %mul3A_144 = arith.constant 32768 : i32
    %mul3A_145 = arith.muli %add3A, %mul3A_144 : i32
    %add3A_146 = arith.constant 512 : i32
    %add3A_147 = arith.addi %mul3A_145, %add3A_146 : i32
    %multiple_of3A_148 = tpu.assume_multiple %add3A_147, 512 : i32
    %run_scoped3A_149 = arith.constant 0 : i32
    %run_scoped3A_150 = arith.constant 1 : i32
    "tpu.region"() ({
      %run_scoped3A_318 = tpu.sem_alloc : memref<!tpu.dma_semaphore, #tpu.memory_space<semaphore_mem>>
      %dma_start3A_319 = arith.constant 0 : i32
      %dma_start3A_320 = tpu.memref_slice %arg6[%run_scoped3A_150, %dma_start3A_319] : memref<2x512xi32, #tpu.memory_space<vmem>> -> memref<1x512xi32, #tpu.memory_space<vmem>>
      %dma_start3A_321 = tpu.memref_squeeze %dma_start3A_320 : memref<1x512xi32, #tpu.memory_space<vmem>> -> memref<512xi32, #tpu.memory_space<vmem>>
      %dma_start3A_322 = tpu.memref_slice %arg2[%run_scoped3A_149, %multiple_of3A_148] : memref<2x1048576xi32, #tpu.memory_space<hbm>> -> memref<1x512xi32, #tpu.memory_space<hbm>>
      %dma_start3A_323 = tpu.memref_squeeze %dma_start3A_322 : memref<1x512xi32, #tpu.memory_space<hbm>> -> memref<512xi32, #tpu.memory_space<hbm>>
      %dma_start3A_324 = arith.constant 0 : i32
      %dma_start3A_325 = tpu.memref_slice %arg6[%run_scoped3A_150, %dma_start3A_324] : memref<2x512xi32, #tpu.memory_space<vmem>> -> memref<1x512xi32, #tpu.memory_space<vmem>>
      %dma_start3A_326 = tpu.memref_squeeze %dma_start3A_325 : memref<1x512xi32, #tpu.memory_space<vmem>> -> memref<512xi32, #tpu.memory_space<vmem>>
      %dma_start3A_327 = tpu.memref_slice %arg2[%run_scoped3A_149, %multiple_of3A_148] : memref<2x1048576xi32, #tpu.memory_space<hbm>> -> memref<1x512xi32, #tpu.memory_space<hbm>>
      %dma_start3A_328 = tpu.memref_squeeze %dma_start3A_327 : memref<1x512xi32, #tpu.memory_space<hbm>> -> memref<512xi32, #tpu.memory_space<hbm>>
      tpu.enqueue_dma source(%dma_start3A_328 : memref<512xi32, #tpu.memory_space<hbm>>) target(%dma_start3A_326 : memref<512xi32, #tpu.memory_space<vmem>>) target_semaphore(%run_scoped3A_318 : memref<!tpu.dma_semaphore, #tpu.memory_space<semaphore_mem>>)
      %dma_wait3A_329 = arith.constant 0 : i32
      %dma_wait3A_330 = tpu.memref_slice %arg6[%run_scoped3A_150, %dma_wait3A_329] : memref<2x512xi32, #tpu.memory_space<vmem>> -> memref<1x512xi32, #tpu.memory_space<vmem>>
      %dma_wait3A_331 = tpu.memref_squeeze %dma_wait3A_330 : memref<1x512xi32, #tpu.memory_space<vmem>> -> memref<512xi32, #tpu.memory_space<vmem>>
      %dma_wait3A_332 = tpu.memref_slice %arg2[%run_scoped3A_149, %multiple_of3A_148] : memref<2x1048576xi32, #tpu.memory_space<hbm>> -> memref<1x512xi32, #tpu.memory_space<hbm>>
      %dma_wait3A_333 = tpu.memref_squeeze %dma_wait3A_332 : memref<1x512xi32, #tpu.memory_space<hbm>> -> memref<512xi32, #tpu.memory_space<hbm>>
      %dma_wait3A_334 = arith.constant 0 : i32
      %dma_wait3A_335 = tpu.memref_slice %arg6[%run_scoped3A_150, %dma_wait3A_334] : memref<2x512xi32, #tpu.memory_space<vmem>> -> memref<1x512xi32, #tpu.memory_space<vmem>>
      %dma_wait3A_336 = tpu.memref_squeeze %dma_wait3A_335 : memref<1x512xi32, #tpu.memory_space<vmem>> -> memref<512xi32, #tpu.memory_space<vmem>>
      %dma_wait3A_337 = tpu.memref_slice %arg2[%run_scoped3A_149, %multiple_of3A_148] : memref<2x1048576xi32, #tpu.memory_space<hbm>> -> memref<1x512xi32, #tpu.memory_space<hbm>>
      %dma_wait3A_338 = tpu.memref_squeeze %dma_wait3A_337 : memref<1x512xi32, #tpu.memory_space<hbm>> -> memref<512xi32, #tpu.memory_space<hbm>>
      tpu.wait_dma2 semaphore(%run_scoped3A_318 : memref<!tpu.dma_semaphore, #tpu.memory_space<semaphore_mem>>) src(%dma_wait3A_338 : memref<512xi32, #tpu.memory_space<hbm>>) dst(%dma_wait3A_336 : memref<512xi32, #tpu.memory_space<vmem>>)
      tpu.yield
    }) : () -> ()
    %run_scoped3A_151 = arith.constant 1 : i32
    %run_scoped3A_152 = arith.constant 1 : i32
    "tpu.region"() ({
      %run_scoped3A_318 = tpu.sem_alloc : memref<!tpu.dma_semaphore, #tpu.memory_space<semaphore_mem>>
      %dma_start3A_319 = arith.constant 0 : i32
      %dma_start3A_320 = tpu.memref_slice %arg7[%run_scoped3A_152, %dma_start3A_319] : memref<2x512xi32, #tpu.memory_space<vmem>> -> memref<1x512xi32, #tpu.memory_space<vmem>>
      %dma_start3A_321 = tpu.memref_squeeze %dma_start3A_320 : memref<1x512xi32, #tpu.memory_space<vmem>> -> memref<512xi32, #tpu.memory_space<vmem>>
      %dma_start3A_322 = tpu.memref_slice %arg2[%run_scoped3A_151, %multiple_of3A_148] : memref<2x1048576xi32, #tpu.memory_space<hbm>> -> memref<1x512xi32, #tpu.memory_space<hbm>>
      %dma_start3A_323 = tpu.memref_squeeze %dma_start3A_322 : memref<1x512xi32, #tpu.memory_space<hbm>> -> memref<512xi32, #tpu.memory_space<hbm>>
      %dma_start3A_324 = arith.constant 0 : i32
      %dma_start3A_325 = tpu.memref_slice %arg7[%run_scoped3A_152, %dma_start3A_324] : memref<2x512xi32, #tpu.memory_space<vmem>> -> memref<1x512xi32, #tpu.memory_space<vmem>>
      %dma_start3A_326 = tpu.memref_squeeze %dma_start3A_325 : memref<1x512xi32, #tpu.memory_space<vmem>> -> memref<512xi32, #tpu.memory_space<vmem>>
      %dma_start3A_327 = tpu.memref_slice %arg2[%run_scoped3A_151, %multiple_of3A_148] : memref<2x1048576xi32, #tpu.memory_space<hbm>> -> memref<1x512xi32, #tpu.memory_space<hbm>>
      %dma_start3A_328 = tpu.memref_squeeze %dma_start3A_327 : memref<1x512xi32, #tpu.memory_space<hbm>> -> memref<512xi32, #tpu.memory_space<hbm>>
      tpu.enqueue_dma source(%dma_start3A_328 : memref<512xi32, #tpu.memory_space<hbm>>) target(%dma_start3A_326 : memref<512xi32, #tpu.memory_space<vmem>>) target_semaphore(%run_scoped3A_318 : memref<!tpu.dma_semaphore, #tpu.memory_space<semaphore_mem>>)
      %dma_wait3A_329 = arith.constant 0 : i32
      %dma_wait3A_330 = tpu.memref_slice %arg7[%run_scoped3A_152, %dma_wait3A_329] : memref<2x512xi32, #tpu.memory_space<vmem>> -> memref<1x512xi32, #tpu.memory_space<vmem>>
      %dma_wait3A_331 = tpu.memref_squeeze %dma_wait3A_330 : memref<1x512xi32, #tpu.memory_space<vmem>> -> memref<512xi32, #tpu.memory_space<vmem>>
      %dma_wait3A_332 = tpu.memref_slice %arg2[%run_scoped3A_151, %multiple_of3A_148] : memref<2x1048576xi32, #tpu.memory_space<hbm>> -> memref<1x512xi32, #tpu.memory_space<hbm>>
      %dma_wait3A_333 = tpu.memref_squeeze %dma_wait3A_332 : memref<1x512xi32, #tpu.memory_space<hbm>> -> memref<512xi32, #tpu.memory_space<hbm>>
      %dma_wait3A_334 = arith.constant 0 : i32
      %dma_wait3A_335 = tpu.memref_slice %arg7[%run_scoped3A_152, %dma_wait3A_334] : memref<2x512xi32, #tpu.memory_space<vmem>> -> memref<1x512xi32, #tpu.memory_space<vmem>>
      %dma_wait3A_336 = tpu.memref_squeeze %dma_wait3A_335 : memref<1x512xi32, #tpu.memory_space<vmem>> -> memref<512xi32, #tpu.memory_space<vmem>>
      %dma_wait3A_337 = tpu.memref_slice %arg2[%run_scoped3A_151, %multiple_of3A_148] : memref<2x1048576xi32, #tpu.memory_space<hbm>> -> memref<1x512xi32, #tpu.memory_space<hbm>>
      %dma_wait3A_338 = tpu.memref_squeeze %dma_wait3A_337 : memref<1x512xi32, #tpu.memory_space<hbm>> -> memref<512xi32, #tpu.memory_space<hbm>>
      tpu.wait_dma2 semaphore(%run_scoped3A_318 : memref<!tpu.dma_semaphore, #tpu.memory_space<semaphore_mem>>) src(%dma_wait3A_338 : memref<512xi32, #tpu.memory_space<hbm>>) dst(%dma_wait3A_336 : memref<512xi32, #tpu.memory_space<vmem>>)
      tpu.yield
    }) : () -> ()
    %scan3A_153 = arith.constant 0 : i32
    %scan3A_154 = arith.constant 0 : i32
    %scan3A_155 = arith.constant 32 : i32
    %scan3A_156 = arith.addi %scan3A_154, %scan3A_155 : i32
    %scan3A_157 = arith.constant 1 : i32
    %scan3A_158 = scf.for %scan3A_318 = %scan3A_154 to %scan3A_156 step %scan3A_157 iter_args(%scan3A_319 = %scan3A_153) -> (i32)  : i32 {
      %mul3A_320 = arith.constant 16 : i32
      %mul3A_321 = arith.muli %scan3A_318, %mul3A_320 : i32
      %get3A = arith.constant 1 : i32
      %get3A_322 = arith.index_cast %get3A : i32 to index
      %get3A_323 = arith.index_cast %mul3A_321 : i32 to index
      %get3A_324 = tpu.vector_load %arg6[%get3A_322, %get3A_323] {strides = array<i32>} : memref<2x512xi32, #tpu.memory_space<vmem>>, vector<1x16xi32>,
      %get3A_325 = vector.shape_cast %get3A_324 : vector<1x16xi32> to vector<16xi32>
      %and3A = arith.constant -16384 : i32
      %and3A_326 = vector.broadcast %and3A : i32 to vector<16xi32>
      %and3A_327 = arith.andi %get3A_325, %and3A_326 : vector<16xi32>
      %and3A_328 = arith.constant 4095 : i32
      %and3A_329 = vector.broadcast %and3A_328 : i32 to vector<16xi32>
      %and3A_330 = arith.andi %get3A_325, %and3A_329 : vector<16xi32>
      %shift_left3A = arith.constant 2 : i32
      %shift_left3A_331 = vector.broadcast %shift_left3A : i32 to vector<16xi32>
      %shift_left3A_332 = arith.shli %and3A_330, %shift_left3A_331 : vector<16xi32>
      %or3A = arith.ori %and3A_327, %shift_left3A_332 : vector<16xi32>
      %and3A_333 = arith.constant 16383 : i32
      %and3A_334 = vector.broadcast %and3A_333 : i32 to vector<16xi32>
      %and3A_335 = arith.andi %get3A_325, %and3A_334 : vector<16xi32>
      %shift_right_arithmetic3A = arith.constant 12 : i32
      %shift_right_arithmetic3A_336 = vector.broadcast %shift_right_arithmetic3A : i32 to vector<16xi32>
      %shift_right_arithmetic3A_337 = arith.shrsi %and3A_335, %shift_right_arithmetic3A_336 : vector<16xi32>
      %or3A_338 = arith.ori %or3A, %shift_right_arithmetic3A_337 : vector<16xi32>
      %swap3A = arith.constant 1 : i32
      %swap3A_339 = arith.index_cast %swap3A : i32 to index
      %swap3A_340 = arith.index_cast %mul3A_321 : i32 to index
      %swap3A_341 = tpu.vector_load %arg6[%swap3A_339, %swap3A_340] {strides = array<i32>} : memref<2x512xi32, #tpu.memory_space<vmem>>, vector<1x16xi32>,
      %swap3A_342 = vector.shape_cast %swap3A_341 : vector<1x16xi32> to vector<16xi32>
      %swap3A_343 = vector.shape_cast %or3A_338 : vector<16xi32> to vector<1x16xi32>
      tpu.vector_store %arg6[%swap3A_339, %swap3A_340], %swap3A_343 {strides = array<i32>} : memref<2x512xi32, #tpu.memory_space<vmem>>, vector<1x16xi32>,
      %get3A_344 = arith.constant 1 : i32
      %get3A_345 = arith.index_cast %get3A_344 : i32 to index
      %get3A_346 = arith.index_cast %mul3A_321 : i32 to index
      %get3A_347 = tpu.vector_load %arg7[%get3A_345, %get3A_346] {strides = array<i32>} : memref<2x512xi32, #tpu.memory_space<vmem>>, vector<1x16xi32>,
      %get3A_348 = vector.shape_cast %get3A_347 : vector<1x16xi32> to vector<16xi32>
      %and3A_349 = arith.constant -16384 : i32
      %and3A_350 = vector.broadcast %and3A_349 : i32 to vector<16xi32>
      %and3A_351 = arith.andi %get3A_348, %and3A_350 : vector<16xi32>
      %and3A_352 = arith.constant 4095 : i32
      %and3A_353 = vector.broadcast %and3A_352 : i32 to vector<16xi32>
      %and3A_354 = arith.andi %get3A_348, %and3A_353 : vector<16xi32>
      %shift_left3A_355 = arith.constant 2 : i32
      %shift_left3A_356 = vector.broadcast %shift_left3A_355 : i32 to vector<16xi32>
      %shift_left3A_357 = arith.shli %and3A_354, %shift_left3A_356 : vector<16xi32>
      %or3A_358 = arith.ori %and3A_351, %shift_left3A_357 : vector<16xi32>
      %and3A_359 = arith.constant 16383 : i32
      %and3A_360 = vector.broadcast %and3A_359 : i32 to vector<16xi32>
      %and3A_361 = arith.andi %get3A_348, %and3A_360 : vector<16xi32>
      %shift_right_arithmetic3A_362 = arith.constant 12 : i32
      %shift_right_arithmetic3A_363 = vector.broadcast %shift_right_arithmetic3A_362 : i32 to vector<16xi32>
      %shift_right_arithmetic3A_364 = arith.shrsi %and3A_361, %shift_right_arithmetic3A_363 : vector<16xi32>
      %or3A_365 = arith.ori %or3A_358, %shift_right_arithmetic3A_364 : vector<16xi32>
      %swap3A_366 = arith.constant 1 : i32
      %swap3A_367 = arith.index_cast %swap3A_366 : i32 to index
      %swap3A_368 = arith.index_cast %mul3A_321 : i32 to index
      %swap3A_369 = tpu.vector_load %arg7[%swap3A_367, %swap3A_368] {strides = array<i32>} : memref<2x512xi32, #tpu.memory_space<vmem>>, vector<1x16xi32>,
      %swap3A_370 = vector.shape_cast %swap3A_369 : vector<1x16xi32> to vector<16xi32>
      %swap3A_371 = vector.shape_cast %or3A_365 : vector<16xi32> to vector<1x16xi32>
      tpu.vector_store %arg7[%swap3A_367, %swap3A_368], %swap3A_371 {strides = array<i32>} : memref<2x512xi32, #tpu.memory_space<vmem>>, vector<1x16xi32>,
      %scan3A_372 = arith.constant 0 : i32
      scf.yield %scan3A_372 : i32
    }
    %scan3A_159 = arith.constant 32 : i32
    %dma_start3A_160 = arith.constant 1 : i32
    %dma_start3A_161 = arith.constant 1 : i32
    %dma_start3A_162 = arith.constant 1 : i32
    %dma_start3A_163 = arith.constant 0 : i32
    %dma_start3A_164 = arith.constant 0 : i32
    %dma_start3A_165 = tpu.memref_slice %arg8[%dma_start3A_161, %dma_start3A_163, %dma_start3A_164] : memref<2x512x32xf32, #tpu.memory_space<vmem>> -> memref<1x128x32xf32, #tpu.memory_space<vmem>>
    %dma_start3A_166 = tpu.memref_squeeze %dma_start3A_165 : memref<1x128x32xf32, #tpu.memory_space<vmem>> -> memref<128x32xf32, #tpu.memory_space<vmem>>
    %dma_start3A_167 = arith.constant 0 : i32
    %dma_start3A_168 = tpu.memref_slice %arg6[%dma_start3A_160, %dma_start3A_167] : memref<2x512xi32, #tpu.memory_space<vmem>> -> memref<1x128xi32, #tpu.memory_space<vmem>>
    %dma_start3A_169 = tpu.memref_squeeze %dma_start3A_168 : memref<1x128xi32, #tpu.memory_space<vmem>> -> memref<128xi32, #tpu.memory_space<vmem>>
    %dma_start3A_170 = arith.constant 0 : i32
    %dma_start3A_171 = arith.constant 0 : i32
    %dma_start3A_172 = tpu.memref_slice %arg3[%dma_start3A_170, %dma_start3A_171] : memref<1015808x32xf32, #tpu.memory_space<hbm>> -> memref<1015808x32xf32, #tpu.memory_space<hbm>>
    %dma_start3A_173 = tpu.memref_slice %arg11[%dma_start3A_162] : memref<2x!tpu.dma_semaphore, #tpu.memory_space<semaphore_mem>> -> memref<1x!tpu.dma_semaphore, #tpu.memory_space<semaphore_mem>>
    %dma_start3A_174 = tpu.memref_squeeze %dma_start3A_173 : memref<1x!tpu.dma_semaphore, #tpu.memory_space<semaphore_mem>> -> memref<!tpu.dma_semaphore, #tpu.memory_space<semaphore_mem>>
    tpu.enqueue_indirect_dma source(%dma_start3A_172 : memref<1015808x32xf32, #tpu.memory_space<hbm>>) target(%dma_start3A_166 : memref<128x32xf32, #tpu.memory_space<vmem>>) offsets(%dma_start3A_169 : memref<128xi32, #tpu.memory_space<vmem>>) semaphore(%dma_start3A_174 : memref<!tpu.dma_semaphore, #tpu.memory_space<semaphore_mem>>)
    %dma_start3A_175 = arith.constant 1 : i32
    %dma_start3A_176 = arith.constant 1 : i32
    %dma_start3A_177 = arith.constant 1 : i32
    %dma_start3A_178 = arith.constant 0 : i32
    %dma_start3A_179 = arith.constant 0 : i32
    %dma_start3A_180 = tpu.memref_slice %arg9[%dma_start3A_176, %dma_start3A_178, %dma_start3A_179] : memref<2x512x32xf32, #tpu.memory_space<vmem>> -> memref<1x128x32xf32, #tpu.memory_space<vmem>>
    %dma_start3A_181 = tpu.memref_squeeze %dma_start3A_180 : memref<1x128x32xf32, #tpu.memory_space<vmem>> -> memref<128x32xf32, #tpu.memory_space<vmem>>
    %dma_start3A_182 = arith.constant 0 : i32
    %dma_start3A_183 = tpu.memref_slice %arg7[%dma_start3A_175, %dma_start3A_182] : memref<2x512xi32, #tpu.memory_space<vmem>> -> memref<1x128xi32, #tpu.memory_space<vmem>>
    %dma_start3A_184 = tpu.memref_squeeze %dma_start3A_183 : memref<1x128xi32, #tpu.memory_space<vmem>> -> memref<128xi32, #tpu.memory_space<vmem>>
    %dma_start3A_185 = arith.constant 0 : i32
    %dma_start3A_186 = arith.constant 0 : i32
    %dma_start3A_187 = tpu.memref_slice %arg4[%dma_start3A_185, %dma_start3A_186] : memref<1015808x32xf32, #tpu.memory_space<hbm>> -> memref<1015808x32xf32, #tpu.memory_space<hbm>>
    %dma_start3A_188 = tpu.memref_slice %arg11[%dma_start3A_177] : memref<2x!tpu.dma_semaphore, #tpu.memory_space<semaphore_mem>> -> memref<1x!tpu.dma_semaphore, #tpu.memory_space<semaphore_mem>>
    %dma_start3A_189 = tpu.memref_squeeze %dma_start3A_188 : memref<1x!tpu.dma_semaphore, #tpu.memory_space<semaphore_mem>> -> memref<!tpu.dma_semaphore, #tpu.memory_space<semaphore_mem>>
    tpu.enqueue_indirect_dma source(%dma_start3A_187 : memref<1015808x32xf32, #tpu.memory_space<hbm>>) target(%dma_start3A_181 : memref<128x32xf32, #tpu.memory_space<vmem>>) offsets(%dma_start3A_184 : memref<128xi32, #tpu.memory_space<vmem>>) semaphore(%dma_start3A_189 : memref<!tpu.dma_semaphore, #tpu.memory_space<semaphore_mem>>)
    %dma_start3A_190 = arith.constant 1 : i32
    %dma_start3A_191 = arith.constant 1 : i32
    %dma_start3A_192 = arith.constant 1 : i32
    %dma_start3A_193 = arith.constant 128 : i32
    %dma_start3A_194 = arith.constant 0 : i32
    %dma_start3A_195 = tpu.memref_slice %arg8[%dma_start3A_191, %dma_start3A_193, %dma_start3A_194] : memref<2x512x32xf32, #tpu.memory_space<vmem>> -> memref<1x128x32xf32, #tpu.memory_space<vmem>>
    %dma_start3A_196 = tpu.memref_squeeze %dma_start3A_195 : memref<1x128x32xf32, #tpu.memory_space<vmem>> -> memref<128x32xf32, #tpu.memory_space<vmem>>
    %dma_start3A_197 = arith.constant 128 : i32
    %dma_start3A_198 = tpu.memref_slice %arg6[%dma_start3A_190, %dma_start3A_197] : memref<2x512xi32, #tpu.memory_space<vmem>> -> memref<1x128xi32, #tpu.memory_space<vmem>>
    %dma_start3A_199 = tpu.memref_squeeze %dma_start3A_198 : memref<1x128xi32, #tpu.memory_space<vmem>> -> memref<128xi32, #tpu.memory_space<vmem>>
    %dma_start3A_200 = arith.constant 0 : i32
    %dma_start3A_201 = arith.constant 0 : i32
    %dma_start3A_202 = tpu.memref_slice %arg3[%dma_start3A_200, %dma_start3A_201] : memref<1015808x32xf32, #tpu.memory_space<hbm>> -> memref<1015808x32xf32, #tpu.memory_space<hbm>>
    %dma_start3A_203 = tpu.memref_slice %arg11[%dma_start3A_192] : memref<2x!tpu.dma_semaphore, #tpu.memory_space<semaphore_mem>> -> memref<1x!tpu.dma_semaphore, #tpu.memory_space<semaphore_mem>>
    %dma_start3A_204 = tpu.memref_squeeze %dma_start3A_203 : memref<1x!tpu.dma_semaphore, #tpu.memory_space<semaphore_mem>> -> memref<!tpu.dma_semaphore, #tpu.memory_space<semaphore_mem>>
    tpu.enqueue_indirect_dma source(%dma_start3A_202 : memref<1015808x32xf32, #tpu.memory_space<hbm>>) target(%dma_start3A_196 : memref<128x32xf32, #tpu.memory_space<vmem>>) offsets(%dma_start3A_199 : memref<128xi32, #tpu.memory_space<vmem>>) semaphore(%dma_start3A_204 : memref<!tpu.dma_semaphore, #tpu.memory_space<semaphore_mem>>)
    %dma_start3A_205 = arith.constant 1 : i32
    %dma_start3A_206 = arith.constant 1 : i32
    %dma_start3A_207 = arith.constant 1 : i32
    %dma_start3A_208 = arith.constant 128 : i32
    %dma_start3A_209 = arith.constant 0 : i32
    %dma_start3A_210 = tpu.memref_slice %arg9[%dma_start3A_206, %dma_start3A_208, %dma_start3A_209] : memref<2x512x32xf32, #tpu.memory_space<vmem>> -> memref<1x128x32xf32, #tpu.memory_space<vmem>>
    %dma_start3A_211 = tpu.memref_squeeze %dma_start3A_210 : memref<1x128x32xf32, #tpu.memory_space<vmem>> -> memref<128x32xf32, #tpu.memory_space<vmem>>
    %dma_start3A_212 = arith.constant 128 : i32
    %dma_start3A_213 = tpu.memref_slice %arg7[%dma_start3A_205, %dma_start3A_212] : memref<2x512xi32, #tpu.memory_space<vmem>> -> memref<1x128xi32, #tpu.memory_space<vmem>>
    %dma_start3A_214 = tpu.memref_squeeze %dma_start3A_213 : memref<1x128xi32, #tpu.memory_space<vmem>> -> memref<128xi32, #tpu.memory_space<vmem>>
    %dma_start3A_215 = arith.constant 0 : i32
    %dma_start3A_216 = arith.constant 0 : i32
    %dma_start3A_217 = tpu.memref_slice %arg4[%dma_start3A_215, %dma_start3A_216] : memref<1015808x32xf32, #tpu.memory_space<hbm>> -> memref<1015808x32xf32, #tpu.memory_space<hbm>>
    %dma_start3A_218 = tpu.memref_slice %arg11[%dma_start3A_207] : memref<2x!tpu.dma_semaphore, #tpu.memory_space<semaphore_mem>> -> memref<1x!tpu.dma_semaphore, #tpu.memory_space<semaphore_mem>>
    %dma_start3A_219 = tpu.memref_squeeze %dma_start3A_218 : memref<1x!tpu.dma_semaphore, #tpu.memory_space<semaphore_mem>> -> memref<!tpu.dma_semaphore, #tpu.memory_space<semaphore_mem>>
    tpu.enqueue_indirect_dma source(%dma_start3A_217 : memref<1015808x32xf32, #tpu.memory_space<hbm>>) target(%dma_start3A_211 : memref<128x32xf32, #tpu.memory_space<vmem>>) offsets(%dma_start3A_214 : memref<128xi32, #tpu.memory_space<vmem>>) semaphore(%dma_start3A_219 : memref<!tpu.dma_semaphore, #tpu.memory_space<semaphore_mem>>)
    %dma_start3A_220 = arith.constant 1 : i32
    %dma_start3A_221 = arith.constant 1 : i32
    %dma_start3A_222 = arith.constant 1 : i32
    %dma_start3A_223 = arith.constant 256 : i32
    %dma_start3A_224 = arith.constant 0 : i32
    %dma_start3A_225 = tpu.memref_slice %arg8[%dma_start3A_221, %dma_start3A_223, %dma_start3A_224] : memref<2x512x32xf32, #tpu.memory_space<vmem>> -> memref<1x128x32xf32, #tpu.memory_space<vmem>>
    %dma_start3A_226 = tpu.memref_squeeze %dma_start3A_225 : memref<1x128x32xf32, #tpu.memory_space<vmem>> -> memref<128x32xf32, #tpu.memory_space<vmem>>
    %dma_start3A_227 = arith.constant 256 : i32
    %dma_start3A_228 = tpu.memref_slice %arg6[%dma_start3A_220, %dma_start3A_227] : memref<2x512xi32, #tpu.memory_space<vmem>> -> memref<1x128xi32, #tpu.memory_space<vmem>>
    %dma_start3A_229 = tpu.memref_squeeze %dma_start3A_228 : memref<1x128xi32, #tpu.memory_space<vmem>> -> memref<128xi32, #tpu.memory_space<vmem>>
    %dma_start3A_230 = arith.constant 0 : i32
    %dma_start3A_231 = arith.constant 0 : i32
    %dma_start3A_232 = tpu.memref_slice %arg3[%dma_start3A_230, %dma_start3A_231] : memref<1015808x32xf32, #tpu.memory_space<hbm>> -> memref<1015808x32xf32, #tpu.memory_space<hbm>>
    %dma_start3A_233 = tpu.memref_slice %arg11[%dma_start3A_222] : memref<2x!tpu.dma_semaphore, #tpu.memory_space<semaphore_mem>> -> memref<1x!tpu.dma_semaphore, #tpu.memory_space<semaphore_mem>>
    %dma_start3A_234 = tpu.memref_squeeze %dma_start3A_233 : memref<1x!tpu.dma_semaphore, #tpu.memory_space<semaphore_mem>> -> memref<!tpu.dma_semaphore, #tpu.memory_space<semaphore_mem>>
    tpu.enqueue_indirect_dma source(%dma_start3A_232 : memref<1015808x32xf32, #tpu.memory_space<hbm>>) target(%dma_start3A_226 : memref<128x32xf32, #tpu.memory_space<vmem>>) offsets(%dma_start3A_229 : memref<128xi32, #tpu.memory_space<vmem>>) semaphore(%dma_start3A_234 : memref<!tpu.dma_semaphore, #tpu.memory_space<semaphore_mem>>)
    %dma_start3A_235 = arith.constant 1 : i32
    %dma_start3A_236 = arith.constant 1 : i32
    %dma_start3A_237 = arith.constant 1 : i32
    %dma_start3A_238 = arith.constant 256 : i32
    %dma_start3A_239 = arith.constant 0 : i32
    %dma_start3A_240 = tpu.memref_slice %arg9[%dma_start3A_236, %dma_start3A_238, %dma_start3A_239] : memref<2x512x32xf32, #tpu.memory_space<vmem>> -> memref<1x128x32xf32, #tpu.memory_space<vmem>>
    %dma_start3A_241 = tpu.memref_squeeze %dma_start3A_240 : memref<1x128x32xf32, #tpu.memory_space<vmem>> -> memref<128x32xf32, #tpu.memory_space<vmem>>
    %dma_start3A_242 = arith.constant 256 : i32
    %dma_start3A_243 = tpu.memref_slice %arg7[%dma_start3A_235, %dma_start3A_242] : memref<2x512xi32, #tpu.memory_space<vmem>> -> memref<1x128xi32, #tpu.memory_space<vmem>>
    %dma_start3A_244 = tpu.memref_squeeze %dma_start3A_243 : memref<1x128xi32, #tpu.memory_space<vmem>> -> memref<128xi32, #tpu.memory_space<vmem>>
    %dma_start3A_245 = arith.constant 0 : i32
    %dma_start3A_246 = arith.constant 0 : i32
    %dma_start3A_247 = tpu.memref_slice %arg4[%dma_start3A_245, %dma_start3A_246] : memref<1015808x32xf32, #tpu.memory_space<hbm>> -> memref<1015808x32xf32, #tpu.memory_space<hbm>>
    %dma_start3A_248 = tpu.memref_slice %arg11[%dma_start3A_237] : memref<2x!tpu.dma_semaphore, #tpu.memory_space<semaphore_mem>> -> memref<1x!tpu.dma_semaphore, #tpu.memory_space<semaphore_mem>>
    %dma_start3A_249 = tpu.memref_squeeze %dma_start3A_248 : memref<1x!tpu.dma_semaphore, #tpu.memory_space<semaphore_mem>> -> memref<!tpu.dma_semaphore, #tpu.memory_space<semaphore_mem>>
    tpu.enqueue_indirect_dma source(%dma_start3A_247 : memref<1015808x32xf32, #tpu.memory_space<hbm>>) target(%dma_start3A_241 : memref<128x32xf32, #tpu.memory_space<vmem>>) offsets(%dma_start3A_244 : memref<128xi32, #tpu.memory_space<vmem>>) semaphore(%dma_start3A_249 : memref<!tpu.dma_semaphore, #tpu.memory_space<semaphore_mem>>)
    %dma_start3A_250 = arith.constant 1 : i32
    %dma_start3A_251 = arith.constant 1 : i32
    %dma_start3A_252 = arith.constant 1 : i32
    %dma_start3A_253 = arith.constant 384 : i32
    %dma_start3A_254 = arith.constant 0 : i32
    %dma_start3A_255 = tpu.memref_slice %arg8[%dma_start3A_251, %dma_start3A_253, %dma_start3A_254] : memref<2x512x32xf32, #tpu.memory_space<vmem>> -> memref<1x128x32xf32, #tpu.memory_space<vmem>>
    %dma_start3A_256 = tpu.memref_squeeze %dma_start3A_255 : memref<1x128x32xf32, #tpu.memory_space<vmem>> -> memref<128x32xf32, #tpu.memory_space<vmem>>
    %dma_start3A_257 = arith.constant 384 : i32
    %dma_start3A_258 = tpu.memref_slice %arg6[%dma_start3A_250, %dma_start3A_257] : memref<2x512xi32, #tpu.memory_space<vmem>> -> memref<1x128xi32, #tpu.memory_space<vmem>>
    %dma_start3A_259 = tpu.memref_squeeze %dma_start3A_258 : memref<1x128xi32, #tpu.memory_space<vmem>> -> memref<128xi32, #tpu.memory_space<vmem>>
    %dma_start3A_260 = arith.constant 0 : i32
    %dma_start3A_261 = arith.constant 0 : i32
    %dma_start3A_262 = tpu.memref_slice %arg3[%dma_start3A_260, %dma_start3A_261] : memref<1015808x32xf32, #tpu.memory_space<hbm>> -> memref<1015808x32xf32, #tpu.memory_space<hbm>>
    %dma_start3A_263 = tpu.memref_slice %arg11[%dma_start3A_252] : memref<2x!tpu.dma_semaphore, #tpu.memory_space<semaphore_mem>> -> memref<1x!tpu.dma_semaphore, #tpu.memory_space<semaphore_mem>>
    %dma_start3A_264 = tpu.memref_squeeze %dma_start3A_263 : memref<1x!tpu.dma_semaphore, #tpu.memory_space<semaphore_mem>> -> memref<!tpu.dma_semaphore, #tpu.memory_space<semaphore_mem>>
    tpu.enqueue_indirect_dma source(%dma_start3A_262 : memref<1015808x32xf32, #tpu.memory_space<hbm>>) target(%dma_start3A_256 : memref<128x32xf32, #tpu.memory_space<vmem>>) offsets(%dma_start3A_259 : memref<128xi32, #tpu.memory_space<vmem>>) semaphore(%dma_start3A_264 : memref<!tpu.dma_semaphore, #tpu.memory_space<semaphore_mem>>)
    %dma_start3A_265 = arith.constant 1 : i32
    %dma_start3A_266 = arith.constant 1 : i32
    %dma_start3A_267 = arith.constant 1 : i32
    %dma_start3A_268 = arith.constant 384 : i32
    %dma_start3A_269 = arith.constant 0 : i32
    %dma_start3A_270 = tpu.memref_slice %arg9[%dma_start3A_266, %dma_start3A_268, %dma_start3A_269] : memref<2x512x32xf32, #tpu.memory_space<vmem>> -> memref<1x128x32xf32, #tpu.memory_space<vmem>>
    %dma_start3A_271 = tpu.memref_squeeze %dma_start3A_270 : memref<1x128x32xf32, #tpu.memory_space<vmem>> -> memref<128x32xf32, #tpu.memory_space<vmem>>
    %dma_start3A_272 = arith.constant 384 : i32
    %dma_start3A_273 = tpu.memref_slice %arg7[%dma_start3A_265, %dma_start3A_272] : memref<2x512xi32, #tpu.memory_space<vmem>> -> memref<1x128xi32, #tpu.memory_space<vmem>>
    %dma_start3A_274 = tpu.memref_squeeze %dma_start3A_273 : memref<1x128xi32, #tpu.memory_space<vmem>> -> memref<128xi32, #tpu.memory_space<vmem>>
    %dma_start3A_275 = arith.constant 0 : i32
    %dma_start3A_276 = arith.constant 0 : i32
    %dma_start3A_277 = tpu.memref_slice %arg4[%dma_start3A_275, %dma_start3A_276] : memref<1015808x32xf32, #tpu.memory_space<hbm>> -> memref<1015808x32xf32, #tpu.memory_space<hbm>>
    %dma_start3A_278 = tpu.memref_slice %arg11[%dma_start3A_267] : memref<2x!tpu.dma_semaphore, #tpu.memory_space<semaphore_mem>> -> memref<1x!tpu.dma_semaphore, #tpu.memory_space<semaphore_mem>>
    %dma_start3A_279 = tpu.memref_squeeze %dma_start3A_278 : memref<1x!tpu.dma_semaphore, #tpu.memory_space<semaphore_mem>> -> memref<!tpu.dma_semaphore, #tpu.memory_space<semaphore_mem>>
    tpu.enqueue_indirect_dma source(%dma_start3A_277 : memref<1015808x32xf32, #tpu.memory_space<hbm>>) target(%dma_start3A_271 : memref<128x32xf32, #tpu.memory_space<vmem>>) offsets(%dma_start3A_274 : memref<128xi32, #tpu.memory_space<vmem>>) semaphore(%dma_start3A_279 : memref<!tpu.dma_semaphore, #tpu.memory_space<semaphore_mem>>)
    %scan3A_280 = arith.constant 0 : i32
    %scan3A_281 = arith.constant 0 : i32
    %scan3A_282 = arith.constant 64 : i32
    %scan3A_283 = arith.addi %scan3A_281, %scan3A_282 : i32
    %scan3A_284 = arith.constant 1 : i32
    %scan3A_285 = scf.for %scan3A_318 = %scan3A_281 to %scan3A_283 step %scan3A_284 iter_args(%scan3A_319 = %scan3A_280) -> (i32)  : i32 {
      %rem3A = arith.constant 2 : i32
      %rem3A_320 = arith.remsi %scan3A_318, %rem3A : i32
      %dma_wait3A_321 = arith.constant 0 : i32
      %dma_wait3A_322 = arith.constant 0 : i32
      %dma_wait3A_323 = tpu.memref_slice %arg8[%rem3A_320, %dma_wait3A_321, %dma_wait3A_322] : memref<2x512x32xf32, #tpu.memory_space<vmem>> -> memref<1x128x32xf32, #tpu.memory_space<vmem>>
      %dma_wait3A_324 = tpu.memref_squeeze %dma_wait3A_323 : memref<1x128x32xf32, #tpu.memory_space<vmem>> -> memref<128x32xf32, #tpu.memory_space<vmem>>
      %dma_wait3A_325 = arith.constant 0 : i32
      %dma_wait3A_326 = tpu.memref_slice %arg6[%rem3A_320, %dma_wait3A_325] : memref<2x512xi32, #tpu.memory_space<vmem>> -> memref<1x128xi32, #tpu.memory_space<vmem>>
      %dma_wait3A_327 = tpu.memref_squeeze %dma_wait3A_326 : memref<1x128xi32, #tpu.memory_space<vmem>> -> memref<128xi32, #tpu.memory_space<vmem>>
      %dma_wait3A_328 = arith.constant 0 : i32
      %dma_wait3A_329 = arith.constant 0 : i32
      %dma_wait3A_330 = tpu.memref_slice %arg3[%dma_wait3A_328, %dma_wait3A_329] : memref<1015808x32xf32, #tpu.memory_space<hbm>> -> memref<1015808x32xf32, #tpu.memory_space<hbm>>
      %dma_wait3A_331 = tpu.memref_slice %arg11[%rem3A_320] : memref<2x!tpu.dma_semaphore, #tpu.memory_space<semaphore_mem>> -> memref<1x!tpu.dma_semaphore, #tpu.memory_space<semaphore_mem>>
      %dma_wait3A_332 = tpu.memref_squeeze %dma_wait3A_331 : memref<1x!tpu.dma_semaphore, #tpu.memory_space<semaphore_mem>> -> memref<!tpu.dma_semaphore, #tpu.memory_space<semaphore_mem>>
      tpu.wait_indirect_dma semaphore(%dma_wait3A_332 : memref<!tpu.dma_semaphore, #tpu.memory_space<semaphore_mem>>) src(%dma_wait3A_330 : memref<1015808x32xf32, #tpu.memory_space<hbm>>) dst(%dma_wait3A_324 : memref<128x32xf32, #tpu.memory_space<vmem>>)
      %dma_wait3A_333 = arith.constant 0 : i32
      %dma_wait3A_334 = arith.constant 0 : i32
      %dma_wait3A_335 = tpu.memref_slice %arg9[%rem3A_320, %dma_wait3A_333, %dma_wait3A_334] : memref<2x512x32xf32, #tpu.memory_space<vmem>> -> memref<1x128x32xf32, #tpu.memory_space<vmem>>
      %dma_wait3A_336 = tpu.memref_squeeze %dma_wait3A_335 : memref<1x128x32xf32, #tpu.memory_space<vmem>> -> memref<128x32xf32, #tpu.memory_space<vmem>>
      %dma_wait3A_337 = arith.constant 0 : i32
      %dma_wait3A_338 = tpu.memref_slice %arg7[%rem3A_320, %dma_wait3A_337] : memref<2x512xi32, #tpu.memory_space<vmem>> -> memref<1x128xi32, #tpu.memory_space<vmem>>
      %dma_wait3A_339 = tpu.memref_squeeze %dma_wait3A_338 : memref<1x128xi32, #tpu.memory_space<vmem>> -> memref<128xi32, #tpu.memory_space<vmem>>
      %dma_wait3A_340 = arith.constant 0 : i32
      %dma_wait3A_341 = arith.constant 0 : i32
      %dma_wait3A_342 = tpu.memref_slice %arg4[%dma_wait3A_340, %dma_wait3A_341] : memref<1015808x32xf32, #tpu.memory_space<hbm>> -> memref<1015808x32xf32, #tpu.memory_space<hbm>>
      %dma_wait3A_343 = tpu.memref_slice %arg11[%rem3A_320] : memref<2x!tpu.dma_semaphore, #tpu.memory_space<semaphore_mem>> -> memref<1x!tpu.dma_semaphore, #tpu.memory_space<semaphore_mem>>
      %dma_wait3A_344 = tpu.memref_squeeze %dma_wait3A_343 : memref<1x!tpu.dma_semaphore, #tpu.memory_space<semaphore_mem>> -> memref<!tpu.dma_semaphore, #tpu.memory_space<semaphore_mem>>
      tpu.wait_indirect_dma semaphore(%dma_wait3A_344 : memref<!tpu.dma_semaphore, #tpu.memory_space<semaphore_mem>>) src(%dma_wait3A_342 : memref<1015808x32xf32, #tpu.memory_space<hbm>>) dst(%dma_wait3A_336 : memref<128x32xf32, #tpu.memory_space<vmem>>)
      %dma_wait3A_345 = arith.constant 128 : i32
      %dma_wait3A_346 = arith.constant 0 : i32
      %dma_wait3A_347 = tpu.memref_slice %arg8[%rem3A_320, %dma_wait3A_345, %dma_wait3A_346] : memref<2x512x32xf32, #tpu.memory_space<vmem>> -> memref<1x128x32xf32, #tpu.memory_space<vmem>>
      %dma_wait3A_348 = tpu.memref_squeeze %dma_wait3A_347 : memref<1x128x32xf32, #tpu.memory_space<vmem>> -> memref<128x32xf32, #tpu.memory_space<vmem>>
      %dma_wait3A_349 = arith.constant 128 : i32
      %dma_wait3A_350 = tpu.memref_slice %arg6[%rem3A_320, %dma_wait3A_349] : memref<2x512xi32, #tpu.memory_space<vmem>> -> memref<1x128xi32, #tpu.memory_space<vmem>>
      %dma_wait3A_351 = tpu.memref_squeeze %dma_wait3A_350 : memref<1x128xi32, #tpu.memory_space<vmem>> -> memref<128xi32, #tpu.memory_space<vmem>>
      %dma_wait3A_352 = arith.constant 0 : i32
      %dma_wait3A_353 = arith.constant 0 : i32
      %dma_wait3A_354 = tpu.memref_slice %arg3[%dma_wait3A_352, %dma_wait3A_353] : memref<1015808x32xf32, #tpu.memory_space<hbm>> -> memref<1015808x32xf32, #tpu.memory_space<hbm>>
      %dma_wait3A_355 = tpu.memref_slice %arg11[%rem3A_320] : memref<2x!tpu.dma_semaphore, #tpu.memory_space<semaphore_mem>> -> memref<1x!tpu.dma_semaphore, #tpu.memory_space<semaphore_mem>>
      %dma_wait3A_356 = tpu.memref_squeeze %dma_wait3A_355 : memref<1x!tpu.dma_semaphore, #tpu.memory_space<semaphore_mem>> -> memref<!tpu.dma_semaphore, #tpu.memory_space<semaphore_mem>>
      tpu.wait_indirect_dma semaphore(%dma_wait3A_356 : memref<!tpu.dma_semaphore, #tpu.memory_space<semaphore_mem>>) src(%dma_wait3A_354 : memref<1015808x32xf32, #tpu.memory_space<hbm>>) dst(%dma_wait3A_348 : memref<128x32xf32, #tpu.memory_space<vmem>>)
      %dma_wait3A_357 = arith.constant 128 : i32
      %dma_wait3A_358 = arith.constant 0 : i32
      %dma_wait3A_359 = tpu.memref_slice %arg9[%rem3A_320, %dma_wait3A_357, %dma_wait3A_358] : memref<2x512x32xf32, #tpu.memory_space<vmem>> -> memref<1x128x32xf32, #tpu.memory_space<vmem>>
      %dma_wait3A_360 = tpu.memref_squeeze %dma_wait3A_359 : memref<1x128x32xf32, #tpu.memory_space<vmem>> -> memref<128x32xf32, #tpu.memory_space<vmem>>
      %dma_wait3A_361 = arith.constant 128 : i32
      %dma_wait3A_362 = tpu.memref_slice %arg7[%rem3A_320, %dma_wait3A_361] : memref<2x512xi32, #tpu.memory_space<vmem>> -> memref<1x128xi32, #tpu.memory_space<vmem>>
      %dma_wait3A_363 = tpu.memref_squeeze %dma_wait3A_362 : memref<1x128xi32, #tpu.memory_space<vmem>> -> memref<128xi32, #tpu.memory_space<vmem>>
      %dma_wait3A_364 = arith.constant 0 : i32
      %dma_wait3A_365 = arith.constant 0 : i32
      %dma_wait3A_366 = tpu.memref_slice %arg4[%dma_wait3A_364, %dma_wait3A_365] : memref<1015808x32xf32, #tpu.memory_space<hbm>> -> memref<1015808x32xf32, #tpu.memory_space<hbm>>
      %dma_wait3A_367 = tpu.memref_slice %arg11[%rem3A_320] : memref<2x!tpu.dma_semaphore, #tpu.memory_space<semaphore_mem>> -> memref<1x!tpu.dma_semaphore, #tpu.memory_space<semaphore_mem>>
      %dma_wait3A_368 = tpu.memref_squeeze %dma_wait3A_367 : memref<1x!tpu.dma_semaphore, #tpu.memory_space<semaphore_mem>> -> memref<!tpu.dma_semaphore, #tpu.memory_space<semaphore_mem>>
      tpu.wait_indirect_dma semaphore(%dma_wait3A_368 : memref<!tpu.dma_semaphore, #tpu.memory_space<semaphore_mem>>) src(%dma_wait3A_366 : memref<1015808x32xf32, #tpu.memory_space<hbm>>) dst(%dma_wait3A_360 : memref<128x32xf32, #tpu.memory_space<vmem>>)
      %dma_wait3A_369 = arith.constant 256 : i32
      %dma_wait3A_370 = arith.constant 0 : i32
      %dma_wait3A_371 = tpu.memref_slice %arg8[%rem3A_320, %dma_wait3A_369, %dma_wait3A_370] : memref<2x512x32xf32, #tpu.memory_space<vmem>> -> memref<1x128x32xf32, #tpu.memory_space<vmem>>
      %dma_wait3A_372 = tpu.memref_squeeze %dma_wait3A_371 : memref<1x128x32xf32, #tpu.memory_space<vmem>> -> memref<128x32xf32, #tpu.memory_space<vmem>>
      %dma_wait3A_373 = arith.constant 256 : i32
      %dma_wait3A_374 = tpu.memref_slice %arg6[%rem3A_320, %dma_wait3A_373] : memref<2x512xi32, #tpu.memory_space<vmem>> -> memref<1x128xi32, #tpu.memory_space<vmem>>
      %dma_wait3A_375 = tpu.memref_squeeze %dma_wait3A_374 : memref<1x128xi32, #tpu.memory_space<vmem>> -> memref<128xi32, #tpu.memory_space<vmem>>
      %dma_wait3A_376 = arith.constant 0 : i32
      %dma_wait3A_377 = arith.constant 0 : i32
      %dma_wait3A_378 = tpu.memref_slice %arg3[%dma_wait3A_376, %dma_wait3A_377] : memref<1015808x32xf32, #tpu.memory_space<hbm>> -> memref<1015808x32xf32, #tpu.memory_space<hbm>>
      %dma_wait3A_379 = tpu.memref_slice %arg11[%rem3A_320] : memref<2x!tpu.dma_semaphore, #tpu.memory_space<semaphore_mem>> -> memref<1x!tpu.dma_semaphore, #tpu.memory_space<semaphore_mem>>
      %dma_wait3A_380 = tpu.memref_squeeze %dma_wait3A_379 : memref<1x!tpu.dma_semaphore, #tpu.memory_space<semaphore_mem>> -> memref<!tpu.dma_semaphore, #tpu.memory_space<semaphore_mem>>
      tpu.wait_indirect_dma semaphore(%dma_wait3A_380 : memref<!tpu.dma_semaphore, #tpu.memory_space<semaphore_mem>>) src(%dma_wait3A_378 : memref<1015808x32xf32, #tpu.memory_space<hbm>>) dst(%dma_wait3A_372 : memref<128x32xf32, #tpu.memory_space<vmem>>)
      %dma_wait3A_381 = arith.constant 256 : i32
      %dma_wait3A_382 = arith.constant 0 : i32
      %dma_wait3A_383 = tpu.memref_slice %arg9[%rem3A_320, %dma_wait3A_381, %dma_wait3A_382] : memref<2x512x32xf32, #tpu.memory_space<vmem>> -> memref<1x128x32xf32, #tpu.memory_space<vmem>>
      %dma_wait3A_384 = tpu.memref_squeeze %dma_wait3A_383 : memref<1x128x32xf32, #tpu.memory_space<vmem>> -> memref<128x32xf32, #tpu.memory_space<vmem>>
      %dma_wait3A_385 = arith.constant 256 : i32
      %dma_wait3A_386 = tpu.memref_slice %arg7[%rem3A_320, %dma_wait3A_385] : memref<2x512xi32, #tpu.memory_space<vmem>> -> memref<1x128xi32, #tpu.memory_space<vmem>>
      %dma_wait3A_387 = tpu.memref_squeeze %dma_wait3A_386 : memref<1x128xi32, #tpu.memory_space<vmem>> -> memref<128xi32, #tpu.memory_space<vmem>>
      %dma_wait3A_388 = arith.constant 0 : i32
      %dma_wait3A_389 = arith.constant 0 : i32
      %dma_wait3A_390 = tpu.memref_slice %arg4[%dma_wait3A_388, %dma_wait3A_389] : memref<1015808x32xf32, #tpu.memory_space<hbm>> -> memref<1015808x32xf32, #tpu.memory_space<hbm>>
      %dma_wait3A_391 = tpu.memref_slice %arg11[%rem3A_320] : memref<2x!tpu.dma_semaphore, #tpu.memory_space<semaphore_mem>> -> memref<1x!tpu.dma_semaphore, #tpu.memory_space<semaphore_mem>>
      %dma_wait3A_392 = tpu.memref_squeeze %dma_wait3A_391 : memref<1x!tpu.dma_semaphore, #tpu.memory_space<semaphore_mem>> -> memref<!tpu.dma_semaphore, #tpu.memory_space<semaphore_mem>>
      tpu.wait_indirect_dma semaphore(%dma_wait3A_392 : memref<!tpu.dma_semaphore, #tpu.memory_space<semaphore_mem>>) src(%dma_wait3A_390 : memref<1015808x32xf32, #tpu.memory_space<hbm>>) dst(%dma_wait3A_384 : memref<128x32xf32, #tpu.memory_space<vmem>>)
      %dma_wait3A_393 = arith.constant 384 : i32
      %dma_wait3A_394 = arith.constant 0 : i32
      %dma_wait3A_395 = tpu.memref_slice %arg8[%rem3A_320, %dma_wait3A_393, %dma_wait3A_394] : memref<2x512x32xf32, #tpu.memory_space<vmem>> -> memref<1x128x32xf32, #tpu.memory_space<vmem>>
      %dma_wait3A_396 = tpu.memref_squeeze %dma_wait3A_395 : memref<1x128x32xf32, #tpu.memory_space<vmem>> -> memref<128x32xf32, #tpu.memory_space<vmem>>
      %dma_wait3A_397 = arith.constant 384 : i32
      %dma_wait3A_398 = tpu.memref_slice %arg6[%rem3A_320, %dma_wait3A_397] : memref<2x512xi32, #tpu.memory_space<vmem>> -> memref<1x128xi32, #tpu.memory_space<vmem>>
      %dma_wait3A_399 = tpu.memref_squeeze %dma_wait3A_398 : memref<1x128xi32, #tpu.memory_space<vmem>> -> memref<128xi32, #tpu.memory_space<vmem>>
      %dma_wait3A_400 = arith.constant 0 : i32
      %dma_wait3A_401 = arith.constant 0 : i32
      %dma_wait3A_402 = tpu.memref_slice %arg3[%dma_wait3A_400, %dma_wait3A_401] : memref<1015808x32xf32, #tpu.memory_space<hbm>> -> memref<1015808x32xf32, #tpu.memory_space<hbm>>
      %dma_wait3A_403 = tpu.memref_slice %arg11[%rem3A_320] : memref<2x!tpu.dma_semaphore, #tpu.memory_space<semaphore_mem>> -> memref<1x!tpu.dma_semaphore, #tpu.memory_space<semaphore_mem>>
      %dma_wait3A_404 = tpu.memref_squeeze %dma_wait3A_403 : memref<1x!tpu.dma_semaphore, #tpu.memory_space<semaphore_mem>> -> memref<!tpu.dma_semaphore, #tpu.memory_space<semaphore_mem>>
      tpu.wait_indirect_dma semaphore(%dma_wait3A_404 : memref<!tpu.dma_semaphore, #tpu.memory_space<semaphore_mem>>) src(%dma_wait3A_402 : memref<1015808x32xf32, #tpu.memory_space<hbm>>) dst(%dma_wait3A_396 : memref<128x32xf32, #tpu.memory_space<vmem>>)
      %dma_wait3A_405 = arith.constant 384 : i32
      %dma_wait3A_406 = arith.constant 0 : i32
      %dma_wait3A_407 = tpu.memref_slice %arg9[%rem3A_320, %dma_wait3A_405, %dma_wait3A_406] : memref<2x512x32xf32, #tpu.memory_space<vmem>> -> memref<1x128x32xf32, #tpu.memory_space<vmem>>
      %dma_wait3A_408 = tpu.memref_squeeze %dma_wait3A_407 : memref<1x128x32xf32, #tpu.memory_space<vmem>> -> memref<128x32xf32, #tpu.memory_space<vmem>>
      %dma_wait3A_409 = arith.constant 384 : i32
      %dma_wait3A_410 = tpu.memref_slice %arg7[%rem3A_320, %dma_wait3A_409] : memref<2x512xi32, #tpu.memory_space<vmem>> -> memref<1x128xi32, #tpu.memory_space<vmem>>
      %dma_wait3A_411 = tpu.memref_squeeze %dma_wait3A_410 : memref<1x128xi32, #tpu.memory_space<vmem>> -> memref<128xi32, #tpu.memory_space<vmem>>
      %dma_wait3A_412 = arith.constant 0 : i32
      %dma_wait3A_413 = arith.constant 0 : i32
      %dma_wait3A_414 = tpu.memref_slice %arg4[%dma_wait3A_412, %dma_wait3A_413] : memref<1015808x32xf32, #tpu.memory_space<hbm>> -> memref<1015808x32xf32, #tpu.memory_space<hbm>>
      %dma_wait3A_415 = tpu.memref_slice %arg11[%rem3A_320] : memref<2x!tpu.dma_semaphore, #tpu.memory_space<semaphore_mem>> -> memref<1x!tpu.dma_semaphore, #tpu.memory_space<semaphore_mem>>
      %dma_wait3A_416 = tpu.memref_squeeze %dma_wait3A_415 : memref<1x!tpu.dma_semaphore, #tpu.memory_space<semaphore_mem>> -> memref<!tpu.dma_semaphore, #tpu.memory_space<semaphore_mem>>
      tpu.wait_indirect_dma semaphore(%dma_wait3A_416 : memref<!tpu.dma_semaphore, #tpu.memory_space<semaphore_mem>>) src(%dma_wait3A_414 : memref<1015808x32xf32, #tpu.memory_space<hbm>>) dst(%dma_wait3A_408 : memref<128x32xf32, #tpu.memory_space<vmem>>)
      %ge3A = arith.constant 2 : i32
      %ge3A_417 = arith.cmpi sge, %scan3A_318, %ge3A : i32
      %convert_element_type3A = arith.extui %ge3A_417 : i1 to i32
      %cond3A = arith.constant 0 : i32
      %cond3A_418 = arith.cmpi ne, %convert_element_type3A, %cond3A : i32
      scf.if %cond3A_418 {
        %mul3A_448 = arith.constant 32768 : i32
        %mul3A_449 = arith.muli %add3A, %mul3A_448 : i32
        %sub3A = arith.constant 2 : i32
        %sub3A_450 = arith.subi %scan3A_318, %sub3A : i32
        %mul3A_451 = arith.constant 512 : i32
        %mul3A_452 = arith.muli %sub3A_450, %mul3A_451 : i32
        %add3A_453 = arith.addi %mul3A_449, %mul3A_452 : i32
        %dma_wait3A_454 = arith.constant 0 : i32
        %dma_wait3A_455 = tpu.memref_slice %arg10[%rem3A_320, %dma_wait3A_454] : memref<2x512xf32, #tpu.memory_space<vmem>> -> memref<1x512xf32, #tpu.memory_space<vmem>>
        %dma_wait3A_456 = tpu.memref_squeeze %dma_wait3A_455 : memref<1x512xf32, #tpu.memory_space<vmem>> -> memref<512xf32, #tpu.memory_space<vmem>>
        %dma_wait3A_457 = tpu.memref_slice %arg5[%add3A_453] : memref<1048576xf32, #tpu.memory_space<hbm>> -> memref<512xf32, #tpu.memory_space<hbm>>
        %dma_wait3A_458 = tpu.memref_slice %arg12[%rem3A_320] : memref<2x!tpu.dma_semaphore, #tpu.memory_space<semaphore_mem>> -> memref<1x!tpu.dma_semaphore, #tpu.memory_space<semaphore_mem>>
        %dma_wait3A_459 = tpu.memref_squeeze %dma_wait3A_458 : memref<1x!tpu.dma_semaphore, #tpu.memory_space<semaphore_mem>> -> memref<!tpu.dma_semaphore, #tpu.memory_space<semaphore_mem>>
        %dma_wait3A_460 = tpu.memref_slice %arg5[%add3A_453] : memref<1048576xf32, #tpu.memory_space<hbm>> -> memref<512xf32, #tpu.memory_space<hbm>>
        %dma_wait3A_461 = arith.constant 0 : i32
        %dma_wait3A_462 = tpu.memref_slice %arg10[%rem3A_320, %dma_wait3A_461] : memref<2x512xf32, #tpu.memory_space<vmem>> -> memref<1x512xf32, #tpu.memory_space<vmem>>
        %dma_wait3A_463 = tpu.memref_squeeze %dma_wait3A_462 : memref<1x512xf32, #tpu.memory_space<vmem>> -> memref<512xf32, #tpu.memory_space<vmem>>
        tpu.wait_dma2 semaphore(%dma_wait3A_459 : memref<!tpu.dma_semaphore, #tpu.memory_space<semaphore_mem>>) src(%dma_wait3A_463 : memref<512xf32, #tpu.memory_space<vmem>>) dst(%dma_wait3A_460 : memref<512xf32, #tpu.memory_space<hbm>>)
      } else {
      }
      %scan3A_419 = arith.constant 0 : i32
      %scan3A_420 = arith.constant 0 : i32
      %scan3A_421 = arith.constant 32 : i32
      %scan3A_422 = arith.addi %scan3A_420, %scan3A_421 : i32
      %scan3A_423 = arith.constant 1 : i32
      %scan3A_424 = scf.for %scan3A_448 = %scan3A_420 to %scan3A_422 step %scan3A_423 iter_args(%scan3A_449 = %scan3A_419) -> (i32)  : i32 {
        %mul3A_450 = arith.constant 16 : i32
        %mul3A_451 = arith.muli %scan3A_448, %mul3A_450 : i32
        %broadcast_in_dim3A = arith.constant 0.000000e+00 : f32
        %broadcast_in_dim3A_452 = vector.broadcast %broadcast_in_dim3A : f32 to vector<16xf32>
        %add3A_453 = arith.constant 0 : i32
        %add3A_454 = arith.addi %mul3A_451, %add3A_453 : i32
        %get3A = arith.index_cast %rem3A_320 : i32 to index
        %get3A_455 = arith.index_cast %add3A_454 : i32 to index
        %get3A_456 = arith.constant 0 : index
        %get3A_457 = tpu.vector_load %arg8[%get3A, %get3A_455, %get3A_456] {strides = array<i32>} : memref<2x512x32xf32, #tpu.memory_space<vmem>>, vector<1x1x16xf32>,
        %get3A_458 = vector.shape_cast %get3A_457 : vector<1x1x16xf32> to vector<16xf32>
        %get3A_459 = arith.index_cast %rem3A_320 : i32 to index
        %get3A_460 = arith.index_cast %add3A_454 : i32 to index
        %get3A_461 = arith.constant 16 : index
        %get3A_462 = tpu.vector_load %arg8[%get3A_459, %get3A_460, %get3A_461] {strides = array<i32>} : memref<2x512x32xf32, #tpu.memory_space<vmem>>, vector<1x1x16xf32>,
        %get3A_463 = vector.shape_cast %get3A_462 : vector<1x1x16xf32> to vector<16xf32>
        %get3A_464 = arith.index_cast %rem3A_320 : i32 to index
        %get3A_465 = arith.index_cast %add3A_454 : i32 to index
        %get3A_466 = arith.constant 0 : index
        %get3A_467 = tpu.vector_load %arg9[%get3A_464, %get3A_465, %get3A_466] {strides = array<i32>} : memref<2x512x32xf32, #tpu.memory_space<vmem>>, vector<1x1x16xf32>,
        %get3A_468 = vector.shape_cast %get3A_467 : vector<1x1x16xf32> to vector<16xf32>
        %get3A_469 = arith.index_cast %rem3A_320 : i32 to index
        %get3A_470 = arith.index_cast %add3A_454 : i32 to index
        %get3A_471 = arith.constant 16 : index
        %get3A_472 = tpu.vector_load %arg9[%get3A_469, %get3A_470, %get3A_471] {strides = array<i32>} : memref<2x512x32xf32, #tpu.memory_space<vmem>>, vector<1x1x16xf32>,
        %get3A_473 = vector.shape_cast %get3A_472 : vector<1x1x16xf32> to vector<16xf32>
        %mul3A_474 = arith.mulf %get3A_458, %get3A_468 : vector<16xf32>
        %mul3A_475 = arith.mulf %get3A_463, %get3A_473 : vector<16xf32>
        %add3A_476 = arith.addf %mul3A_474, %mul3A_475 : vector<16xf32>
        %broadcast_in_dim3A_477 = vector.shape_cast %xor3A_2 : vector<16xi32> to vector<16x1xi32>
        %gather3A = vector.shape_cast %broadcast_in_dim3A_477 : vector<16x1xi32> to vector<16xi32>
        %gather3A_478 = tpu.dynamic_gather %add3A_476[%gather3A] in [0] : vector<16xf32>, vector<16xi32> -> vector<16xf32>
        %add3A_479 = arith.addf %add3A_476, %gather3A_478 : vector<16xf32>
        %broadcast_in_dim3A_480 = vector.shape_cast %xor3A_5 : vector<16xi32> to vector<16x1xi32>
        %gather3A_481 = vector.shape_cast %broadcast_in_dim3A_480 : vector<16x1xi32> to vector<16xi32>
        %gather3A_482 = tpu.dynamic_gather %add3A_479[%gather3A_481] in [0] : vector<16xf32>, vector<16xi32> -> vector<16xf32>
        %add3A_483 = arith.addf %add3A_479, %gather3A_482 : vector<16xf32>
        %broadcast_in_dim3A_484 = vector.shape_cast %xor3A_8 : vector<16xi32> to vector<16x1xi32>
        %gather3A_485 = vector.shape_cast %broadcast_in_dim3A_484 : vector<16x1xi32> to vector<16xi32>
        %gather3A_486 = tpu.dynamic_gather %add3A_483[%gather3A_485] in [0] : vector<16xf32>, vector<16xi32> -> vector<16xf32>
        %add3A_487 = arith.addf %add3A_483, %gather3A_486 : vector<16xf32>
        %broadcast_in_dim3A_488 = vector.shape_cast %xor3A_11 : vector<16xi32> to vector<16x1xi32>
        %gather3A_489 = vector.shape_cast %broadcast_in_dim3A_488 : vector<16x1xi32> to vector<16xi32>
        %gather3A_490 = tpu.dynamic_gather %add3A_487[%gather3A_489] in [0] : vector<16xf32>, vector<16xi32> -> vector<16xf32>
        %add3A_491 = arith.addf %add3A_487, %gather3A_490 : vector<16xf32>
        %eq3A = arith.constant 0 : i32
        %eq3A_492 = vector.broadcast %eq3A : i32 to vector<16xi32>
        %eq3A_493 = arith.cmpi eq, %iota3A, %eq3A_492 : vector<16xi32>
        %select_n3A = arith.select %eq3A_493, %add3A_491, %broadcast_in_dim3A_452 : vector<16xi1>, vector<16xf32>
        %add3A_494 = arith.constant 1 : i32
        %add3A_495 = arith.addi %mul3A_451, %add3A_494 : i32
        %get3A_496 = arith.index_cast %rem3A_320 : i32 to index
        %get3A_497 = arith.index_cast %add3A_495 : i32 to index
        %get3A_498 = arith.constant 0 : index
        %get3A_499 = tpu.vector_load %arg8[%get3A_496, %get3A_497, %get3A_498] {strides = array<i32>} : memref<2x512x32xf32, #tpu.memory_space<vmem>>, vector<1x1x16xf32>,
        %get3A_500 = vector.shape_cast %get3A_499 : vector<1x1x16xf32> to vector<16xf32>
        %get3A_501 = arith.index_cast %rem3A_320 : i32 to index
        %get3A_502 = arith.index_cast %add3A_495 : i32 to index
        %get3A_503 = arith.constant 16 : index
        %get3A_504 = tpu.vector_load %arg8[%get3A_501, %get3A_502, %get3A_503] {strides = array<i32>} : memref<2x512x32xf32, #tpu.memory_space<vmem>>, vector<1x1x16xf32>,
        %get3A_505 = vector.shape_cast %get3A_504 : vector<1x1x16xf32> to vector<16xf32>
        %get3A_506 = arith.index_cast %rem3A_320 : i32 to index
        %get3A_507 = arith.index_cast %add3A_495 : i32 to index
        %get3A_508 = arith.constant 0 : index
        %get3A_509 = tpu.vector_load %arg9[%get3A_506, %get3A_507, %get3A_508] {strides = array<i32>} : memref<2x512x32xf32, #tpu.memory_space<vmem>>, vector<1x1x16xf32>,
        %get3A_510 = vector.shape_cast %get3A_509 : vector<1x1x16xf32> to vector<16xf32>
        %get3A_511 = arith.index_cast %rem3A_320 : i32 to index
        %get3A_512 = arith.index_cast %add3A_495 : i32 to index
        %get3A_513 = arith.constant 16 : index
        %get3A_514 = tpu.vector_load %arg9[%get3A_511, %get3A_512, %get3A_513] {strides = array<i32>} : memref<2x512x32xf32, #tpu.memory_space<vmem>>, vector<1x1x16xf32>,
        %get3A_515 = vector.shape_cast %get3A_514 : vector<1x1x16xf32> to vector<16xf32>
        %mul3A_516 = arith.mulf %get3A_500, %get3A_510 : vector<16xf32>
        %mul3A_517 = arith.mulf %get3A_505, %get3A_515 : vector<16xf32>
        %add3A_518 = arith.addf %mul3A_516, %mul3A_517 : vector<16xf32>
        %broadcast_in_dim3A_519 = vector.shape_cast %xor3A_2 : vector<16xi32> to vector<16x1xi32>
        %gather3A_520 = vector.shape_cast %broadcast_in_dim3A_519 : vector<16x1xi32> to vector<16xi32>
        %gather3A_521 = tpu.dynamic_gather %add3A_518[%gather3A_520] in [0] : vector<16xf32>, vector<16xi32> -> vector<16xf32>
        %add3A_522 = arith.addf %add3A_518, %gather3A_521 : vector<16xf32>
        %broadcast_in_dim3A_523 = vector.shape_cast %xor3A_5 : vector<16xi32> to vector<16x1xi32>
        %gather3A_524 = vector.shape_cast %broadcast_in_dim3A_523 : vector<16x1xi32> to vector<16xi32>
        %gather3A_525 = tpu.dynamic_gather %add3A_522[%gather3A_524] in [0] : vector<16xf32>, vector<16xi32> -> vector<16xf32>
        %add3A_526 = arith.addf %add3A_522, %gather3A_525 : vector<16xf32>
        %broadcast_in_dim3A_527 = vector.shape_cast %xor3A_8 : vector<16xi32> to vector<16x1xi32>
        %gather3A_528 = vector.shape_cast %broadcast_in_dim3A_527 : vector<16x1xi32> to vector<16xi32>
        %gather3A_529 = tpu.dynamic_gather %add3A_526[%gather3A_528] in [0] : vector<16xf32>, vector<16xi32> -> vector<16xf32>
        %add3A_530 = arith.addf %add3A_526, %gather3A_529 : vector<16xf32>
        %broadcast_in_dim3A_531 = vector.shape_cast %xor3A_11 : vector<16xi32> to vector<16x1xi32>
        %gather3A_532 = vector.shape_cast %broadcast_in_dim3A_531 : vector<16x1xi32> to vector<16xi32>
        %gather3A_533 = tpu.dynamic_gather %add3A_530[%gather3A_532] in [0] : vector<16xf32>, vector<16xi32> -> vector<16xf32>
        %add3A_534 = arith.addf %add3A_530, %gather3A_533 : vector<16xf32>
        %eq3A_535 = arith.constant 1 : i32
        %eq3A_536 = vector.broadcast %eq3A_535 : i32 to vector<16xi32>
        %eq3A_537 = arith.cmpi eq, %iota3A, %eq3A_536 : vector<16xi32>
        %select_n3A_538 = arith.select %eq3A_537, %add3A_534, %select_n3A : vector<16xi1>, vector<16xf32>
        %add3A_539 = arith.constant 2 : i32
        %add3A_540 = arith.addi %mul3A_451, %add3A_539 : i32
        %get3A_541 = arith.index_cast %rem3A_320 : i32 to index
        %get3A_542 = arith.index_cast %add3A_540 : i32 to index
        %get3A_543 = arith.constant 0 : index
        %get3A_544 = tpu.vector_load %arg8[%get3A_541, %get3A_542, %get3A_543] {strides = array<i32>} : memref<2x512x32xf32, #tpu.memory_space<vmem>>, vector<1x1x16xf32>,
        %get3A_545 = vector.shape_cast %get3A_544 : vector<1x1x16xf32> to vector<16xf32>
        %get3A_546 = arith.index_cast %rem3A_320 : i32 to index
        %get3A_547 = arith.index_cast %add3A_540 : i32 to index
        %get3A_548 = arith.constant 16 : index
        %get3A_549 = tpu.vector_load %arg8[%get3A_546, %get3A_547, %get3A_548] {strides = array<i32>} : memref<2x512x32xf32, #tpu.memory_space<vmem>>, vector<1x1x16xf32>,
        %get3A_550 = vector.shape_cast %get3A_549 : vector<1x1x16xf32> to vector<16xf32>
        %get3A_551 = arith.index_cast %rem3A_320 : i32 to index
        %get3A_552 = arith.index_cast %add3A_540 : i32 to index
        %get3A_553 = arith.constant 0 : index
        %get3A_554 = tpu.vector_load %arg9[%get3A_551, %get3A_552, %get3A_553] {strides = array<i32>} : memref<2x512x32xf32, #tpu.memory_space<vmem>>, vector<1x1x16xf32>,
        %get3A_555 = vector.shape_cast %get3A_554 : vector<1x1x16xf32> to vector<16xf32>
        %get3A_556 = arith.index_cast %rem3A_320 : i32 to index
        %get3A_557 = arith.index_cast %add3A_540 : i32 to index
        %get3A_558 = arith.constant 16 : index
        %get3A_559 = tpu.vector_load %arg9[%get3A_556, %get3A_557, %get3A_558] {strides = array<i32>} : memref<2x512x32xf32, #tpu.memory_space<vmem>>, vector<1x1x16xf32>,
        %get3A_560 = vector.shape_cast %get3A_559 : vector<1x1x16xf32> to vector<16xf32>
        %mul3A_561 = arith.mulf %get3A_545, %get3A_555 : vector<16xf32>
        %mul3A_562 = arith.mulf %get3A_550, %get3A_560 : vector<16xf32>
        %add3A_563 = arith.addf %mul3A_561, %mul3A_562 : vector<16xf32>
        %broadcast_in_dim3A_564 = vector.shape_cast %xor3A_2 : vector<16xi32> to vector<16x1xi32>
        %gather3A_565 = vector.shape_cast %broadcast_in_dim3A_564 : vector<16x1xi32> to vector<16xi32>
        %gather3A_566 = tpu.dynamic_gather %add3A_563[%gather3A_565] in [0] : vector<16xf32>, vector<16xi32> -> vector<16xf32>
        %add3A_567 = arith.addf %add3A_563, %gather3A_566 : vector<16xf32>
        %broadcast_in_dim3A_568 = vector.shape_cast %xor3A_5 : vector<16xi32> to vector<16x1xi32>
        %gather3A_569 = vector.shape_cast %broadcast_in_dim3A_568 : vector<16x1xi32> to vector<16xi32>
        %gather3A_570 = tpu.dynamic_gather %add3A_567[%gather3A_569] in [0] : vector<16xf32>, vector<16xi32> -> vector<16xf32>
        %add3A_571 = arith.addf %add3A_567, %gather3A_570 : vector<16xf32>
        %broadcast_in_dim3A_572 = vector.shape_cast %xor3A_8 : vector<16xi32> to vector<16x1xi32>
        %gather3A_573 = vector.shape_cast %broadcast_in_dim3A_572 : vector<16x1xi32> to vector<16xi32>
        %gather3A_574 = tpu.dynamic_gather %add3A_571[%gather3A_573] in [0] : vector<16xf32>, vector<16xi32> -> vector<16xf32>
        %add3A_575 = arith.addf %add3A_571, %gather3A_574 : vector<16xf32>
        %broadcast_in_dim3A_576 = vector.shape_cast %xor3A_11 : vector<16xi32> to vector<16x1xi32>
        %gather3A_577 = vector.shape_cast %broadcast_in_dim3A_576 : vector<16x1xi32> to vector<16xi32>
        %gather3A_578 = tpu.dynamic_gather %add3A_575[%gather3A_577] in [0] : vector<16xf32>, vector<16xi32> -> vector<16xf32>
        %add3A_579 = arith.addf %add3A_575, %gather3A_578 : vector<16xf32>
        %eq3A_580 = arith.constant 2 : i32
        %eq3A_581 = vector.broadcast %eq3A_580 : i32 to vector<16xi32>
        %eq3A_582 = arith.cmpi eq, %iota3A, %eq3A_581 : vector<16xi32>
        %select_n3A_583 = arith.select %eq3A_582, %add3A_579, %select_n3A_538 : vector<16xi1>, vector<16xf32>
        %add3A_584 = arith.constant 3 : i32
        %add3A_585 = arith.addi %mul3A_451, %add3A_584 : i32
        %get3A_586 = arith.index_cast %rem3A_320 : i32 to index
        %get3A_587 = arith.index_cast %add3A_585 : i32 to index
        %get3A_588 = arith.constant 0 : index
        %get3A_589 = tpu.vector_load %arg8[%get3A_586, %get3A_587, %get3A_588] {strides = array<i32>} : memref<2x512x32xf32, #tpu.memory_space<vmem>>, vector<1x1x16xf32>,
        %get3A_590 = vector.shape_cast %get3A_589 : vector<1x1x16xf32> to vector<16xf32>
        %get3A_591 = arith.index_cast %rem3A_320 : i32 to index
        %get3A_592 = arith.index_cast %add3A_585 : i32 to index
        %get3A_593 = arith.constant 16 : index
        %get3A_594 = tpu.vector_load %arg8[%get3A_591, %get3A_592, %get3A_593] {strides = array<i32>} : memref<2x512x32xf32, #tpu.memory_space<vmem>>, vector<1x1x16xf32>,
        %get3A_595 = vector.shape_cast %get3A_594 : vector<1x1x16xf32> to vector<16xf32>
        %get3A_596 = arith.index_cast %rem3A_320 : i32 to index
        %get3A_597 = arith.index_cast %add3A_585 : i32 to index
        %get3A_598 = arith.constant 0 : index
        %get3A_599 = tpu.vector_load %arg9[%get3A_596, %get3A_597, %get3A_598] {strides = array<i32>} : memref<2x512x32xf32, #tpu.memory_space<vmem>>, vector<1x1x16xf32>,
        %get3A_600 = vector.shape_cast %get3A_599 : vector<1x1x16xf32> to vector<16xf32>
        %get3A_601 = arith.index_cast %rem3A_320 : i32 to index
        %get3A_602 = arith.index_cast %add3A_585 : i32 to index
        %get3A_603 = arith.constant 16 : index
        %get3A_604 = tpu.vector_load %arg9[%get3A_601, %get3A_602, %get3A_603] {strides = array<i32>} : memref<2x512x32xf32, #tpu.memory_space<vmem>>, vector<1x1x16xf32>,
        %get3A_605 = vector.shape_cast %get3A_604 : vector<1x1x16xf32> to vector<16xf32>
        %mul3A_606 = arith.mulf %get3A_590, %get3A_600 : vector<16xf32>
        %mul3A_607 = arith.mulf %get3A_595, %get3A_605 : vector<16xf32>
        %add3A_608 = arith.addf %mul3A_606, %mul3A_607 : vector<16xf32>
        %broadcast_in_dim3A_609 = vector.shape_cast %xor3A_2 : vector<16xi32> to vector<16x1xi32>
        %gather3A_610 = vector.shape_cast %broadcast_in_dim3A_609 : vector<16x1xi32> to vector<16xi32>
        %gather3A_611 = tpu.dynamic_gather %add3A_608[%gather3A_610] in [0] : vector<16xf32>, vector<16xi32> -> vector<16xf32>
        %add3A_612 = arith.addf %add3A_608, %gather3A_611 : vector<16xf32>
        %broadcast_in_dim3A_613 = vector.shape_cast %xor3A_5 : vector<16xi32> to vector<16x1xi32>
        %gather3A_614 = vector.shape_cast %broadcast_in_dim3A_613 : vector<16x1xi32> to vector<16xi32>
        %gather3A_615 = tpu.dynamic_gather %add3A_612[%gather3A_614] in [0] : vector<16xf32>, vector<16xi32> -> vector<16xf32>
        %add3A_616 = arith.addf %add3A_612, %gather3A_615 : vector<16xf32>
        %broadcast_in_dim3A_617 = vector.shape_cast %xor3A_8 : vector<16xi32> to vector<16x1xi32>
        %gather3A_618 = vector.shape_cast %broadcast_in_dim3A_617 : vector<16x1xi32> to vector<16xi32>
        %gather3A_619 = tpu.dynamic_gather %add3A_616[%gather3A_618] in [0] : vector<16xf32>, vector<16xi32> -> vector<16xf32>
        %add3A_620 = arith.addf %add3A_616, %gather3A_619 : vector<16xf32>
        %broadcast_in_dim3A_621 = vector.shape_cast %xor3A_11 : vector<16xi32> to vector<16x1xi32>
        %gather3A_622 = vector.shape_cast %broadcast_in_dim3A_621 : vector<16x1xi32> to vector<16xi32>
        %gather3A_623 = tpu.dynamic_gather %add3A_620[%gather3A_622] in [0] : vector<16xf32>, vector<16xi32> -> vector<16xf32>
        %add3A_624 = arith.addf %add3A_620, %gather3A_623 : vector<16xf32>
        %eq3A_625 = arith.constant 3 : i32
        %eq3A_626 = vector.broadcast %eq3A_625 : i32 to vector<16xi32>
        %eq3A_627 = arith.cmpi eq, %iota3A, %eq3A_626 : vector<16xi32>
        %select_n3A_628 = arith.select %eq3A_627, %add3A_624, %select_n3A_583 : vector<16xi1>, vector<16xf32>
        %add3A_629 = arith.constant 4 : i32
        %add3A_630 = arith.addi %mul3A_451, %add3A_629 : i32
        %get3A_631 = arith.index_cast %rem3A_320 : i32 to index
        %get3A_632 = arith.index_cast %add3A_630 : i32 to index
        %get3A_633 = arith.constant 0 : index
        %get3A_634 = tpu.vector_load %arg8[%get3A_631, %get3A_632, %get3A_633] {strides = array<i32>} : memref<2x512x32xf32, #tpu.memory_space<vmem>>, vector<1x1x16xf32>,
        %get3A_635 = vector.shape_cast %get3A_634 : vector<1x1x16xf32> to vector<16xf32>
        %get3A_636 = arith.index_cast %rem3A_320 : i32 to index
        %get3A_637 = arith.index_cast %add3A_630 : i32 to index
        %get3A_638 = arith.constant 16 : index
        %get3A_639 = tpu.vector_load %arg8[%get3A_636, %get3A_637, %get3A_638] {strides = array<i32>} : memref<2x512x32xf32, #tpu.memory_space<vmem>>, vector<1x1x16xf32>,
        %get3A_640 = vector.shape_cast %get3A_639 : vector<1x1x16xf32> to vector<16xf32>
        %get3A_641 = arith.index_cast %rem3A_320 : i32 to index
        %get3A_642 = arith.index_cast %add3A_630 : i32 to index
        %get3A_643 = arith.constant 0 : index
        %get3A_644 = tpu.vector_load %arg9[%get3A_641, %get3A_642, %get3A_643] {strides = array<i32>} : memref<2x512x32xf32, #tpu.memory_space<vmem>>, vector<1x1x16xf32>,
        %get3A_645 = vector.shape_cast %get3A_644 : vector<1x1x16xf32> to vector<16xf32>
        %get3A_646 = arith.index_cast %rem3A_320 : i32 to index
        %get3A_647 = arith.index_cast %add3A_630 : i32 to index
        %get3A_648 = arith.constant 16 : index
        %get3A_649 = tpu.vector_load %arg9[%get3A_646, %get3A_647, %get3A_648] {strides = array<i32>} : memref<2x512x32xf32, #tpu.memory_space<vmem>>, vector<1x1x16xf32>,
        %get3A_650 = vector.shape_cast %get3A_649 : vector<1x1x16xf32> to vector<16xf32>
        %mul3A_651 = arith.mulf %get3A_635, %get3A_645 : vector<16xf32>
        %mul3A_652 = arith.mulf %get3A_640, %get3A_650 : vector<16xf32>
        %add3A_653 = arith.addf %mul3A_651, %mul3A_652 : vector<16xf32>
        %broadcast_in_dim3A_654 = vector.shape_cast %xor3A_2 : vector<16xi32> to vector<16x1xi32>
        %gather3A_655 = vector.shape_cast %broadcast_in_dim3A_654 : vector<16x1xi32> to vector<16xi32>
        %gather3A_656 = tpu.dynamic_gather %add3A_653[%gather3A_655] in [0] : vector<16xf32>, vector<16xi32> -> vector<16xf32>
        %add3A_657 = arith.addf %add3A_653, %gather3A_656 : vector<16xf32>
        %broadcast_in_dim3A_658 = vector.shape_cast %xor3A_5 : vector<16xi32> to vector<16x1xi32>
        %gather3A_659 = vector.shape_cast %broadcast_in_dim3A_658 : vector<16x1xi32> to vector<16xi32>
        %gather3A_660 = tpu.dynamic_gather %add3A_657[%gather3A_659] in [0] : vector<16xf32>, vector<16xi32> -> vector<16xf32>
        %add3A_661 = arith.addf %add3A_657, %gather3A_660 : vector<16xf32>
        %broadcast_in_dim3A_662 = vector.shape_cast %xor3A_8 : vector<16xi32> to vector<16x1xi32>
        %gather3A_663 = vector.shape_cast %broadcast_in_dim3A_662 : vector<16x1xi32> to vector<16xi32>
        %gather3A_664 = tpu.dynamic_gather %add3A_661[%gather3A_663] in [0] : vector<16xf32>, vector<16xi32> -> vector<16xf32>
        %add3A_665 = arith.addf %add3A_661, %gather3A_664 : vector<16xf32>
        %broadcast_in_dim3A_666 = vector.shape_cast %xor3A_11 : vector<16xi32> to vector<16x1xi32>
        %gather3A_667 = vector.shape_cast %broadcast_in_dim3A_666 : vector<16x1xi32> to vector<16xi32>
        %gather3A_668 = tpu.dynamic_gather %add3A_665[%gather3A_667] in [0] : vector<16xf32>, vector<16xi32> -> vector<16xf32>
        %add3A_669 = arith.addf %add3A_665, %gather3A_668 : vector<16xf32>
        %eq3A_670 = arith.constant 4 : i32
        %eq3A_671 = vector.broadcast %eq3A_670 : i32 to vector<16xi32>
        %eq3A_672 = arith.cmpi eq, %iota3A, %eq3A_671 : vector<16xi32>
        %select_n3A_673 = arith.select %eq3A_672, %add3A_669, %select_n3A_628 : vector<16xi1>, vector<16xf32>
        %add3A_674 = arith.constant 5 : i32
        %add3A_675 = arith.addi %mul3A_451, %add3A_674 : i32
        %get3A_676 = arith.index_cast %rem3A_320 : i32 to index
        %get3A_677 = arith.index_cast %add3A_675 : i32 to index
        %get3A_678 = arith.constant 0 : index
        %get3A_679 = tpu.vector_load %arg8[%get3A_676, %get3A_677, %get3A_678] {strides = array<i32>} : memref<2x512x32xf32, #tpu.memory_space<vmem>>, vector<1x1x16xf32>,
        %get3A_680 = vector.shape_cast %get3A_679 : vector<1x1x16xf32> to vector<16xf32>
        %get3A_681 = arith.index_cast %rem3A_320 : i32 to index
        %get3A_682 = arith.index_cast %add3A_675 : i32 to index
        %get3A_683 = arith.constant 16 : index
        %get3A_684 = tpu.vector_load %arg8[%get3A_681, %get3A_682, %get3A_683] {strides = array<i32>} : memref<2x512x32xf32, #tpu.memory_space<vmem>>, vector<1x1x16xf32>,
        %get3A_685 = vector.shape_cast %get3A_684 : vector<1x1x16xf32> to vector<16xf32>
        %get3A_686 = arith.index_cast %rem3A_320 : i32 to index
        %get3A_687 = arith.index_cast %add3A_675 : i32 to index
        %get3A_688 = arith.constant 0 : index
        %get3A_689 = tpu.vector_load %arg9[%get3A_686, %get3A_687, %get3A_688] {strides = array<i32>} : memref<2x512x32xf32, #tpu.memory_space<vmem>>, vector<1x1x16xf32>,
        %get3A_690 = vector.shape_cast %get3A_689 : vector<1x1x16xf32> to vector<16xf32>
        %get3A_691 = arith.index_cast %rem3A_320 : i32 to index
        %get3A_692 = arith.index_cast %add3A_675 : i32 to index
        %get3A_693 = arith.constant 16 : index
        %get3A_694 = tpu.vector_load %arg9[%get3A_691, %get3A_692, %get3A_693] {strides = array<i32>} : memref<2x512x32xf32, #tpu.memory_space<vmem>>, vector<1x1x16xf32>,
        %get3A_695 = vector.shape_cast %get3A_694 : vector<1x1x16xf32> to vector<16xf32>
        %mul3A_696 = arith.mulf %get3A_680, %get3A_690 : vector<16xf32>
        %mul3A_697 = arith.mulf %get3A_685, %get3A_695 : vector<16xf32>
        %add3A_698 = arith.addf %mul3A_696, %mul3A_697 : vector<16xf32>
        %broadcast_in_dim3A_699 = vector.shape_cast %xor3A_2 : vector<16xi32> to vector<16x1xi32>
        %gather3A_700 = vector.shape_cast %broadcast_in_dim3A_699 : vector<16x1xi32> to vector<16xi32>
        %gather3A_701 = tpu.dynamic_gather %add3A_698[%gather3A_700] in [0] : vector<16xf32>, vector<16xi32> -> vector<16xf32>
        %add3A_702 = arith.addf %add3A_698, %gather3A_701 : vector<16xf32>
        %broadcast_in_dim3A_703 = vector.shape_cast %xor3A_5 : vector<16xi32> to vector<16x1xi32>
        %gather3A_704 = vector.shape_cast %broadcast_in_dim3A_703 : vector<16x1xi32> to vector<16xi32>
        %gather3A_705 = tpu.dynamic_gather %add3A_702[%gather3A_704] in [0] : vector<16xf32>, vector<16xi32> -> vector<16xf32>
        %add3A_706 = arith.addf %add3A_702, %gather3A_705 : vector<16xf32>
        %broadcast_in_dim3A_707 = vector.shape_cast %xor3A_8 : vector<16xi32> to vector<16x1xi32>
        %gather3A_708 = vector.shape_cast %broadcast_in_dim3A_707 : vector<16x1xi32> to vector<16xi32>
        %gather3A_709 = tpu.dynamic_gather %add3A_706[%gather3A_708] in [0] : vector<16xf32>, vector<16xi32> -> vector<16xf32>
        %add3A_710 = arith.addf %add3A_706, %gather3A_709 : vector<16xf32>
        %broadcast_in_dim3A_711 = vector.shape_cast %xor3A_11 : vector<16xi32> to vector<16x1xi32>
        %gather3A_712 = vector.shape_cast %broadcast_in_dim3A_711 : vector<16x1xi32> to vector<16xi32>
        %gather3A_713 = tpu.dynamic_gather %add3A_710[%gather3A_712] in [0] : vector<16xf32>, vector<16xi32> -> vector<16xf32>
        %add3A_714 = arith.addf %add3A_710, %gather3A_713 : vector<16xf32>
        %eq3A_715 = arith.constant 5 : i32
        %eq3A_716 = vector.broadcast %eq3A_715 : i32 to vector<16xi32>
        %eq3A_717 = arith.cmpi eq, %iota3A, %eq3A_716 : vector<16xi32>
        %select_n3A_718 = arith.select %eq3A_717, %add3A_714, %select_n3A_673 : vector<16xi1>, vector<16xf32>
        %add3A_719 = arith.constant 6 : i32
        %add3A_720 = arith.addi %mul3A_451, %add3A_719 : i32
        %get3A_721 = arith.index_cast %rem3A_320 : i32 to index
        %get3A_722 = arith.index_cast %add3A_720 : i32 to index
        %get3A_723 = arith.constant 0 : index
        %get3A_724 = tpu.vector_load %arg8[%get3A_721, %get3A_722, %get3A_723] {strides = array<i32>} : memref<2x512x32xf32, #tpu.memory_space<vmem>>, vector<1x1x16xf32>,
        %get3A_725 = vector.shape_cast %get3A_724 : vector<1x1x16xf32> to vector<16xf32>
        %get3A_726 = arith.index_cast %rem3A_320 : i32 to index
        %get3A_727 = arith.index_cast %add3A_720 : i32 to index
        %get3A_728 = arith.constant 16 : index
        %get3A_729 = tpu.vector_load %arg8[%get3A_726, %get3A_727, %get3A_728] {strides = array<i32>} : memref<2x512x32xf32, #tpu.memory_space<vmem>>, vector<1x1x16xf32>,
        %get3A_730 = vector.shape_cast %get3A_729 : vector<1x1x16xf32> to vector<16xf32>
        %get3A_731 = arith.index_cast %rem3A_320 : i32 to index
        %get3A_732 = arith.index_cast %add3A_720 : i32 to index
        %get3A_733 = arith.constant 0 : index
        %get3A_734 = tpu.vector_load %arg9[%get3A_731, %get3A_732, %get3A_733] {strides = array<i32>} : memref<2x512x32xf32, #tpu.memory_space<vmem>>, vector<1x1x16xf32>,
        %get3A_735 = vector.shape_cast %get3A_734 : vector<1x1x16xf32> to vector<16xf32>
        %get3A_736 = arith.index_cast %rem3A_320 : i32 to index
        %get3A_737 = arith.index_cast %add3A_720 : i32 to index
        %get3A_738 = arith.constant 16 : index
        %get3A_739 = tpu.vector_load %arg9[%get3A_736, %get3A_737, %get3A_738] {strides = array<i32>} : memref<2x512x32xf32, #tpu.memory_space<vmem>>, vector<1x1x16xf32>,
        %get3A_740 = vector.shape_cast %get3A_739 : vector<1x1x16xf32> to vector<16xf32>
        %mul3A_741 = arith.mulf %get3A_725, %get3A_735 : vector<16xf32>
        %mul3A_742 = arith.mulf %get3A_730, %get3A_740 : vector<16xf32>
        %add3A_743 = arith.addf %mul3A_741, %mul3A_742 : vector<16xf32>
        %broadcast_in_dim3A_744 = vector.shape_cast %xor3A_2 : vector<16xi32> to vector<16x1xi32>
        %gather3A_745 = vector.shape_cast %broadcast_in_dim3A_744 : vector<16x1xi32> to vector<16xi32>
        %gather3A_746 = tpu.dynamic_gather %add3A_743[%gather3A_745] in [0] : vector<16xf32>, vector<16xi32> -> vector<16xf32>
        %add3A_747 = arith.addf %add3A_743, %gather3A_746 : vector<16xf32>
        %broadcast_in_dim3A_748 = vector.shape_cast %xor3A_5 : vector<16xi32> to vector<16x1xi32>
        %gather3A_749 = vector.shape_cast %broadcast_in_dim3A_748 : vector<16x1xi32> to vector<16xi32>
        %gather3A_750 = tpu.dynamic_gather %add3A_747[%gather3A_749] in [0] : vector<16xf32>, vector<16xi32> -> vector<16xf32>
        %add3A_751 = arith.addf %add3A_747, %gather3A_750 : vector<16xf32>
        %broadcast_in_dim3A_752 = vector.shape_cast %xor3A_8 : vector<16xi32> to vector<16x1xi32>
        %gather3A_753 = vector.shape_cast %broadcast_in_dim3A_752 : vector<16x1xi32> to vector<16xi32>
        %gather3A_754 = tpu.dynamic_gather %add3A_751[%gather3A_753] in [0] : vector<16xf32>, vector<16xi32> -> vector<16xf32>
        %add3A_755 = arith.addf %add3A_751, %gather3A_754 : vector<16xf32>
        %broadcast_in_dim3A_756 = vector.shape_cast %xor3A_11 : vector<16xi32> to vector<16x1xi32>
        %gather3A_757 = vector.shape_cast %broadcast_in_dim3A_756 : vector<16x1xi32> to vector<16xi32>
        %gather3A_758 = tpu.dynamic_gather %add3A_755[%gather3A_757] in [0] : vector<16xf32>, vector<16xi32> -> vector<16xf32>
        %add3A_759 = arith.addf %add3A_755, %gather3A_758 : vector<16xf32>
        %eq3A_760 = arith.constant 6 : i32
        %eq3A_761 = vector.broadcast %eq3A_760 : i32 to vector<16xi32>
        %eq3A_762 = arith.cmpi eq, %iota3A, %eq3A_761 : vector<16xi32>
        %select_n3A_763 = arith.select %eq3A_762, %add3A_759, %select_n3A_718 : vector<16xi1>, vector<16xf32>
        %add3A_764 = arith.constant 7 : i32
        %add3A_765 = arith.addi %mul3A_451, %add3A_764 : i32
        %get3A_766 = arith.index_cast %rem3A_320 : i32 to index
        %get3A_767 = arith.index_cast %add3A_765 : i32 to index
        %get3A_768 = arith.constant 0 : index
        %get3A_769 = tpu.vector_load %arg8[%get3A_766, %get3A_767, %get3A_768] {strides = array<i32>} : memref<2x512x32xf32, #tpu.memory_space<vmem>>, vector<1x1x16xf32>,
        %get3A_770 = vector.shape_cast %get3A_769 : vector<1x1x16xf32> to vector<16xf32>
        %get3A_771 = arith.index_cast %rem3A_320 : i32 to index
        %get3A_772 = arith.index_cast %add3A_765 : i32 to index
        %get3A_773 = arith.constant 16 : index
        %get3A_774 = tpu.vector_load %arg8[%get3A_771, %get3A_772, %get3A_773] {strides = array<i32>} : memref<2x512x32xf32, #tpu.memory_space<vmem>>, vector<1x1x16xf32>,
        %get3A_775 = vector.shape_cast %get3A_774 : vector<1x1x16xf32> to vector<16xf32>
        %get3A_776 = arith.index_cast %rem3A_320 : i32 to index
        %get3A_777 = arith.index_cast %add3A_765 : i32 to index
        %get3A_778 = arith.constant 0 : index
        %get3A_779 = tpu.vector_load %arg9[%get3A_776, %get3A_777, %get3A_778] {strides = array<i32>} : memref<2x512x32xf32, #tpu.memory_space<vmem>>, vector<1x1x16xf32>,
        %get3A_780 = vector.shape_cast %get3A_779 : vector<1x1x16xf32> to vector<16xf32>
        %get3A_781 = arith.index_cast %rem3A_320 : i32 to index
        %get3A_782 = arith.index_cast %add3A_765 : i32 to index
        %get3A_783 = arith.constant 16 : index
        %get3A_784 = tpu.vector_load %arg9[%get3A_781, %get3A_782, %get3A_783] {strides = array<i32>} : memref<2x512x32xf32, #tpu.memory_space<vmem>>, vector<1x1x16xf32>,
        %get3A_785 = vector.shape_cast %get3A_784 : vector<1x1x16xf32> to vector<16xf32>
        %mul3A_786 = arith.mulf %get3A_770, %get3A_780 : vector<16xf32>
        %mul3A_787 = arith.mulf %get3A_775, %get3A_785 : vector<16xf32>
        %add3A_788 = arith.addf %mul3A_786, %mul3A_787 : vector<16xf32>
        %broadcast_in_dim3A_789 = vector.shape_cast %xor3A_2 : vector<16xi32> to vector<16x1xi32>
        %gather3A_790 = vector.shape_cast %broadcast_in_dim3A_789 : vector<16x1xi32> to vector<16xi32>
        %gather3A_791 = tpu.dynamic_gather %add3A_788[%gather3A_790] in [0] : vector<16xf32>, vector<16xi32> -> vector<16xf32>
        %add3A_792 = arith.addf %add3A_788, %gather3A_791 : vector<16xf32>
        %broadcast_in_dim3A_793 = vector.shape_cast %xor3A_5 : vector<16xi32> to vector<16x1xi32>
        %gather3A_794 = vector.shape_cast %broadcast_in_dim3A_793 : vector<16x1xi32> to vector<16xi32>
        %gather3A_795 = tpu.dynamic_gather %add3A_792[%gather3A_794] in [0] : vector<16xf32>, vector<16xi32> -> vector<16xf32>
        %add3A_796 = arith.addf %add3A_792, %gather3A_795 : vector<16xf32>
        %broadcast_in_dim3A_797 = vector.shape_cast %xor3A_8 : vector<16xi32> to vector<16x1xi32>
        %gather3A_798 = vector.shape_cast %broadcast_in_dim3A_797 : vector<16x1xi32> to vector<16xi32>
        %gather3A_799 = tpu.dynamic_gather %add3A_796[%gather3A_798] in [0] : vector<16xf32>, vector<16xi32> -> vector<16xf32>
        %add3A_800 = arith.addf %add3A_796, %gather3A_799 : vector<16xf32>
        %broadcast_in_dim3A_801 = vector.shape_cast %xor3A_11 : vector<16xi32> to vector<16x1xi32>
        %gather3A_802 = vector.shape_cast %broadcast_in_dim3A_801 : vector<16x1xi32> to vector<16xi32>
        %gather3A_803 = tpu.dynamic_gather %add3A_800[%gather3A_802] in [0] : vector<16xf32>, vector<16xi32> -> vector<16xf32>
        %add3A_804 = arith.addf %add3A_800, %gather3A_803 : vector<16xf32>
        %eq3A_805 = arith.constant 7 : i32
        %eq3A_806 = vector.broadcast %eq3A_805 : i32 to vector<16xi32>
        %eq3A_807 = arith.cmpi eq, %iota3A, %eq3A_806 : vector<16xi32>
        %select_n3A_808 = arith.select %eq3A_807, %add3A_804, %select_n3A_763 : vector<16xi1>, vector<16xf32>
        %add3A_809 = arith.constant 8 : i32
        %add3A_810 = arith.addi %mul3A_451, %add3A_809 : i32
        %get3A_811 = arith.index_cast %rem3A_320 : i32 to index
        %get3A_812 = arith.index_cast %add3A_810 : i32 to index
        %get3A_813 = arith.constant 0 : index
        %get3A_814 = tpu.vector_load %arg8[%get3A_811, %get3A_812, %get3A_813] {strides = array<i32>} : memref<2x512x32xf32, #tpu.memory_space<vmem>>, vector<1x1x16xf32>,
        %get3A_815 = vector.shape_cast %get3A_814 : vector<1x1x16xf32> to vector<16xf32>
        %get3A_816 = arith.index_cast %rem3A_320 : i32 to index
        %get3A_817 = arith.index_cast %add3A_810 : i32 to index
        %get3A_818 = arith.constant 16 : index
        %get3A_819 = tpu.vector_load %arg8[%get3A_816, %get3A_817, %get3A_818] {strides = array<i32>} : memref<2x512x32xf32, #tpu.memory_space<vmem>>, vector<1x1x16xf32>,
        %get3A_820 = vector.shape_cast %get3A_819 : vector<1x1x16xf32> to vector<16xf32>
        %get3A_821 = arith.index_cast %rem3A_320 : i32 to index
        %get3A_822 = arith.index_cast %add3A_810 : i32 to index
        %get3A_823 = arith.constant 0 : index
        %get3A_824 = tpu.vector_load %arg9[%get3A_821, %get3A_822, %get3A_823] {strides = array<i32>} : memref<2x512x32xf32, #tpu.memory_space<vmem>>, vector<1x1x16xf32>,
        %get3A_825 = vector.shape_cast %get3A_824 : vector<1x1x16xf32> to vector<16xf32>
        %get3A_826 = arith.index_cast %rem3A_320 : i32 to index
        %get3A_827 = arith.index_cast %add3A_810 : i32 to index
        %get3A_828 = arith.constant 16 : index
        %get3A_829 = tpu.vector_load %arg9[%get3A_826, %get3A_827, %get3A_828] {strides = array<i32>} : memref<2x512x32xf32, #tpu.memory_space<vmem>>, vector<1x1x16xf32>,
        %get3A_830 = vector.shape_cast %get3A_829 : vector<1x1x16xf32> to vector<16xf32>
        %mul3A_831 = arith.mulf %get3A_815, %get3A_825 : vector<16xf32>
        %mul3A_832 = arith.mulf %get3A_820, %get3A_830 : vector<16xf32>
        %add3A_833 = arith.addf %mul3A_831, %mul3A_832 : vector<16xf32>
        %broadcast_in_dim3A_834 = vector.shape_cast %xor3A_2 : vector<16xi32> to vector<16x1xi32>
        %gather3A_835 = vector.shape_cast %broadcast_in_dim3A_834 : vector<16x1xi32> to vector<16xi32>
        %gather3A_836 = tpu.dynamic_gather %add3A_833[%gather3A_835] in [0] : vector<16xf32>, vector<16xi32> -> vector<16xf32>
        %add3A_837 = arith.addf %add3A_833, %gather3A_836 : vector<16xf32>
        %broadcast_in_dim3A_838 = vector.shape_cast %xor3A_5 : vector<16xi32> to vector<16x1xi32>
        %gather3A_839 = vector.shape_cast %broadcast_in_dim3A_838 : vector<16x1xi32> to vector<16xi32>
        %gather3A_840 = tpu.dynamic_gather %add3A_837[%gather3A_839] in [0] : vector<16xf32>, vector<16xi32> -> vector<16xf32>
        %add3A_841 = arith.addf %add3A_837, %gather3A_840 : vector<16xf32>
        %broadcast_in_dim3A_842 = vector.shape_cast %xor3A_8 : vector<16xi32> to vector<16x1xi32>
        %gather3A_843 = vector.shape_cast %broadcast_in_dim3A_842 : vector<16x1xi32> to vector<16xi32>
        %gather3A_844 = tpu.dynamic_gather %add3A_841[%gather3A_843] in [0] : vector<16xf32>, vector<16xi32> -> vector<16xf32>
        %add3A_845 = arith.addf %add3A_841, %gather3A_844 : vector<16xf32>
        %broadcast_in_dim3A_846 = vector.shape_cast %xor3A_11 : vector<16xi32> to vector<16x1xi32>
        %gather3A_847 = vector.shape_cast %broadcast_in_dim3A_846 : vector<16x1xi32> to vector<16xi32>
        %gather3A_848 = tpu.dynamic_gather %add3A_845[%gather3A_847] in [0] : vector<16xf32>, vector<16xi32> -> vector<16xf32>
        %add3A_849 = arith.addf %add3A_845, %gather3A_848 : vector<16xf32>
        %eq3A_850 = arith.constant 8 : i32
        %eq3A_851 = vector.broadcast %eq3A_850 : i32 to vector<16xi32>
        %eq3A_852 = arith.cmpi eq, %iota3A, %eq3A_851 : vector<16xi32>
        %select_n3A_853 = arith.select %eq3A_852, %add3A_849, %select_n3A_808 : vector<16xi1>, vector<16xf32>
        %add3A_854 = arith.constant 9 : i32
        %add3A_855 = arith.addi %mul3A_451, %add3A_854 : i32
        %get3A_856 = arith.index_cast %rem3A_320 : i32 to index
        %get3A_857 = arith.index_cast %add3A_855 : i32 to index
        %get3A_858 = arith.constant 0 : index
        %get3A_859 = tpu.vector_load %arg8[%get3A_856, %get3A_857, %get3A_858] {strides = array<i32>} : memref<2x512x32xf32, #tpu.memory_space<vmem>>, vector<1x1x16xf32>,
        %get3A_860 = vector.shape_cast %get3A_859 : vector<1x1x16xf32> to vector<16xf32>
        %get3A_861 = arith.index_cast %rem3A_320 : i32 to index
        %get3A_862 = arith.index_cast %add3A_855 : i32 to index
        %get3A_863 = arith.constant 16 : index
        %get3A_864 = tpu.vector_load %arg8[%get3A_861, %get3A_862, %get3A_863] {strides = array<i32>} : memref<2x512x32xf32, #tpu.memory_space<vmem>>, vector<1x1x16xf32>,
        %get3A_865 = vector.shape_cast %get3A_864 : vector<1x1x16xf32> to vector<16xf32>
        %get3A_866 = arith.index_cast %rem3A_320 : i32 to index
        %get3A_867 = arith.index_cast %add3A_855 : i32 to index
        %get3A_868 = arith.constant 0 : index
        %get3A_869 = tpu.vector_load %arg9[%get3A_866, %get3A_867, %get3A_868] {strides = array<i32>} : memref<2x512x32xf32, #tpu.memory_space<vmem>>, vector<1x1x16xf32>,
        %get3A_870 = vector.shape_cast %get3A_869 : vector<1x1x16xf32> to vector<16xf32>
        %get3A_871 = arith.index_cast %rem3A_320 : i32 to index
        %get3A_872 = arith.index_cast %add3A_855 : i32 to index
        %get3A_873 = arith.constant 16 : index
        %get3A_874 = tpu.vector_load %arg9[%get3A_871, %get3A_872, %get3A_873] {strides = array<i32>} : memref<2x512x32xf32, #tpu.memory_space<vmem>>, vector<1x1x16xf32>,
        %get3A_875 = vector.shape_cast %get3A_874 : vector<1x1x16xf32> to vector<16xf32>
        %mul3A_876 = arith.mulf %get3A_860, %get3A_870 : vector<16xf32>
        %mul3A_877 = arith.mulf %get3A_865, %get3A_875 : vector<16xf32>
        %add3A_878 = arith.addf %mul3A_876, %mul3A_877 : vector<16xf32>
        %broadcast_in_dim3A_879 = vector.shape_cast %xor3A_2 : vector<16xi32> to vector<16x1xi32>
        %gather3A_880 = vector.shape_cast %broadcast_in_dim3A_879 : vector<16x1xi32> to vector<16xi32>
        %gather3A_881 = tpu.dynamic_gather %add3A_878[%gather3A_880] in [0] : vector<16xf32>, vector<16xi32> -> vector<16xf32>
        %add3A_882 = arith.addf %add3A_878, %gather3A_881 : vector<16xf32>
        %broadcast_in_dim3A_883 = vector.shape_cast %xor3A_5 : vector<16xi32> to vector<16x1xi32>
        %gather3A_884 = vector.shape_cast %broadcast_in_dim3A_883 : vector<16x1xi32> to vector<16xi32>
        %gather3A_885 = tpu.dynamic_gather %add3A_882[%gather3A_884] in [0] : vector<16xf32>, vector<16xi32> -> vector<16xf32>
        %add3A_886 = arith.addf %add3A_882, %gather3A_885 : vector<16xf32>
        %broadcast_in_dim3A_887 = vector.shape_cast %xor3A_8 : vector<16xi32> to vector<16x1xi32>
        %gather3A_888 = vector.shape_cast %broadcast_in_dim3A_887 : vector<16x1xi32> to vector<16xi32>
        %gather3A_889 = tpu.dynamic_gather %add3A_886[%gather3A_888] in [0] : vector<16xf32>, vector<16xi32> -> vector<16xf32>
        %add3A_890 = arith.addf %add3A_886, %gather3A_889 : vector<16xf32>
        %broadcast_in_dim3A_891 = vector.shape_cast %xor3A_11 : vector<16xi32> to vector<16x1xi32>
        %gather3A_892 = vector.shape_cast %broadcast_in_dim3A_891 : vector<16x1xi32> to vector<16xi32>
        %gather3A_893 = tpu.dynamic_gather %add3A_890[%gather3A_892] in [0] : vector<16xf32>, vector<16xi32> -> vector<16xf32>
        %add3A_894 = arith.addf %add3A_890, %gather3A_893 : vector<16xf32>
        %eq3A_895 = arith.constant 9 : i32
        %eq3A_896 = vector.broadcast %eq3A_895 : i32 to vector<16xi32>
        %eq3A_897 = arith.cmpi eq, %iota3A, %eq3A_896 : vector<16xi32>
        %select_n3A_898 = arith.select %eq3A_897, %add3A_894, %select_n3A_853 : vector<16xi1>, vector<16xf32>
        %add3A_899 = arith.constant 10 : i32
        %add3A_900 = arith.addi %mul3A_451, %add3A_899 : i32
        %get3A_901 = arith.index_cast %rem3A_320 : i32 to index
        %get3A_902 = arith.index_cast %add3A_900 : i32 to index
        %get3A_903 = arith.constant 0 : index
        %get3A_904 = tpu.vector_load %arg8[%get3A_901, %get3A_902, %get3A_903] {strides = array<i32>} : memref<2x512x32xf32, #tpu.memory_space<vmem>>, vector<1x1x16xf32>,
        %get3A_905 = vector.shape_cast %get3A_904 : vector<1x1x16xf32> to vector<16xf32>
        %get3A_906 = arith.index_cast %rem3A_320 : i32 to index
        %get3A_907 = arith.index_cast %add3A_900 : i32 to index
        %get3A_908 = arith.constant 16 : index
        %get3A_909 = tpu.vector_load %arg8[%get3A_906, %get3A_907, %get3A_908] {strides = array<i32>} : memref<2x512x32xf32, #tpu.memory_space<vmem>>, vector<1x1x16xf32>,
        %get3A_910 = vector.shape_cast %get3A_909 : vector<1x1x16xf32> to vector<16xf32>
        %get3A_911 = arith.index_cast %rem3A_320 : i32 to index
        %get3A_912 = arith.index_cast %add3A_900 : i32 to index
        %get3A_913 = arith.constant 0 : index
        %get3A_914 = tpu.vector_load %arg9[%get3A_911, %get3A_912, %get3A_913] {strides = array<i32>} : memref<2x512x32xf32, #tpu.memory_space<vmem>>, vector<1x1x16xf32>,
        %get3A_915 = vector.shape_cast %get3A_914 : vector<1x1x16xf32> to vector<16xf32>
        %get3A_916 = arith.index_cast %rem3A_320 : i32 to index
        %get3A_917 = arith.index_cast %add3A_900 : i32 to index
        %get3A_918 = arith.constant 16 : index
        %get3A_919 = tpu.vector_load %arg9[%get3A_916, %get3A_917, %get3A_918] {strides = array<i32>} : memref<2x512x32xf32, #tpu.memory_space<vmem>>, vector<1x1x16xf32>,
        %get3A_920 = vector.shape_cast %get3A_919 : vector<1x1x16xf32> to vector<16xf32>
        %mul3A_921 = arith.mulf %get3A_905, %get3A_915 : vector<16xf32>
        %mul3A_922 = arith.mulf %get3A_910, %get3A_920 : vector<16xf32>
        %add3A_923 = arith.addf %mul3A_921, %mul3A_922 : vector<16xf32>
        %broadcast_in_dim3A_924 = vector.shape_cast %xor3A_2 : vector<16xi32> to vector<16x1xi32>
        %gather3A_925 = vector.shape_cast %broadcast_in_dim3A_924 : vector<16x1xi32> to vector<16xi32>
        %gather3A_926 = tpu.dynamic_gather %add3A_923[%gather3A_925] in [0] : vector<16xf32>, vector<16xi32> -> vector<16xf32>
        %add3A_927 = arith.addf %add3A_923, %gather3A_926 : vector<16xf32>
        %broadcast_in_dim3A_928 = vector.shape_cast %xor3A_5 : vector<16xi32> to vector<16x1xi32>
        %gather3A_929 = vector.shape_cast %broadcast_in_dim3A_928 : vector<16x1xi32> to vector<16xi32>
        %gather3A_930 = tpu.dynamic_gather %add3A_927[%gather3A_929] in [0] : vector<16xf32>, vector<16xi32> -> vector<16xf32>
        %add3A_931 = arith.addf %add3A_927, %gather3A_930 : vector<16xf32>
        %broadcast_in_dim3A_932 = vector.shape_cast %xor3A_8 : vector<16xi32> to vector<16x1xi32>
        %gather3A_933 = vector.shape_cast %broadcast_in_dim3A_932 : vector<16x1xi32> to vector<16xi32>
        %gather3A_934 = tpu.dynamic_gather %add3A_931[%gather3A_933] in [0] : vector<16xf32>, vector<16xi32> -> vector<16xf32>
        %add3A_935 = arith.addf %add3A_931, %gather3A_934 : vector<16xf32>
        %broadcast_in_dim3A_936 = vector.shape_cast %xor3A_11 : vector<16xi32> to vector<16x1xi32>
        %gather3A_937 = vector.shape_cast %broadcast_in_dim3A_936 : vector<16x1xi32> to vector<16xi32>
        %gather3A_938 = tpu.dynamic_gather %add3A_935[%gather3A_937] in [0] : vector<16xf32>, vector<16xi32> -> vector<16xf32>
        %add3A_939 = arith.addf %add3A_935, %gather3A_938 : vector<16xf32>
        %eq3A_940 = arith.constant 10 : i32
        %eq3A_941 = vector.broadcast %eq3A_940 : i32 to vector<16xi32>
        %eq3A_942 = arith.cmpi eq, %iota3A, %eq3A_941 : vector<16xi32>
        %select_n3A_943 = arith.select %eq3A_942, %add3A_939, %select_n3A_898 : vector<16xi1>, vector<16xf32>
        %add3A_944 = arith.constant 11 : i32
        %add3A_945 = arith.addi %mul3A_451, %add3A_944 : i32
        %get3A_946 = arith.index_cast %rem3A_320 : i32 to index
        %get3A_947 = arith.index_cast %add3A_945 : i32 to index
        %get3A_948 = arith.constant 0 : index
        %get3A_949 = tpu.vector_load %arg8[%get3A_946, %get3A_947, %get3A_948] {strides = array<i32>} : memref<2x512x32xf32, #tpu.memory_space<vmem>>, vector<1x1x16xf32>,
        %get3A_950 = vector.shape_cast %get3A_949 : vector<1x1x16xf32> to vector<16xf32>
        %get3A_951 = arith.index_cast %rem3A_320 : i32 to index
        %get3A_952 = arith.index_cast %add3A_945 : i32 to index
        %get3A_953 = arith.constant 16 : index
        %get3A_954 = tpu.vector_load %arg8[%get3A_951, %get3A_952, %get3A_953] {strides = array<i32>} : memref<2x512x32xf32, #tpu.memory_space<vmem>>, vector<1x1x16xf32>,
        %get3A_955 = vector.shape_cast %get3A_954 : vector<1x1x16xf32> to vector<16xf32>
        %get3A_956 = arith.index_cast %rem3A_320 : i32 to index
        %get3A_957 = arith.index_cast %add3A_945 : i32 to index
        %get3A_958 = arith.constant 0 : index
        %get3A_959 = tpu.vector_load %arg9[%get3A_956, %get3A_957, %get3A_958] {strides = array<i32>} : memref<2x512x32xf32, #tpu.memory_space<vmem>>, vector<1x1x16xf32>,
        %get3A_960 = vector.shape_cast %get3A_959 : vector<1x1x16xf32> to vector<16xf32>
        %get3A_961 = arith.index_cast %rem3A_320 : i32 to index
        %get3A_962 = arith.index_cast %add3A_945 : i32 to index
        %get3A_963 = arith.constant 16 : index
        %get3A_964 = tpu.vector_load %arg9[%get3A_961, %get3A_962, %get3A_963] {strides = array<i32>} : memref<2x512x32xf32, #tpu.memory_space<vmem>>, vector<1x1x16xf32>,
        %get3A_965 = vector.shape_cast %get3A_964 : vector<1x1x16xf32> to vector<16xf32>
        %mul3A_966 = arith.mulf %get3A_950, %get3A_960 : vector<16xf32>
        %mul3A_967 = arith.mulf %get3A_955, %get3A_965 : vector<16xf32>
        %add3A_968 = arith.addf %mul3A_966, %mul3A_967 : vector<16xf32>
        %broadcast_in_dim3A_969 = vector.shape_cast %xor3A_2 : vector<16xi32> to vector<16x1xi32>
        %gather3A_970 = vector.shape_cast %broadcast_in_dim3A_969 : vector<16x1xi32> to vector<16xi32>
        %gather3A_971 = tpu.dynamic_gather %add3A_968[%gather3A_970] in [0] : vector<16xf32>, vector<16xi32> -> vector<16xf32>
        %add3A_972 = arith.addf %add3A_968, %gather3A_971 : vector<16xf32>
        %broadcast_in_dim3A_973 = vector.shape_cast %xor3A_5 : vector<16xi32> to vector<16x1xi32>
        %gather3A_974 = vector.shape_cast %broadcast_in_dim3A_973 : vector<16x1xi32> to vector<16xi32>
        %gather3A_975 = tpu.dynamic_gather %add3A_972[%gather3A_974] in [0] : vector<16xf32>, vector<16xi32> -> vector<16xf32>
        %add3A_976 = arith.addf %add3A_972, %gather3A_975 : vector<16xf32>
        %broadcast_in_dim3A_977 = vector.shape_cast %xor3A_8 : vector<16xi32> to vector<16x1xi32>
        %gather3A_978 = vector.shape_cast %broadcast_in_dim3A_977 : vector<16x1xi32> to vector<16xi32>
        %gather3A_979 = tpu.dynamic_gather %add3A_976[%gather3A_978] in [0] : vector<16xf32>, vector<16xi32> -> vector<16xf32>
        %add3A_980 = arith.addf %add3A_976, %gather3A_979 : vector<16xf32>
        %broadcast_in_dim3A_981 = vector.shape_cast %xor3A_11 : vector<16xi32> to vector<16x1xi32>
        %gather3A_982 = vector.shape_cast %broadcast_in_dim3A_981 : vector<16x1xi32> to vector<16xi32>
        %gather3A_983 = tpu.dynamic_gather %add3A_980[%gather3A_982] in [0] : vector<16xf32>, vector<16xi32> -> vector<16xf32>
        %add3A_984 = arith.addf %add3A_980, %gather3A_983 : vector<16xf32>
        %eq3A_985 = arith.constant 11 : i32
        %eq3A_986 = vector.broadcast %eq3A_985 : i32 to vector<16xi32>
        %eq3A_987 = arith.cmpi eq, %iota3A, %eq3A_986 : vector<16xi32>
        %select_n3A_988 = arith.select %eq3A_987, %add3A_984, %select_n3A_943 : vector<16xi1>, vector<16xf32>
        %add3A_989 = arith.constant 12 : i32
        %add3A_990 = arith.addi %mul3A_451, %add3A_989 : i32
        %get3A_991 = arith.index_cast %rem3A_320 : i32 to index
        %get3A_992 = arith.index_cast %add3A_990 : i32 to index
        %get3A_993 = arith.constant 0 : index
        %get3A_994 = tpu.vector_load %arg8[%get3A_991, %get3A_992, %get3A_993] {strides = array<i32>} : memref<2x512x32xf32, #tpu.memory_space<vmem>>, vector<1x1x16xf32>,
        %get3A_995 = vector.shape_cast %get3A_994 : vector<1x1x16xf32> to vector<16xf32>
        %get3A_996 = arith.index_cast %rem3A_320 : i32 to index
        %get3A_997 = arith.index_cast %add3A_990 : i32 to index
        %get3A_998 = arith.constant 16 : index
        %get3A_999 = tpu.vector_load %arg8[%get3A_996, %get3A_997, %get3A_998] {strides = array<i32>} : memref<2x512x32xf32, #tpu.memory_space<vmem>>, vector<1x1x16xf32>,
        %get3A_1000 = vector.shape_cast %get3A_999 : vector<1x1x16xf32> to vector<16xf32>
        %get3A_1001 = arith.index_cast %rem3A_320 : i32 to index
        %get3A_1002 = arith.index_cast %add3A_990 : i32 to index
        %get3A_1003 = arith.constant 0 : index
        %get3A_1004 = tpu.vector_load %arg9[%get3A_1001, %get3A_1002, %get3A_1003] {strides = array<i32>} : memref<2x512x32xf32, #tpu.memory_space<vmem>>, vector<1x1x16xf32>,
        %get3A_1005 = vector.shape_cast %get3A_1004 : vector<1x1x16xf32> to vector<16xf32>
        %get3A_1006 = arith.index_cast %rem3A_320 : i32 to index
        %get3A_1007 = arith.index_cast %add3A_990 : i32 to index
        %get3A_1008 = arith.constant 16 : index
        %get3A_1009 = tpu.vector_load %arg9[%get3A_1006, %get3A_1007, %get3A_1008] {strides = array<i32>} : memref<2x512x32xf32, #tpu.memory_space<vmem>>, vector<1x1x16xf32>,
        %get3A_1010 = vector.shape_cast %get3A_1009 : vector<1x1x16xf32> to vector<16xf32>
        %mul3A_1011 = arith.mulf %get3A_995, %get3A_1005 : vector<16xf32>
        %mul3A_1012 = arith.mulf %get3A_1000, %get3A_1010 : vector<16xf32>
        %add3A_1013 = arith.addf %mul3A_1011, %mul3A_1012 : vector<16xf32>
        %broadcast_in_dim3A_1014 = vector.shape_cast %xor3A_2 : vector<16xi32> to vector<16x1xi32>
        %gather3A_1015 = vector.shape_cast %broadcast_in_dim3A_1014 : vector<16x1xi32> to vector<16xi32>
        %gather3A_1016 = tpu.dynamic_gather %add3A_1013[%gather3A_1015] in [0] : vector<16xf32>, vector<16xi32> -> vector<16xf32>
        %add3A_1017 = arith.addf %add3A_1013, %gather3A_1016 : vector<16xf32>
        %broadcast_in_dim3A_1018 = vector.shape_cast %xor3A_5 : vector<16xi32> to vector<16x1xi32>
        %gather3A_1019 = vector.shape_cast %broadcast_in_dim3A_1018 : vector<16x1xi32> to vector<16xi32>
        %gather3A_1020 = tpu.dynamic_gather %add3A_1017[%gather3A_1019] in [0] : vector<16xf32>, vector<16xi32> -> vector<16xf32>
        %add3A_1021 = arith.addf %add3A_1017, %gather3A_1020 : vector<16xf32>
        %broadcast_in_dim3A_1022 = vector.shape_cast %xor3A_8 : vector<16xi32> to vector<16x1xi32>
        %gather3A_1023 = vector.shape_cast %broadcast_in_dim3A_1022 : vector<16x1xi32> to vector<16xi32>
        %gather3A_1024 = tpu.dynamic_gather %add3A_1021[%gather3A_1023] in [0] : vector<16xf32>, vector<16xi32> -> vector<16xf32>
        %add3A_1025 = arith.addf %add3A_1021, %gather3A_1024 : vector<16xf32>
        %broadcast_in_dim3A_1026 = vector.shape_cast %xor3A_11 : vector<16xi32> to vector<16x1xi32>
        %gather3A_1027 = vector.shape_cast %broadcast_in_dim3A_1026 : vector<16x1xi32> to vector<16xi32>
        %gather3A_1028 = tpu.dynamic_gather %add3A_1025[%gather3A_1027] in [0] : vector<16xf32>, vector<16xi32> -> vector<16xf32>
        %add3A_1029 = arith.addf %add3A_1025, %gather3A_1028 : vector<16xf32>
        %eq3A_1030 = arith.constant 12 : i32
        %eq3A_1031 = vector.broadcast %eq3A_1030 : i32 to vector<16xi32>
        %eq3A_1032 = arith.cmpi eq, %iota3A, %eq3A_1031 : vector<16xi32>
        %select_n3A_1033 = arith.select %eq3A_1032, %add3A_1029, %select_n3A_988 : vector<16xi1>, vector<16xf32>
        %add3A_1034 = arith.constant 13 : i32
        %add3A_1035 = arith.addi %mul3A_451, %add3A_1034 : i32
        %get3A_1036 = arith.index_cast %rem3A_320 : i32 to index
        %get3A_1037 = arith.index_cast %add3A_1035 : i32 to index
        %get3A_1038 = arith.constant 0 : index
        %get3A_1039 = tpu.vector_load %arg8[%get3A_1036, %get3A_1037, %get3A_1038] {strides = array<i32>} : memref<2x512x32xf32, #tpu.memory_space<vmem>>, vector<1x1x16xf32>,
        %get3A_1040 = vector.shape_cast %get3A_1039 : vector<1x1x16xf32> to vector<16xf32>
        %get3A_1041 = arith.index_cast %rem3A_320 : i32 to index
        %get3A_1042 = arith.index_cast %add3A_1035 : i32 to index
        %get3A_1043 = arith.constant 16 : index
        %get3A_1044 = tpu.vector_load %arg8[%get3A_1041, %get3A_1042, %get3A_1043] {strides = array<i32>} : memref<2x512x32xf32, #tpu.memory_space<vmem>>, vector<1x1x16xf32>,
        %get3A_1045 = vector.shape_cast %get3A_1044 : vector<1x1x16xf32> to vector<16xf32>
        %get3A_1046 = arith.index_cast %rem3A_320 : i32 to index
        %get3A_1047 = arith.index_cast %add3A_1035 : i32 to index
        %get3A_1048 = arith.constant 0 : index
        %get3A_1049 = tpu.vector_load %arg9[%get3A_1046, %get3A_1047, %get3A_1048] {strides = array<i32>} : memref<2x512x32xf32, #tpu.memory_space<vmem>>, vector<1x1x16xf32>,
        %get3A_1050 = vector.shape_cast %get3A_1049 : vector<1x1x16xf32> to vector<16xf32>
        %get3A_1051 = arith.index_cast %rem3A_320 : i32 to index
        %get3A_1052 = arith.index_cast %add3A_1035 : i32 to index
        %get3A_1053 = arith.constant 16 : index
        %get3A_1054 = tpu.vector_load %arg9[%get3A_1051, %get3A_1052, %get3A_1053] {strides = array<i32>} : memref<2x512x32xf32, #tpu.memory_space<vmem>>, vector<1x1x16xf32>,
        %get3A_1055 = vector.shape_cast %get3A_1054 : vector<1x1x16xf32> to vector<16xf32>
        %mul3A_1056 = arith.mulf %get3A_1040, %get3A_1050 : vector<16xf32>
        %mul3A_1057 = arith.mulf %get3A_1045, %get3A_1055 : vector<16xf32>
        %add3A_1058 = arith.addf %mul3A_1056, %mul3A_1057 : vector<16xf32>
        %broadcast_in_dim3A_1059 = vector.shape_cast %xor3A_2 : vector<16xi32> to vector<16x1xi32>
        %gather3A_1060 = vector.shape_cast %broadcast_in_dim3A_1059 : vector<16x1xi32> to vector<16xi32>
        %gather3A_1061 = tpu.dynamic_gather %add3A_1058[%gather3A_1060] in [0] : vector<16xf32>, vector<16xi32> -> vector<16xf32>
        %add3A_1062 = arith.addf %add3A_1058, %gather3A_1061 : vector<16xf32>
        %broadcast_in_dim3A_1063 = vector.shape_cast %xor3A_5 : vector<16xi32> to vector<16x1xi32>
        %gather3A_1064 = vector.shape_cast %broadcast_in_dim3A_1063 : vector<16x1xi32> to vector<16xi32>
        %gather3A_1065 = tpu.dynamic_gather %add3A_1062[%gather3A_1064] in [0] : vector<16xf32>, vector<16xi32> -> vector<16xf32>
        %add3A_1066 = arith.addf %add3A_1062, %gather3A_1065 : vector<16xf32>
        %broadcast_in_dim3A_1067 = vector.shape_cast %xor3A_8 : vector<16xi32> to vector<16x1xi32>
        %gather3A_1068 = vector.shape_cast %broadcast_in_dim3A_1067 : vector<16x1xi32> to vector<16xi32>
        %gather3A_1069 = tpu.dynamic_gather %add3A_1066[%gather3A_1068] in [0] : vector<16xf32>, vector<16xi32> -> vector<16xf32>
        %add3A_1070 = arith.addf %add3A_1066, %gather3A_1069 : vector<16xf32>
        %broadcast_in_dim3A_1071 = vector.shape_cast %xor3A_11 : vector<16xi32> to vector<16x1xi32>
        %gather3A_1072 = vector.shape_cast %broadcast_in_dim3A_1071 : vector<16x1xi32> to vector<16xi32>
        %gather3A_1073 = tpu.dynamic_gather %add3A_1070[%gather3A_1072] in [0] : vector<16xf32>, vector<16xi32> -> vector<16xf32>
        %add3A_1074 = arith.addf %add3A_1070, %gather3A_1073 : vector<16xf32>
        %eq3A_1075 = arith.constant 13 : i32
        %eq3A_1076 = vector.broadcast %eq3A_1075 : i32 to vector<16xi32>
        %eq3A_1077 = arith.cmpi eq, %iota3A, %eq3A_1076 : vector<16xi32>
        %select_n3A_1078 = arith.select %eq3A_1077, %add3A_1074, %select_n3A_1033 : vector<16xi1>, vector<16xf32>
        %add3A_1079 = arith.constant 14 : i32
        %add3A_1080 = arith.addi %mul3A_451, %add3A_1079 : i32
        %get3A_1081 = arith.index_cast %rem3A_320 : i32 to index
        %get3A_1082 = arith.index_cast %add3A_1080 : i32 to index
        %get3A_1083 = arith.constant 0 : index
        %get3A_1084 = tpu.vector_load %arg8[%get3A_1081, %get3A_1082, %get3A_1083] {strides = array<i32>} : memref<2x512x32xf32, #tpu.memory_space<vmem>>, vector<1x1x16xf32>,
        %get3A_1085 = vector.shape_cast %get3A_1084 : vector<1x1x16xf32> to vector<16xf32>
        %get3A_1086 = arith.index_cast %rem3A_320 : i32 to index
        %get3A_1087 = arith.index_cast %add3A_1080 : i32 to index
        %get3A_1088 = arith.constant 16 : index
        %get3A_1089 = tpu.vector_load %arg8[%get3A_1086, %get3A_1087, %get3A_1088] {strides = array<i32>} : memref<2x512x32xf32, #tpu.memory_space<vmem>>, vector<1x1x16xf32>,
        %get3A_1090 = vector.shape_cast %get3A_1089 : vector<1x1x16xf32> to vector<16xf32>
        %get3A_1091 = arith.index_cast %rem3A_320 : i32 to index
        %get3A_1092 = arith.index_cast %add3A_1080 : i32 to index
        %get3A_1093 = arith.constant 0 : index
        %get3A_1094 = tpu.vector_load %arg9[%get3A_1091, %get3A_1092, %get3A_1093] {strides = array<i32>} : memref<2x512x32xf32, #tpu.memory_space<vmem>>, vector<1x1x16xf32>,
        %get3A_1095 = vector.shape_cast %get3A_1094 : vector<1x1x16xf32> to vector<16xf32>
        %get3A_1096 = arith.index_cast %rem3A_320 : i32 to index
        %get3A_1097 = arith.index_cast %add3A_1080 : i32 to index
        %get3A_1098 = arith.constant 16 : index
        %get3A_1099 = tpu.vector_load %arg9[%get3A_1096, %get3A_1097, %get3A_1098] {strides = array<i32>} : memref<2x512x32xf32, #tpu.memory_space<vmem>>, vector<1x1x16xf32>,
        %get3A_1100 = vector.shape_cast %get3A_1099 : vector<1x1x16xf32> to vector<16xf32>
        %mul3A_1101 = arith.mulf %get3A_1085, %get3A_1095 : vector<16xf32>
        %mul3A_1102 = arith.mulf %get3A_1090, %get3A_1100 : vector<16xf32>
        %add3A_1103 = arith.addf %mul3A_1101, %mul3A_1102 : vector<16xf32>
        %broadcast_in_dim3A_1104 = vector.shape_cast %xor3A_2 : vector<16xi32> to vector<16x1xi32>
        %gather3A_1105 = vector.shape_cast %broadcast_in_dim3A_1104 : vector<16x1xi32> to vector<16xi32>
        %gather3A_1106 = tpu.dynamic_gather %add3A_1103[%gather3A_1105] in [0] : vector<16xf32>, vector<16xi32> -> vector<16xf32>
        %add3A_1107 = arith.addf %add3A_1103, %gather3A_1106 : vector<16xf32>
        %broadcast_in_dim3A_1108 = vector.shape_cast %xor3A_5 : vector<16xi32> to vector<16x1xi32>
        %gather3A_1109 = vector.shape_cast %broadcast_in_dim3A_1108 : vector<16x1xi32> to vector<16xi32>
        %gather3A_1110 = tpu.dynamic_gather %add3A_1107[%gather3A_1109] in [0] : vector<16xf32>, vector<16xi32> -> vector<16xf32>
        %add3A_1111 = arith.addf %add3A_1107, %gather3A_1110 : vector<16xf32>
        %broadcast_in_dim3A_1112 = vector.shape_cast %xor3A_8 : vector<16xi32> to vector<16x1xi32>
        %gather3A_1113 = vector.shape_cast %broadcast_in_dim3A_1112 : vector<16x1xi32> to vector<16xi32>
        %gather3A_1114 = tpu.dynamic_gather %add3A_1111[%gather3A_1113] in [0] : vector<16xf32>, vector<16xi32> -> vector<16xf32>
        %add3A_1115 = arith.addf %add3A_1111, %gather3A_1114 : vector<16xf32>
        %broadcast_in_dim3A_1116 = vector.shape_cast %xor3A_11 : vector<16xi32> to vector<16x1xi32>
        %gather3A_1117 = vector.shape_cast %broadcast_in_dim3A_1116 : vector<16x1xi32> to vector<16xi32>
        %gather3A_1118 = tpu.dynamic_gather %add3A_1115[%gather3A_1117] in [0] : vector<16xf32>, vector<16xi32> -> vector<16xf32>
        %add3A_1119 = arith.addf %add3A_1115, %gather3A_1118 : vector<16xf32>
        %eq3A_1120 = arith.constant 14 : i32
        %eq3A_1121 = vector.broadcast %eq3A_1120 : i32 to vector<16xi32>
        %eq3A_1122 = arith.cmpi eq, %iota3A, %eq3A_1121 : vector<16xi32>
        %select_n3A_1123 = arith.select %eq3A_1122, %add3A_1119, %select_n3A_1078 : vector<16xi1>, vector<16xf32>
        %add3A_1124 = arith.constant 15 : i32
        %add3A_1125 = arith.addi %mul3A_451, %add3A_1124 : i32
        %get3A_1126 = arith.index_cast %rem3A_320 : i32 to index
        %get3A_1127 = arith.index_cast %add3A_1125 : i32 to index
        %get3A_1128 = arith.constant 0 : index
        %get3A_1129 = tpu.vector_load %arg8[%get3A_1126, %get3A_1127, %get3A_1128] {strides = array<i32>} : memref<2x512x32xf32, #tpu.memory_space<vmem>>, vector<1x1x16xf32>,
        %get3A_1130 = vector.shape_cast %get3A_1129 : vector<1x1x16xf32> to vector<16xf32>
        %get3A_1131 = arith.index_cast %rem3A_320 : i32 to index
        %get3A_1132 = arith.index_cast %add3A_1125 : i32 to index
        %get3A_1133 = arith.constant 16 : index
        %get3A_1134 = tpu.vector_load %arg8[%get3A_1131, %get3A_1132, %get3A_1133] {strides = array<i32>} : memref<2x512x32xf32, #tpu.memory_space<vmem>>, vector<1x1x16xf32>,
        %get3A_1135 = vector.shape_cast %get3A_1134 : vector<1x1x16xf32> to vector<16xf32>
        %get3A_1136 = arith.index_cast %rem3A_320 : i32 to index
        %get3A_1137 = arith.index_cast %add3A_1125 : i32 to index
        %get3A_1138 = arith.constant 0 : index
        %get3A_1139 = tpu.vector_load %arg9[%get3A_1136, %get3A_1137, %get3A_1138] {strides = array<i32>} : memref<2x512x32xf32, #tpu.memory_space<vmem>>, vector<1x1x16xf32>,
        %get3A_1140 = vector.shape_cast %get3A_1139 : vector<1x1x16xf32> to vector<16xf32>
        %get3A_1141 = arith.index_cast %rem3A_320 : i32 to index
        %get3A_1142 = arith.index_cast %add3A_1125 : i32 to index
        %get3A_1143 = arith.constant 16 : index
        %get3A_1144 = tpu.vector_load %arg9[%get3A_1141, %get3A_1142, %get3A_1143] {strides = array<i32>} : memref<2x512x32xf32, #tpu.memory_space<vmem>>, vector<1x1x16xf32>,
        %get3A_1145 = vector.shape_cast %get3A_1144 : vector<1x1x16xf32> to vector<16xf32>
        %mul3A_1146 = arith.mulf %get3A_1130, %get3A_1140 : vector<16xf32>
        %mul3A_1147 = arith.mulf %get3A_1135, %get3A_1145 : vector<16xf32>
        %add3A_1148 = arith.addf %mul3A_1146, %mul3A_1147 : vector<16xf32>
        %broadcast_in_dim3A_1149 = vector.shape_cast %xor3A_2 : vector<16xi32> to vector<16x1xi32>
        %gather3A_1150 = vector.shape_cast %broadcast_in_dim3A_1149 : vector<16x1xi32> to vector<16xi32>
        %gather3A_1151 = tpu.dynamic_gather %add3A_1148[%gather3A_1150] in [0] : vector<16xf32>, vector<16xi32> -> vector<16xf32>
        %add3A_1152 = arith.addf %add3A_1148, %gather3A_1151 : vector<16xf32>
        %broadcast_in_dim3A_1153 = vector.shape_cast %xor3A_5 : vector<16xi32> to vector<16x1xi32>
        %gather3A_1154 = vector.shape_cast %broadcast_in_dim3A_1153 : vector<16x1xi32> to vector<16xi32>
        %gather3A_1155 = tpu.dynamic_gather %add3A_1152[%gather3A_1154] in [0] : vector<16xf32>, vector<16xi32> -> vector<16xf32>
        %add3A_1156 = arith.addf %add3A_1152, %gather3A_1155 : vector<16xf32>
        %broadcast_in_dim3A_1157 = vector.shape_cast %xor3A_8 : vector<16xi32> to vector<16x1xi32>
        %gather3A_1158 = vector.shape_cast %broadcast_in_dim3A_1157 : vector<16x1xi32> to vector<16xi32>
        %gather3A_1159 = tpu.dynamic_gather %add3A_1156[%gather3A_1158] in [0] : vector<16xf32>, vector<16xi32> -> vector<16xf32>
        %add3A_1160 = arith.addf %add3A_1156, %gather3A_1159 : vector<16xf32>
        %broadcast_in_dim3A_1161 = vector.shape_cast %xor3A_11 : vector<16xi32> to vector<16x1xi32>
        %gather3A_1162 = vector.shape_cast %broadcast_in_dim3A_1161 : vector<16x1xi32> to vector<16xi32>
        %gather3A_1163 = tpu.dynamic_gather %add3A_1160[%gather3A_1162] in [0] : vector<16xf32>, vector<16xi32> -> vector<16xf32>
        %add3A_1164 = arith.addf %add3A_1160, %gather3A_1163 : vector<16xf32>
        %eq3A_1165 = arith.constant 15 : i32
        %eq3A_1166 = vector.broadcast %eq3A_1165 : i32 to vector<16xi32>
        %eq3A_1167 = arith.cmpi eq, %iota3A, %eq3A_1166 : vector<16xi32>
        %select_n3A_1168 = arith.select %eq3A_1167, %add3A_1164, %select_n3A_1123 : vector<16xi1>, vector<16xf32>
        %swap3A = arith.index_cast %rem3A_320 : i32 to index
        %swap3A_1169 = arith.index_cast %mul3A_451 : i32 to index
        %swap3A_1170 = tpu.vector_load %arg10[%swap3A, %swap3A_1169] {strides = array<i32>} : memref<2x512xf32, #tpu.memory_space<vmem>>, vector<1x16xf32>,
        %swap3A_1171 = vector.shape_cast %swap3A_1170 : vector<1x16xf32> to vector<16xf32>
        %swap3A_1172 = vector.shape_cast %select_n3A_1168 : vector<16xf32> to vector<1x16xf32>
        tpu.vector_store %arg10[%swap3A, %swap3A_1169], %swap3A_1172 {strides = array<i32>} : memref<2x512xf32, #tpu.memory_space<vmem>>, vector<1x16xf32>,
        %scan3A_1173 = arith.constant 0 : i32
        scf.yield %scan3A_1173 : i32
      }
      %scan3A_425 = arith.constant 32 : i32
      %mul3A_426 = arith.constant 32768 : i32
      %mul3A_427 = arith.muli %add3A, %mul3A_426 : i32
      %mul3A_428 = arith.constant 512 : i32
      %mul3A_429 = arith.muli %scan3A_318, %mul3A_428 : i32
      %add3A_430 = arith.addi %mul3A_427, %mul3A_429 : i32
      %dma_start3A_431 = arith.constant 0 : i32
      %dma_start3A_432 = tpu.memref_slice %arg10[%rem3A_320, %dma_start3A_431] : memref<2x512xf32, #tpu.memory_space<vmem>> -> memref<1x512xf32, #tpu.memory_space<vmem>>
      %dma_start3A_433 = tpu.memref_squeeze %dma_start3A_432 : memref<1x512xf32, #tpu.memory_space<vmem>> -> memref<512xf32, #tpu.memory_space<vmem>>
      %dma_start3A_434 = tpu.memref_slice %arg5[%add3A_430] : memref<1048576xf32, #tpu.memory_space<hbm>> -> memref<512xf32, #tpu.memory_space<hbm>>
      %dma_start3A_435 = tpu.memref_slice %arg12[%rem3A_320] : memref<2x!tpu.dma_semaphore, #tpu.memory_space<semaphore_mem>> -> memref<1x!tpu.dma_semaphore, #tpu.memory_space<semaphore_mem>>
      %dma_start3A_436 = tpu.memref_squeeze %dma_start3A_435 : memref<1x!tpu.dma_semaphore, #tpu.memory_space<semaphore_mem>> -> memref<!tpu.dma_semaphore, #tpu.memory_space<semaphore_mem>>
      %dma_start3A_437 = tpu.memref_slice %arg5[%add3A_430] : memref<1048576xf32, #tpu.memory_space<hbm>> -> memref<512xf32, #tpu.memory_space<hbm>>
      %dma_start3A_438 = arith.constant 0 : i32
      %dma_start3A_439 = tpu.memref_slice %arg10[%rem3A_320, %dma_start3A_438] : memref<2x512xf32, #tpu.memory_space<vmem>> -> memref<1x512xf32, #tpu.memory_space<vmem>>
      %dma_start3A_440 = tpu.memref_squeeze %dma_start3A_439 : memref<1x512xf32, #tpu.memory_space<vmem>> -> memref<512xf32, #tpu.memory_space<vmem>>
      tpu.enqueue_dma source(%dma_start3A_440 : memref<512xf32, #tpu.memory_space<vmem>>) target(%dma_start3A_437 : memref<512xf32, #tpu.memory_space<hbm>>) target_semaphore(%dma_start3A_436 : memref<!tpu.dma_semaphore, #tpu.memory_space<semaphore_mem>>)
      %add3A_441 = arith.constant 2 : i32
      %add3A_442 = arith.addi %scan3A_318, %add3A_441 : i32
      %lt3A = arith.constant 64 : i32
      %lt3A_443 = arith.cmpi slt, %add3A_442, %lt3A : i32
      %convert_element_type3A_444 = arith.extui %lt3A_443 : i1 to i32
      %cond3A_445 = arith.constant 0 : i32
      %cond3A_446 = arith.cmpi ne, %convert_element_type3A_444, %cond3A_445 : i32
      scf.if %cond3A_446 {
        %add3A_448 = arith.constant 2 : i32
        %add3A_449 = arith.addi %scan3A_318, %add3A_448 : i32
        %mul3A_450 = arith.constant 32768 : i32
        %mul3A_451 = arith.muli %add3A, %mul3A_450 : i32
        %mul3A_452 = arith.constant 512 : i32
        %mul3A_453 = arith.muli %add3A_449, %mul3A_452 : i32
        %add3A_454 = arith.addi %mul3A_451, %mul3A_453 : i32
        %multiple_of3A_455 = tpu.assume_multiple %add3A_454, 512 : i32
        %run_scoped3A_456 = arith.constant 0 : i32
        "tpu.region"() ({
          %run_scoped3A_561 = tpu.sem_alloc : memref<!tpu.dma_semaphore, #tpu.memory_space<semaphore_mem>>
          %dma_start3A_562 = arith.constant 0 : i32
          %dma_start3A_563 = tpu.memref_slice %arg6[%rem3A_320, %dma_start3A_562] : memref<2x512xi32, #tpu.memory_space<vmem>> -> memref<1x512xi32, #tpu.memory_space<vmem>>
          %dma_start3A_564 = tpu.memref_squeeze %dma_start3A_563 : memref<1x512xi32, #tpu.memory_space<vmem>> -> memref<512xi32, #tpu.memory_space<vmem>>
          %dma_start3A_565 = tpu.memref_slice %arg2[%run_scoped3A_456, %multiple_of3A_455] : memref<2x1048576xi32, #tpu.memory_space<hbm>> -> memref<1x512xi32, #tpu.memory_space<hbm>>
          %dma_start3A_566 = tpu.memref_squeeze %dma_start3A_565 : memref<1x512xi32, #tpu.memory_space<hbm>> -> memref<512xi32, #tpu.memory_space<hbm>>
          %dma_start3A_567 = arith.constant 0 : i32
          %dma_start3A_568 = tpu.memref_slice %arg6[%rem3A_320, %dma_start3A_567] : memref<2x512xi32, #tpu.memory_space<vmem>> -> memref<1x512xi32, #tpu.memory_space<vmem>>
          %dma_start3A_569 = tpu.memref_squeeze %dma_start3A_568 : memref<1x512xi32, #tpu.memory_space<vmem>> -> memref<512xi32, #tpu.memory_space<vmem>>
          %dma_start3A_570 = tpu.memref_slice %arg2[%run_scoped3A_456, %multiple_of3A_455] : memref<2x1048576xi32, #tpu.memory_space<hbm>> -> memref<1x512xi32, #tpu.memory_space<hbm>>
          %dma_start3A_571 = tpu.memref_squeeze %dma_start3A_570 : memref<1x512xi32, #tpu.memory_space<hbm>> -> memref<512xi32, #tpu.memory_space<hbm>>
          tpu.enqueue_dma source(%dma_start3A_571 : memref<512xi32, #tpu.memory_space<hbm>>) target(%dma_start3A_569 : memref<512xi32, #tpu.memory_space<vmem>>) target_semaphore(%run_scoped3A_561 : memref<!tpu.dma_semaphore, #tpu.memory_space<semaphore_mem>>)
          %dma_wait3A_572 = arith.constant 0 : i32
          %dma_wait3A_573 = tpu.memref_slice %arg6[%rem3A_320, %dma_wait3A_572] : memref<2x512xi32, #tpu.memory_space<vmem>> -> memref<1x512xi32, #tpu.memory_space<vmem>>
          %dma_wait3A_574 = tpu.memref_squeeze %dma_wait3A_573 : memref<1x512xi32, #tpu.memory_space<vmem>> -> memref<512xi32, #tpu.memory_space<vmem>>
          %dma_wait3A_575 = tpu.memref_slice %arg2[%run_scoped3A_456, %multiple_of3A_455] : memref<2x1048576xi32, #tpu.memory_space<hbm>> -> memref<1x512xi32, #tpu.memory_space<hbm>>
          %dma_wait3A_576 = tpu.memref_squeeze %dma_wait3A_575 : memref<1x512xi32, #tpu.memory_space<hbm>> -> memref<512xi32, #tpu.memory_space<hbm>>
          %dma_wait3A_577 = arith.constant 0 : i32
          %dma_wait3A_578 = tpu.memref_slice %arg6[%rem3A_320, %dma_wait3A_577] : memref<2x512xi32, #tpu.memory_space<vmem>> -> memref<1x512xi32, #tpu.memory_space<vmem>>
          %dma_wait3A_579 = tpu.memref_squeeze %dma_wait3A_578 : memref<1x512xi32, #tpu.memory_space<vmem>> -> memref<512xi32, #tpu.memory_space<vmem>>
          %dma_wait3A_580 = tpu.memref_slice %arg2[%run_scoped3A_456, %multiple_of3A_455] : memref<2x1048576xi32, #tpu.memory_space<hbm>> -> memref<1x512xi32, #tpu.memory_space<hbm>>
          %dma_wait3A_581 = tpu.memref_squeeze %dma_wait3A_580 : memref<1x512xi32, #tpu.memory_space<hbm>> -> memref<512xi32, #tpu.memory_space<hbm>>
          tpu.wait_dma2 semaphore(%run_scoped3A_561 : memref<!tpu.dma_semaphore, #tpu.memory_space<semaphore_mem>>) src(%dma_wait3A_581 : memref<512xi32, #tpu.memory_space<hbm>>) dst(%dma_wait3A_579 : memref<512xi32, #tpu.memory_space<vmem>>)
          tpu.yield
        }) : () -> ()
        %run_scoped3A_457 = arith.constant 1 : i32
        "tpu.region"() ({
          %run_scoped3A_561 = tpu.sem_alloc : memref<!tpu.dma_semaphore, #tpu.memory_space<semaphore_mem>>
          %dma_start3A_562 = arith.constant 0 : i32
          %dma_start3A_563 = tpu.memref_slice %arg7[%rem3A_320, %dma_start3A_562] : memref<2x512xi32, #tpu.memory_space<vmem>> -> memref<1x512xi32, #tpu.memory_space<vmem>>
          %dma_start3A_564 = tpu.memref_squeeze %dma_start3A_563 : memref<1x512xi32, #tpu.memory_space<vmem>> -> memref<512xi32, #tpu.memory_space<vmem>>
          %dma_start3A_565 = tpu.memref_slice %arg2[%run_scoped3A_457, %multiple_of3A_455] : memref<2x1048576xi32, #tpu.memory_space<hbm>> -> memref<1x512xi32, #tpu.memory_space<hbm>>
          %dma_start3A_566 = tpu.memref_squeeze %dma_start3A_565 : memref<1x512xi32, #tpu.memory_space<hbm>> -> memref<512xi32, #tpu.memory_space<hbm>>
          %dma_start3A_567 = arith.constant 0 : i32
          %dma_start3A_568 = tpu.memref_slice %arg7[%rem3A_320, %dma_start3A_567] : memref<2x512xi32, #tpu.memory_space<vmem>> -> memref<1x512xi32, #tpu.memory_space<vmem>>
          %dma_start3A_569 = tpu.memref_squeeze %dma_start3A_568 : memref<1x512xi32, #tpu.memory_space<vmem>> -> memref<512xi32, #tpu.memory_space<vmem>>
          %dma_start3A_570 = tpu.memref_slice %arg2[%run_scoped3A_457, %multiple_of3A_455] : memref<2x1048576xi32, #tpu.memory_space<hbm>> -> memref<1x512xi32, #tpu.memory_space<hbm>>
          %dma_start3A_571 = tpu.memref_squeeze %dma_start3A_570 : memref<1x512xi32, #tpu.memory_space<hbm>> -> memref<512xi32, #tpu.memory_space<hbm>>
          tpu.enqueue_dma source(%dma_start3A_571 : memref<512xi32, #tpu.memory_space<hbm>>) target(%dma_start3A_569 : memref<512xi32, #tpu.memory_space<vmem>>) target_semaphore(%run_scoped3A_561 : memref<!tpu.dma_semaphore, #tpu.memory_space<semaphore_mem>>)
          %dma_wait3A_572 = arith.constant 0 : i32
          %dma_wait3A_573 = tpu.memref_slice %arg7[%rem3A_320, %dma_wait3A_572] : memref<2x512xi32, #tpu.memory_space<vmem>> -> memref<1x512xi32, #tpu.memory_space<vmem>>
          %dma_wait3A_574 = tpu.memref_squeeze %dma_wait3A_573 : memref<1x512xi32, #tpu.memory_space<vmem>> -> memref<512xi32, #tpu.memory_space<vmem>>
          %dma_wait3A_575 = tpu.memref_slice %arg2[%run_scoped3A_457, %multiple_of3A_455] : memref<2x1048576xi32, #tpu.memory_space<hbm>> -> memref<1x512xi32, #tpu.memory_space<hbm>>
          %dma_wait3A_576 = tpu.memref_squeeze %dma_wait3A_575 : memref<1x512xi32, #tpu.memory_space<hbm>> -> memref<512xi32, #tpu.memory_space<hbm>>
          %dma_wait3A_577 = arith.constant 0 : i32
          %dma_wait3A_578 = tpu.memref_slice %arg7[%rem3A_320, %dma_wait3A_577] : memref<2x512xi32, #tpu.memory_space<vmem>> -> memref<1x512xi32, #tpu.memory_space<vmem>>
          %dma_wait3A_579 = tpu.memref_squeeze %dma_wait3A_578 : memref<1x512xi32, #tpu.memory_space<vmem>> -> memref<512xi32, #tpu.memory_space<vmem>>
          %dma_wait3A_580 = tpu.memref_slice %arg2[%run_scoped3A_457, %multiple_of3A_455] : memref<2x1048576xi32, #tpu.memory_space<hbm>> -> memref<1x512xi32, #tpu.memory_space<hbm>>
          %dma_wait3A_581 = tpu.memref_squeeze %dma_wait3A_580 : memref<1x512xi32, #tpu.memory_space<hbm>> -> memref<512xi32, #tpu.memory_space<hbm>>
          tpu.wait_dma2 semaphore(%run_scoped3A_561 : memref<!tpu.dma_semaphore, #tpu.memory_space<semaphore_mem>>) src(%dma_wait3A_581 : memref<512xi32, #tpu.memory_space<hbm>>) dst(%dma_wait3A_579 : memref<512xi32, #tpu.memory_space<vmem>>)
          tpu.yield
        }) : () -> ()
        %scan3A_458 = arith.constant 0 : i32
        %scan3A_459 = arith.constant 0 : i32
        %scan3A_460 = arith.constant 32 : i32
        %scan3A_461 = arith.addi %scan3A_459, %scan3A_460 : i32
        %scan3A_462 = arith.constant 1 : i32
        %scan3A_463 = scf.for %scan3A_561 = %scan3A_459 to %scan3A_461 step %scan3A_462 iter_args(%scan3A_562 = %scan3A_458) -> (i32)  : i32 {
          %mul3A_563 = arith.constant 16 : i32
          %mul3A_564 = arith.muli %scan3A_561, %mul3A_563 : i32
          %get3A = arith.index_cast %rem3A_320 : i32 to index
          %get3A_565 = arith.index_cast %mul3A_564 : i32 to index
          %get3A_566 = tpu.vector_load %arg6[%get3A, %get3A_565] {strides = array<i32>} : memref<2x512xi32, #tpu.memory_space<vmem>>, vector<1x16xi32>,
          %get3A_567 = vector.shape_cast %get3A_566 : vector<1x16xi32> to vector<16xi32>
          %and3A = arith.constant -16384 : i32
          %and3A_568 = vector.broadcast %and3A : i32 to vector<16xi32>
          %and3A_569 = arith.andi %get3A_567, %and3A_568 : vector<16xi32>
          %and3A_570 = arith.constant 4095 : i32
          %and3A_571 = vector.broadcast %and3A_570 : i32 to vector<16xi32>
          %and3A_572 = arith.andi %get3A_567, %and3A_571 : vector<16xi32>
          %shift_left3A = arith.constant 2 : i32
          %shift_left3A_573 = vector.broadcast %shift_left3A : i32 to vector<16xi32>
          %shift_left3A_574 = arith.shli %and3A_572, %shift_left3A_573 : vector<16xi32>
          %or3A = arith.ori %and3A_569, %shift_left3A_574 : vector<16xi32>
          %and3A_575 = arith.constant 16383 : i32
          %and3A_576 = vector.broadcast %and3A_575 : i32 to vector<16xi32>
          %and3A_577 = arith.andi %get3A_567, %and3A_576 : vector<16xi32>
          %shift_right_arithmetic3A = arith.constant 12 : i32
          %shift_right_arithmetic3A_578 = vector.broadcast %shift_right_arithmetic3A : i32 to vector<16xi32>
          %shift_right_arithmetic3A_579 = arith.shrsi %and3A_577, %shift_right_arithmetic3A_578 : vector<16xi32>
          %or3A_580 = arith.ori %or3A, %shift_right_arithmetic3A_579 : vector<16xi32>
          %swap3A = arith.index_cast %rem3A_320 : i32 to index
          %swap3A_581 = arith.index_cast %mul3A_564 : i32 to index
          %swap3A_582 = tpu.vector_load %arg6[%swap3A, %swap3A_581] {strides = array<i32>} : memref<2x512xi32, #tpu.memory_space<vmem>>, vector<1x16xi32>,
          %swap3A_583 = vector.shape_cast %swap3A_582 : vector<1x16xi32> to vector<16xi32>
          %swap3A_584 = vector.shape_cast %or3A_580 : vector<16xi32> to vector<1x16xi32>
          tpu.vector_store %arg6[%swap3A, %swap3A_581], %swap3A_584 {strides = array<i32>} : memref<2x512xi32, #tpu.memory_space<vmem>>, vector<1x16xi32>,
          %get3A_585 = arith.index_cast %rem3A_320 : i32 to index
          %get3A_586 = arith.index_cast %mul3A_564 : i32 to index
          %get3A_587 = tpu.vector_load %arg7[%get3A_585, %get3A_586] {strides = array<i32>} : memref<2x512xi32, #tpu.memory_space<vmem>>, vector<1x16xi32>,
          %get3A_588 = vector.shape_cast %get3A_587 : vector<1x16xi32> to vector<16xi32>
          %and3A_589 = arith.constant -16384 : i32
          %and3A_590 = vector.broadcast %and3A_589 : i32 to vector<16xi32>
          %and3A_591 = arith.andi %get3A_588, %and3A_590 : vector<16xi32>
          %and3A_592 = arith.constant 4095 : i32
          %and3A_593 = vector.broadcast %and3A_592 : i32 to vector<16xi32>
          %and3A_594 = arith.andi %get3A_588, %and3A_593 : vector<16xi32>
          %shift_left3A_595 = arith.constant 2 : i32
          %shift_left3A_596 = vector.broadcast %shift_left3A_595 : i32 to vector<16xi32>
          %shift_left3A_597 = arith.shli %and3A_594, %shift_left3A_596 : vector<16xi32>
          %or3A_598 = arith.ori %and3A_591, %shift_left3A_597 : vector<16xi32>
          %and3A_599 = arith.constant 16383 : i32
          %and3A_600 = vector.broadcast %and3A_599 : i32 to vector<16xi32>
          %and3A_601 = arith.andi %get3A_588, %and3A_600 : vector<16xi32>
          %shift_right_arithmetic3A_602 = arith.constant 12 : i32
          %shift_right_arithmetic3A_603 = vector.broadcast %shift_right_arithmetic3A_602 : i32 to vector<16xi32>
          %shift_right_arithmetic3A_604 = arith.shrsi %and3A_601, %shift_right_arithmetic3A_603 : vector<16xi32>
          %or3A_605 = arith.ori %or3A_598, %shift_right_arithmetic3A_604 : vector<16xi32>
          %swap3A_606 = arith.index_cast %rem3A_320 : i32 to index
          %swap3A_607 = arith.index_cast %mul3A_564 : i32 to index
          %swap3A_608 = tpu.vector_load %arg7[%swap3A_606, %swap3A_607] {strides = array<i32>} : memref<2x512xi32, #tpu.memory_space<vmem>>, vector<1x16xi32>,
          %swap3A_609 = vector.shape_cast %swap3A_608 : vector<1x16xi32> to vector<16xi32>
          %swap3A_610 = vector.shape_cast %or3A_605 : vector<16xi32> to vector<1x16xi32>
          tpu.vector_store %arg7[%swap3A_606, %swap3A_607], %swap3A_610 {strides = array<i32>} : memref<2x512xi32, #tpu.memory_space<vmem>>, vector<1x16xi32>,
          %scan3A_611 = arith.constant 0 : i32
          scf.yield %scan3A_611 : i32
        }
        %scan3A_464 = arith.constant 32 : i32
        %dma_start3A_465 = arith.constant 0 : i32
        %dma_start3A_466 = arith.constant 0 : i32
        %dma_start3A_467 = tpu.memref_slice %arg8[%rem3A_320, %dma_start3A_465, %dma_start3A_466] : memref<2x512x32xf32, #tpu.memory_space<vmem>> -> memref<1x128x32xf32, #tpu.memory_space<vmem>>
        %dma_start3A_468 = tpu.memref_squeeze %dma_start3A_467 : memref<1x128x32xf32, #tpu.memory_space<vmem>> -> memref<128x32xf32, #tpu.memory_space<vmem>>
        %dma_start3A_469 = arith.constant 0 : i32
        %dma_start3A_470 = tpu.memref_slice %arg6[%rem3A_320, %dma_start3A_469] : memref<2x512xi32, #tpu.memory_space<vmem>> -> memref<1x128xi32, #tpu.memory_space<vmem>>
        %dma_start3A_471 = tpu.memref_squeeze %dma_start3A_470 : memref<1x128xi32, #tpu.memory_space<vmem>> -> memref<128xi32, #tpu.memory_space<vmem>>
        %dma_start3A_472 = arith.constant 0 : i32
        %dma_start3A_473 = arith.constant 0 : i32
        %dma_start3A_474 = tpu.memref_slice %arg3[%dma_start3A_472, %dma_start3A_473] : memref<1015808x32xf32, #tpu.memory_space<hbm>> -> memref<1015808x32xf32, #tpu.memory_space<hbm>>
        %dma_start3A_475 = tpu.memref_slice %arg11[%rem3A_320] : memref<2x!tpu.dma_semaphore, #tpu.memory_space<semaphore_mem>> -> memref<1x!tpu.dma_semaphore, #tpu.memory_space<semaphore_mem>>
        %dma_start3A_476 = tpu.memref_squeeze %dma_start3A_475 : memref<1x!tpu.dma_semaphore, #tpu.memory_space<semaphore_mem>> -> memref<!tpu.dma_semaphore, #tpu.memory_space<semaphore_mem>>
        tpu.enqueue_indirect_dma source(%dma_start3A_474 : memref<1015808x32xf32, #tpu.memory_space<hbm>>) target(%dma_start3A_468 : memref<128x32xf32, #tpu.memory_space<vmem>>) offsets(%dma_start3A_471 : memref<128xi32, #tpu.memory_space<vmem>>) semaphore(%dma_start3A_476 : memref<!tpu.dma_semaphore, #tpu.memory_space<semaphore_mem>>)
        %dma_start3A_477 = arith.constant 0 : i32
        %dma_start3A_478 = arith.constant 0 : i32
        %dma_start3A_479 = tpu.memref_slice %arg9[%rem3A_320, %dma_start3A_477, %dma_start3A_478] : memref<2x512x32xf32, #tpu.memory_space<vmem>> -> memref<1x128x32xf32, #tpu.memory_space<vmem>>
        %dma_start3A_480 = tpu.memref_squeeze %dma_start3A_479 : memref<1x128x32xf32, #tpu.memory_space<vmem>> -> memref<128x32xf32, #tpu.memory_space<vmem>>
        %dma_start3A_481 = arith.constant 0 : i32
        %dma_start3A_482 = tpu.memref_slice %arg7[%rem3A_320, %dma_start3A_481] : memref<2x512xi32, #tpu.memory_space<vmem>> -> memref<1x128xi32, #tpu.memory_space<vmem>>
        %dma_start3A_483 = tpu.memref_squeeze %dma_start3A_482 : memref<1x128xi32, #tpu.memory_space<vmem>> -> memref<128xi32, #tpu.memory_space<vmem>>
        %dma_start3A_484 = arith.constant 0 : i32
        %dma_start3A_485 = arith.constant 0 : i32
        %dma_start3A_486 = tpu.memref_slice %arg4[%dma_start3A_484, %dma_start3A_485] : memref<1015808x32xf32, #tpu.memory_space<hbm>> -> memref<1015808x32xf32, #tpu.memory_space<hbm>>
        %dma_start3A_487 = tpu.memref_slice %arg11[%rem3A_320] : memref<2x!tpu.dma_semaphore, #tpu.memory_space<semaphore_mem>> -> memref<1x!tpu.dma_semaphore, #tpu.memory_space<semaphore_mem>>
        %dma_start3A_488 = tpu.memref_squeeze %dma_start3A_487 : memref<1x!tpu.dma_semaphore, #tpu.memory_space<semaphore_mem>> -> memref<!tpu.dma_semaphore, #tpu.memory_space<semaphore_mem>>
        tpu.enqueue_indirect_dma source(%dma_start3A_486 : memref<1015808x32xf32, #tpu.memory_space<hbm>>) target(%dma_start3A_480 : memref<128x32xf32, #tpu.memory_space<vmem>>) offsets(%dma_start3A_483 : memref<128xi32, #tpu.memory_space<vmem>>) semaphore(%dma_start3A_488 : memref<!tpu.dma_semaphore, #tpu.memory_space<semaphore_mem>>)
        %dma_start3A_489 = arith.constant 128 : i32
        %dma_start3A_490 = arith.constant 0 : i32
        %dma_start3A_491 = tpu.memref_slice %arg8[%rem3A_320, %dma_start3A_489, %dma_start3A_490] : memref<2x512x32xf32, #tpu.memory_space<vmem>> -> memref<1x128x32xf32, #tpu.memory_space<vmem>>
        %dma_start3A_492 = tpu.memref_squeeze %dma_start3A_491 : memref<1x128x32xf32, #tpu.memory_space<vmem>> -> memref<128x32xf32, #tpu.memory_space<vmem>>
        %dma_start3A_493 = arith.constant 128 : i32
        %dma_start3A_494 = tpu.memref_slice %arg6[%rem3A_320, %dma_start3A_493] : memref<2x512xi32, #tpu.memory_space<vmem>> -> memref<1x128xi32, #tpu.memory_space<vmem>>
        %dma_start3A_495 = tpu.memref_squeeze %dma_start3A_494 : memref<1x128xi32, #tpu.memory_space<vmem>> -> memref<128xi32, #tpu.memory_space<vmem>>
        %dma_start3A_496 = arith.constant 0 : i32
        %dma_start3A_497 = arith.constant 0 : i32
        %dma_start3A_498 = tpu.memref_slice %arg3[%dma_start3A_496, %dma_start3A_497] : memref<1015808x32xf32, #tpu.memory_space<hbm>> -> memref<1015808x32xf32, #tpu.memory_space<hbm>>
        %dma_start3A_499 = tpu.memref_slice %arg11[%rem3A_320] : memref<2x!tpu.dma_semaphore, #tpu.memory_space<semaphore_mem>> -> memref<1x!tpu.dma_semaphore, #tpu.memory_space<semaphore_mem>>
        %dma_start3A_500 = tpu.memref_squeeze %dma_start3A_499 : memref<1x!tpu.dma_semaphore, #tpu.memory_space<semaphore_mem>> -> memref<!tpu.dma_semaphore, #tpu.memory_space<semaphore_mem>>
        tpu.enqueue_indirect_dma source(%dma_start3A_498 : memref<1015808x32xf32, #tpu.memory_space<hbm>>) target(%dma_start3A_492 : memref<128x32xf32, #tpu.memory_space<vmem>>) offsets(%dma_start3A_495 : memref<128xi32, #tpu.memory_space<vmem>>) semaphore(%dma_start3A_500 : memref<!tpu.dma_semaphore, #tpu.memory_space<semaphore_mem>>)
        %dma_start3A_501 = arith.constant 128 : i32
        %dma_start3A_502 = arith.constant 0 : i32
        %dma_start3A_503 = tpu.memref_slice %arg9[%rem3A_320, %dma_start3A_501, %dma_start3A_502] : memref<2x512x32xf32, #tpu.memory_space<vmem>> -> memref<1x128x32xf32, #tpu.memory_space<vmem>>
        %dma_start3A_504 = tpu.memref_squeeze %dma_start3A_503 : memref<1x128x32xf32, #tpu.memory_space<vmem>> -> memref<128x32xf32, #tpu.memory_space<vmem>>
        %dma_start3A_505 = arith.constant 128 : i32
        %dma_start3A_506 = tpu.memref_slice %arg7[%rem3A_320, %dma_start3A_505] : memref<2x512xi32, #tpu.memory_space<vmem>> -> memref<1x128xi32, #tpu.memory_space<vmem>>
        %dma_start3A_507 = tpu.memref_squeeze %dma_start3A_506 : memref<1x128xi32, #tpu.memory_space<vmem>> -> memref<128xi32, #tpu.memory_space<vmem>>
        %dma_start3A_508 = arith.constant 0 : i32
        %dma_start3A_509 = arith.constant 0 : i32
        %dma_start3A_510 = tpu.memref_slice %arg4[%dma_start3A_508, %dma_start3A_509] : memref<1015808x32xf32, #tpu.memory_space<hbm>> -> memref<1015808x32xf32, #tpu.memory_space<hbm>>
        %dma_start3A_511 = tpu.memref_slice %arg11[%rem3A_320] : memref<2x!tpu.dma_semaphore, #tpu.memory_space<semaphore_mem>> -> memref<1x!tpu.dma_semaphore, #tpu.memory_space<semaphore_mem>>
        %dma_start3A_512 = tpu.memref_squeeze %dma_start3A_511 : memref<1x!tpu.dma_semaphore, #tpu.memory_space<semaphore_mem>> -> memref<!tpu.dma_semaphore, #tpu.memory_space<semaphore_mem>>
        tpu.enqueue_indirect_dma source(%dma_start3A_510 : memref<1015808x32xf32, #tpu.memory_space<hbm>>) target(%dma_start3A_504 : memref<128x32xf32, #tpu.memory_space<vmem>>) offsets(%dma_start3A_507 : memref<128xi32, #tpu.memory_space<vmem>>) semaphore(%dma_start3A_512 : memref<!tpu.dma_semaphore, #tpu.memory_space<semaphore_mem>>)
        %dma_start3A_513 = arith.constant 256 : i32
        %dma_start3A_514 = arith.constant 0 : i32
        %dma_start3A_515 = tpu.memref_slice %arg8[%rem3A_320, %dma_start3A_513, %dma_start3A_514] : memref<2x512x32xf32, #tpu.memory_space<vmem>> -> memref<1x128x32xf32, #tpu.memory_space<vmem>>
        %dma_start3A_516 = tpu.memref_squeeze %dma_start3A_515 : memref<1x128x32xf32, #tpu.memory_space<vmem>> -> memref<128x32xf32, #tpu.memory_space<vmem>>
        %dma_start3A_517 = arith.constant 256 : i32
        %dma_start3A_518 = tpu.memref_slice %arg6[%rem3A_320, %dma_start3A_517] : memref<2x512xi32, #tpu.memory_space<vmem>> -> memref<1x128xi32, #tpu.memory_space<vmem>>
        %dma_start3A_519 = tpu.memref_squeeze %dma_start3A_518 : memref<1x128xi32, #tpu.memory_space<vmem>> -> memref<128xi32, #tpu.memory_space<vmem>>
        %dma_start3A_520 = arith.constant 0 : i32
        %dma_start3A_521 = arith.constant 0 : i32
        %dma_start3A_522 = tpu.memref_slice %arg3[%dma_start3A_520, %dma_start3A_521] : memref<1015808x32xf32, #tpu.memory_space<hbm>> -> memref<1015808x32xf32, #tpu.memory_space<hbm>>
        %dma_start3A_523 = tpu.memref_slice %arg11[%rem3A_320] : memref<2x!tpu.dma_semaphore, #tpu.memory_space<semaphore_mem>> -> memref<1x!tpu.dma_semaphore, #tpu.memory_space<semaphore_mem>>
        %dma_start3A_524 = tpu.memref_squeeze %dma_start3A_523 : memref<1x!tpu.dma_semaphore, #tpu.memory_space<semaphore_mem>> -> memref<!tpu.dma_semaphore, #tpu.memory_space<semaphore_mem>>
        tpu.enqueue_indirect_dma source(%dma_start3A_522 : memref<1015808x32xf32, #tpu.memory_space<hbm>>) target(%dma_start3A_516 : memref<128x32xf32, #tpu.memory_space<vmem>>) offsets(%dma_start3A_519 : memref<128xi32, #tpu.memory_space<vmem>>) semaphore(%dma_start3A_524 : memref<!tpu.dma_semaphore, #tpu.memory_space<semaphore_mem>>)
        %dma_start3A_525 = arith.constant 256 : i32
        %dma_start3A_526 = arith.constant 0 : i32
        %dma_start3A_527 = tpu.memref_slice %arg9[%rem3A_320, %dma_start3A_525, %dma_start3A_526] : memref<2x512x32xf32, #tpu.memory_space<vmem>> -> memref<1x128x32xf32, #tpu.memory_space<vmem>>
        %dma_start3A_528 = tpu.memref_squeeze %dma_start3A_527 : memref<1x128x32xf32, #tpu.memory_space<vmem>> -> memref<128x32xf32, #tpu.memory_space<vmem>>
        %dma_start3A_529 = arith.constant 256 : i32
        %dma_start3A_530 = tpu.memref_slice %arg7[%rem3A_320, %dma_start3A_529] : memref<2x512xi32, #tpu.memory_space<vmem>> -> memref<1x128xi32, #tpu.memory_space<vmem>>
        %dma_start3A_531 = tpu.memref_squeeze %dma_start3A_530 : memref<1x128xi32, #tpu.memory_space<vmem>> -> memref<128xi32, #tpu.memory_space<vmem>>
        %dma_start3A_532 = arith.constant 0 : i32
        %dma_start3A_533 = arith.constant 0 : i32
        %dma_start3A_534 = tpu.memref_slice %arg4[%dma_start3A_532, %dma_start3A_533] : memref<1015808x32xf32, #tpu.memory_space<hbm>> -> memref<1015808x32xf32, #tpu.memory_space<hbm>>
        %dma_start3A_535 = tpu.memref_slice %arg11[%rem3A_320] : memref<2x!tpu.dma_semaphore, #tpu.memory_space<semaphore_mem>> -> memref<1x!tpu.dma_semaphore, #tpu.memory_space<semaphore_mem>>
        %dma_start3A_536 = tpu.memref_squeeze %dma_start3A_535 : memref<1x!tpu.dma_semaphore, #tpu.memory_space<semaphore_mem>> -> memref<!tpu.dma_semaphore, #tpu.memory_space<semaphore_mem>>
        tpu.enqueue_indirect_dma source(%dma_start3A_534 : memref<1015808x32xf32, #tpu.memory_space<hbm>>) target(%dma_start3A_528 : memref<128x32xf32, #tpu.memory_space<vmem>>) offsets(%dma_start3A_531 : memref<128xi32, #tpu.memory_space<vmem>>) semaphore(%dma_start3A_536 : memref<!tpu.dma_semaphore, #tpu.memory_space<semaphore_mem>>)
        %dma_start3A_537 = arith.constant 384 : i32
        %dma_start3A_538 = arith.constant 0 : i32
        %dma_start3A_539 = tpu.memref_slice %arg8[%rem3A_320, %dma_start3A_537, %dma_start3A_538] : memref<2x512x32xf32, #tpu.memory_space<vmem>> -> memref<1x128x32xf32, #tpu.memory_space<vmem>>
        %dma_start3A_540 = tpu.memref_squeeze %dma_start3A_539 : memref<1x128x32xf32, #tpu.memory_space<vmem>> -> memref<128x32xf32, #tpu.memory_space<vmem>>
        %dma_start3A_541 = arith.constant 384 : i32
        %dma_start3A_542 = tpu.memref_slice %arg6[%rem3A_320, %dma_start3A_541] : memref<2x512xi32, #tpu.memory_space<vmem>> -> memref<1x128xi32, #tpu.memory_space<vmem>>
        %dma_start3A_543 = tpu.memref_squeeze %dma_start3A_542 : memref<1x128xi32, #tpu.memory_space<vmem>> -> memref<128xi32, #tpu.memory_space<vmem>>
        %dma_start3A_544 = arith.constant 0 : i32
        %dma_start3A_545 = arith.constant 0 : i32
        %dma_start3A_546 = tpu.memref_slice %arg3[%dma_start3A_544, %dma_start3A_545] : memref<1015808x32xf32, #tpu.memory_space<hbm>> -> memref<1015808x32xf32, #tpu.memory_space<hbm>>
        %dma_start3A_547 = tpu.memref_slice %arg11[%rem3A_320] : memref<2x!tpu.dma_semaphore, #tpu.memory_space<semaphore_mem>> -> memref<1x!tpu.dma_semaphore, #tpu.memory_space<semaphore_mem>>
        %dma_start3A_548 = tpu.memref_squeeze %dma_start3A_547 : memref<1x!tpu.dma_semaphore, #tpu.memory_space<semaphore_mem>> -> memref<!tpu.dma_semaphore, #tpu.memory_space<semaphore_mem>>
        tpu.enqueue_indirect_dma source(%dma_start3A_546 : memref<1015808x32xf32, #tpu.memory_space<hbm>>) target(%dma_start3A_540 : memref<128x32xf32, #tpu.memory_space<vmem>>) offsets(%dma_start3A_543 : memref<128xi32, #tpu.memory_space<vmem>>) semaphore(%dma_start3A_548 : memref<!tpu.dma_semaphore, #tpu.memory_space<semaphore_mem>>)
        %dma_start3A_549 = arith.constant 384 : i32
        %dma_start3A_550 = arith.constant 0 : i32
        %dma_start3A_551 = tpu.memref_slice %arg9[%rem3A_320, %dma_start3A_549, %dma_start3A_550] : memref<2x512x32xf32, #tpu.memory_space<vmem>> -> memref<1x128x32xf32, #tpu.memory_space<vmem>>
        %dma_start3A_552 = tpu.memref_squeeze %dma_start3A_551 : memref<1x128x32xf32, #tpu.memory_space<vmem>> -> memref<128x32xf32, #tpu.memory_space<vmem>>
        %dma_start3A_553 = arith.constant 384 : i32
        %dma_start3A_554 = tpu.memref_slice %arg7[%rem3A_320, %dma_start3A_553] : memref<2x512xi32, #tpu.memory_space<vmem>> -> memref<1x128xi32, #tpu.memory_space<vmem>>
        %dma_start3A_555 = tpu.memref_squeeze %dma_start3A_554 : memref<1x128xi32, #tpu.memory_space<vmem>> -> memref<128xi32, #tpu.memory_space<vmem>>
        %dma_start3A_556 = arith.constant 0 : i32
        %dma_start3A_557 = arith.constant 0 : i32
        %dma_start3A_558 = tpu.memref_slice %arg4[%dma_start3A_556, %dma_start3A_557] : memref<1015808x32xf32, #tpu.memory_space<hbm>> -> memref<1015808x32xf32, #tpu.memory_space<hbm>>
        %dma_start3A_559 = tpu.memref_slice %arg11[%rem3A_320] : memref<2x!tpu.dma_semaphore, #tpu.memory_space<semaphore_mem>> -> memref<1x!tpu.dma_semaphore, #tpu.memory_space<semaphore_mem>>
        %dma_start3A_560 = tpu.memref_squeeze %dma_start3A_559 : memref<1x!tpu.dma_semaphore, #tpu.memory_space<semaphore_mem>> -> memref<!tpu.dma_semaphore, #tpu.memory_space<semaphore_mem>>
        tpu.enqueue_indirect_dma source(%dma_start3A_558 : memref<1015808x32xf32, #tpu.memory_space<hbm>>) target(%dma_start3A_552 : memref<128x32xf32, #tpu.memory_space<vmem>>) offsets(%dma_start3A_555 : memref<128xi32, #tpu.memory_space<vmem>>) semaphore(%dma_start3A_560 : memref<!tpu.dma_semaphore, #tpu.memory_space<semaphore_mem>>)
      } else {
      }
      %scan3A_447 = arith.constant 0 : i32
      scf.yield %scan3A_447 : i32
    }
    %scan3A_286 = arith.constant 64 : i32
    %mul3A_287 = arith.constant 32768 : i32
    %mul3A_288 = arith.muli %add3A, %mul3A_287 : i32
    %add3A_289 = arith.constant 31744 : i32
    %add3A_290 = arith.addi %mul3A_288, %add3A_289 : i32
    %dma_wait3A = arith.constant 0 : i32
    %dma_wait3A_291 = arith.constant 0 : i32
    %dma_wait3A_292 = arith.constant 0 : i32
    %dma_wait3A_293 = tpu.memref_slice %arg10[%dma_wait3A, %dma_wait3A_292] : memref<2x512xf32, #tpu.memory_space<vmem>> -> memref<1x512xf32, #tpu.memory_space<vmem>>
    %dma_wait3A_294 = tpu.memref_squeeze %dma_wait3A_293 : memref<1x512xf32, #tpu.memory_space<vmem>> -> memref<512xf32, #tpu.memory_space<vmem>>
    %dma_wait3A_295 = tpu.memref_slice %arg5[%add3A_290] : memref<1048576xf32, #tpu.memory_space<hbm>> -> memref<512xf32, #tpu.memory_space<hbm>>
    %dma_wait3A_296 = tpu.memref_slice %arg12[%dma_wait3A_291] : memref<2x!tpu.dma_semaphore, #tpu.memory_space<semaphore_mem>> -> memref<1x!tpu.dma_semaphore, #tpu.memory_space<semaphore_mem>>
    %dma_wait3A_297 = tpu.memref_squeeze %dma_wait3A_296 : memref<1x!tpu.dma_semaphore, #tpu.memory_space<semaphore_mem>> -> memref<!tpu.dma_semaphore, #tpu.memory_space<semaphore_mem>>
    %dma_wait3A_298 = tpu.memref_slice %arg5[%add3A_290] : memref<1048576xf32, #tpu.memory_space<hbm>> -> memref<512xf32, #tpu.memory_space<hbm>>
    %dma_wait3A_299 = arith.constant 0 : i32
    %dma_wait3A_300 = tpu.memref_slice %arg10[%dma_wait3A, %dma_wait3A_299] : memref<2x512xf32, #tpu.memory_space<vmem>> -> memref<1x512xf32, #tpu.memory_space<vmem>>
    %dma_wait3A_301 = tpu.memref_squeeze %dma_wait3A_300 : memref<1x512xf32, #tpu.memory_space<vmem>> -> memref<512xf32, #tpu.memory_space<vmem>>
    tpu.wait_dma2 semaphore(%dma_wait3A_297 : memref<!tpu.dma_semaphore, #tpu.memory_space<semaphore_mem>>) src(%dma_wait3A_301 : memref<512xf32, #tpu.memory_space<vmem>>) dst(%dma_wait3A_298 : memref<512xf32, #tpu.memory_space<hbm>>)
    %mul3A_302 = arith.constant 32768 : i32
    %mul3A_303 = arith.muli %add3A, %mul3A_302 : i32
    %add3A_304 = arith.constant 32256 : i32
    %add3A_305 = arith.addi %mul3A_303, %add3A_304 : i32
    %dma_wait3A_306 = arith.constant 1 : i32
    %dma_wait3A_307 = arith.constant 1 : i32
    %dma_wait3A_308 = arith.constant 0 : i32
    %dma_wait3A_309 = tpu.memref_slice %arg10[%dma_wait3A_306, %dma_wait3A_308] : memref<2x512xf32, #tpu.memory_space<vmem>> -> memref<1x512xf32, #tpu.memory_space<vmem>>
    %dma_wait3A_310 = tpu.memref_squeeze %dma_wait3A_309 : memref<1x512xf32, #tpu.memory_space<vmem>> -> memref<512xf32, #tpu.memory_space<vmem>>
    %dma_wait3A_311 = tpu.memref_slice %arg5[%add3A_305] : memref<1048576xf32, #tpu.memory_space<hbm>> -> memref<512xf32, #tpu.memory_space<hbm>>
    %dma_wait3A_312 = tpu.memref_slice %arg12[%dma_wait3A_307] : memref<2x!tpu.dma_semaphore, #tpu.memory_space<semaphore_mem>> -> memref<1x!tpu.dma_semaphore, #tpu.memory_space<semaphore_mem>>
    %dma_wait3A_313 = tpu.memref_squeeze %dma_wait3A_312 : memref<1x!tpu.dma_semaphore, #tpu.memory_space<semaphore_mem>> -> memref<!tpu.dma_semaphore, #tpu.memory_space<semaphore_mem>>
    %dma_wait3A_314 = tpu.memref_slice %arg5[%add3A_305] : memref<1048576xf32, #tpu.memory_space<hbm>> -> memref<512xf32, #tpu.memory_space<hbm>>
    %dma_wait3A_315 = arith.constant 0 : i32
    %dma_wait3A_316 = tpu.memref_slice %arg10[%dma_wait3A_306, %dma_wait3A_315] : memref<2x512xf32, #tpu.memory_space<vmem>> -> memref<1x512xf32, #tpu.memory_space<vmem>>
    %dma_wait3A_317 = tpu.memref_squeeze %dma_wait3A_316 : memref<1x512xf32, #tpu.memory_space<vmem>> -> memref<512xf32, #tpu.memory_space<vmem>>
    tpu.wait_dma2 semaphore(%dma_wait3A_313 : memref<!tpu.dma_semaphore, #tpu.memory_space<semaphore_mem>>) src(%dma_wait3A_317 : memref<512xf32, #tpu.memory_space<vmem>>) dst(%dma_wait3A_314 : memref<512xf32, #tpu.memory_space<hbm>>)
    return
  }
}

module attributes {stable_mosaic.version = 14 : i64} {
  func.func @_repack_body(%arg0: i32, %arg1: memref<32x16384xf32, #tpu.memory_space<vmem>>, %arg2: memref<32x16384xf32, #tpu.memory_space<vmem>>, %arg3: memref<4096x128xf32, #tpu.memory_space<vmem>>, %arg4: memref<4096x128xf32, #tpu.memory_space<vmem>>) attributes {dimension_semantics = [#tpu.dimension_semantics<arbitrary>], iteration_bounds = array<i64: 62>, scalar_prefetch = 0 : i64, scratch_operands = 0 : i64, tpu.core_type = #tpu.core_type<tc>, window_params = [{transform_indices = @transform_0, window_bounds = array<i64: 32, 16384>}, {transform_indices = @transform_1, window_bounds = array<i64: 32, 16384>}, {transform_indices = @transform_2, window_bounds = array<i64: 4096, 128>}, {transform_indices = @transform_3, window_bounds = array<i64: 4096, 128>}]} {
    %get3A = arith.constant 0 : index
    %get3A_0 = arith.constant 0 : index
    %get3A_1 = vector.load %arg1[%get3A, %get3A_0] : memref<32x16384xf32, #tpu.memory_space<vmem>>, vector<32x4096xf32>
    %get3A_2 = arith.constant 0 : index
    %get3A_3 = arith.constant 4096 : index
    %get3A_4 = vector.load %arg1[%get3A_2, %get3A_3] : memref<32x16384xf32, #tpu.memory_space<vmem>>, vector<32x4096xf32>
    %get3A_5 = arith.constant 0 : index
    %get3A_6 = arith.constant 8192 : index
    %get3A_7 = vector.load %arg1[%get3A_5, %get3A_6] : memref<32x16384xf32, #tpu.memory_space<vmem>>, vector<32x4096xf32>
    %get3A_8 = arith.constant 0 : index
    %get3A_9 = arith.constant 12288 : index
    %get3A_10 = vector.load %arg1[%get3A_8, %get3A_9] : memref<32x16384xf32, #tpu.memory_space<vmem>>, vector<32x4096xf32>
    %concatenate3A = tpu.concatenate %get3A_1, %get3A_4, %get3A_7, %get3A_10 in 0 : vector<32x4096xf32>, vector<32x4096xf32>, vector<32x4096xf32>, vector<32x4096xf32> -> vector<128x4096xf32>
    %transpose3A = tpu.transpose %concatenate3A, [1, 0] : vector<128x4096xf32> -> vector<4096x128xf32>
    %swap3A = arith.constant 0 : index
    %swap3A_11 = arith.constant 0 : index
    %swap3A_12 = vector.load %arg3[%swap3A, %swap3A_11] : memref<4096x128xf32, #tpu.memory_space<vmem>>, vector<4096x128xf32>
    tpu.vector_store %arg3[%swap3A, %swap3A_11], %transpose3A {strides = array<i32>} : memref<4096x128xf32, #tpu.memory_space<vmem>>, vector<4096x128xf32>,
    %get3A_13 = arith.constant 0 : index
    %get3A_14 = arith.constant 0 : index
    %get3A_15 = vector.load %arg2[%get3A_13, %get3A_14] : memref<32x16384xf32, #tpu.memory_space<vmem>>, vector<32x4096xf32>
    %get3A_16 = arith.constant 0 : index
    %get3A_17 = arith.constant 4096 : index
    %get3A_18 = vector.load %arg2[%get3A_16, %get3A_17] : memref<32x16384xf32, #tpu.memory_space<vmem>>, vector<32x4096xf32>
    %get3A_19 = arith.constant 0 : index
    %get3A_20 = arith.constant 8192 : index
    %get3A_21 = vector.load %arg2[%get3A_19, %get3A_20] : memref<32x16384xf32, #tpu.memory_space<vmem>>, vector<32x4096xf32>
    %get3A_22 = arith.constant 0 : index
    %get3A_23 = arith.constant 12288 : index
    %get3A_24 = vector.load %arg2[%get3A_22, %get3A_23] : memref<32x16384xf32, #tpu.memory_space<vmem>>, vector<32x4096xf32>
    %concatenate3A_25 = tpu.concatenate %get3A_15, %get3A_18, %get3A_21, %get3A_24 in 0 : vector<32x4096xf32>, vector<32x4096xf32>, vector<32x4096xf32>, vector<32x4096xf32> -> vector<128x4096xf32>
    %transpose3A_26 = tpu.transpose %concatenate3A_25, [1, 0] : vector<128x4096xf32> -> vector<4096x128xf32>
    %swap3A_27 = arith.constant 0 : index
    %swap3A_28 = arith.constant 0 : index
    %swap3A_29 = vector.load %arg4[%swap3A_27, %swap3A_28] : memref<4096x128xf32, #tpu.memory_space<vmem>>, vector<4096x128xf32>
    tpu.vector_store %arg4[%swap3A_27, %swap3A_28], %transpose3A_26 {strides = array<i32>} : memref<4096x128xf32, #tpu.memory_space<vmem>>, vector<4096x128xf32>,
    return
  }
  func.func @transform_0(%arg0: i32) -> (i32, i32) {
    %c0_i32 = arith.constant 0 : i32
    %c0_i32_0 = arith.constant 0 : i32
    return %c0_i32, %arg0 : i32, i32
  }
  func.func @transform_1(%arg0: i32) -> (i32, i32) {
    %c0_i32 = arith.constant 0 : i32
    %c0_i32_0 = arith.constant 0 : i32
    return %c0_i32, %arg0 : i32, i32
  }
  func.func @transform_2(%arg0: i32) -> (i32, i32) {
    %c0_i32 = arith.constant 0 : i32
    %c0_i32_0 = arith.constant 0 : i32
    return %arg0, %c0_i32 : i32, i32
  }
  func.func @transform_3(%arg0: i32) -> (i32, i32) {
    %c0_i32 = arith.constant 0 : i32
    %c0_i32_0 = arith.constant 0 : i32
    return %arg0, %c0_i32 : i32, i32
  }
}

</mosaic_0001>

<sc_bundles>
// kernel: kernel.4.cloned.1.call-start
scs
__scs_entry_jumppad:
0x0: {  	(pc) =	sbr.rel $0x88, $3  }
0x1: {  	(tag) =	ssettag $0x0;
	lr =	simm.s32 $0x1  }
0x2: {  	[smem:$0x3F9E] =	sst lr;
	_ =	strace $0xD0000000  }
0x3: {  	_ = 	snop  }
0x4: {  	_ = 	snop  }
0x5: {  	_ = 	snop  }
0x6: {  	_ = 	snop  }
0x7: {  	_ = 	snop  }
__scs_overlays_trampoline_lowered:
0x8: {  	[smem:$0x3FAD] =	sst s0  }
0x9: {  	[smem:$0x3FAE] =	sst s1  }
0xa: {  	[smem:$0x3FAF] =	sst s2  }
0xb: {  	[smem:$0x3FB0] =	sst s3  }
0xc: {  	[smem:$0x3FB1] =	sst s4  }
0xd: {  	[smem:$0x3FB2] =	sst s5  }
0xe: {  	[smem:$0x3FB3] =	sst s6  }
0xf: {  	[smem:$0x3FB4] =	sst s7  }
0x10: {  	[smem:$0x3FB5] =	sst s8  }
0x11: {  	[smem:$0x3FB6] =	sst s9;
	s0 =	simm.s32 @!p0 $0x0  }
0x12: {  	s1 =	sld [smem:$0x3F9C];
	s0 =	simm.s32 @p0 $0x1  }
0x13: {  	[smem:$0x3FB7] =	sst s0;
	s0 =	simm.s32 @!p1 $0x0  }
0x14: {  	s2 =	sld [smem:$0x3F9B];
	s0 =	simm.s32 @p1 $0x1  }
0x15: {  	[smem:$0x3FB8] =	sst s0;
	s0 =	simm.s32 @!p2 $0x0  }
0x16: {  	s3 =	sld [smem:$0x3FDB];
	s0 =	simm.s32 @p2 $0x1  }
0x17: {  	s4 =	simm.s32 $0x1BF5;
	[smem:$0x3FBA] =	sst s0  }
0x18: {  	s0 =	sld [smem:$0x3F9D];
	_ =	swait.ge [sflag:s4], $0x0  }
0x19: {  	s7 =	sld [smem:$0x3F9E]  }
0x1a: {  	s8 =	sadd.s32 $0xFFFFE003, lr  }
0x1b: {  	s9 =	sadd.s32 $0xFFFFFEF7, lr;
	s5 =	simm.s32 $0xFFFFFFFF;
	p2 =	slt.u32 s8, $0xFFFFF086  }
0x1c: {  	p1 =	slt.u32 s9, $0xF7A;
	s5 =	simm.s32 @!p2 $0x0  }
0x1d: {  	s5 =	simm.s32 @p1 $0x1;
	p0 =	seq.s32 s7, s2  }
0x1e: {  	s7 =	smul.u32 @!p0 $0xF7A, s2;
	p2 =	seq.s32 @!p0 s5, $0x0  }
0x1f: {  	s9 =	smul.u32 $0xF7A, s1;
	s8 =	simm.s32 @!p0 $0x1BF5;
	p2 =	por !p2, p0  }
0x20: {  	[sflag:s8] =	ssyncset.s32 @!p0 $0xFFFFF086;
	s6 =	sadd.s32 @!p0 s3, s7;
	s7 =	simm.s32 @!p0 $0x108  }
0x21: {  	s3 =	sadd.s32 s3, s9;
	s6 =	sadd.s32 @!p0 $0x88, s6;
	s7 =	simm.s32 @p2 $0x1082  }
0x22: {  	[simem:s7], [sflag:s8] =	dma.local @!p0 [hbm:s6], $0xF7A  }
0x23: {  	s9 =	sor.u32 $0xD0000000, s2;
	s6 =	simm.s32 $0x108;
	_ =	swait.ge @!p0 [sflag:s8], $0x0  }
0x24: {  	s3 =	sadd.s32 $0x88, s3;
	s6 =	simm.s32 @!p1 $0x1082;
	[sflag:s4] =	ssyncset.s32 $0xFFFFF086  }
0x25: {  	[simem:s6], [sflag:s4] =	dma.local [hbm:s3], $0xF7A  }
0x26: {  	[smem:$0x3F9E] =	sst s1;
	(tag) =	ssettag s2;
	_ =	strace s9  }
0x27: {  	s1 =	sld [smem:$0x3FAE]  }
0x28: {  	s2 =	sld [smem:$0x3FAF]  }
0x29: {  	s4 =	sld [smem:$0x3FB1]  }
0x2a: {  	p0 =	seq.s32 s5, $0x0;
	s5 =	sld [smem:$0x3FB2]  }
0x2b: {  	s6 =	sld [smem:$0x3FB3]  }
0x2c: {  	s7 =	sld [smem:$0x3FB4]  }
0x2d: {  	s3 =	simm.s32 $0x108;
	s8 =	sld [smem:$0x3FB5]  }
0x2e: {  	s3 =	simm.s32 @!p0 $0x1082;
	s9 =	sld [smem:$0x3FB6]  }
0x2f: {  	lr =	sadd.s32 s0, s3;
	s0 =	sld [smem:$0x3FAD]  }
0x30: {  	s3 =	sld [smem:$0x3FB0]  }
0x31: {  	[smem:$0x3FB9] =	sst s10  }
0x32: {  	s10 =	sld [smem:$0x3FB7];
	_ =	sdelay $0x3  }
0x33: {  	p0 =	seq.s32 s10, $0x1;
	s10 =	sld [smem:$0x3FB9];
	_ =	sdelay $0x3  }
0x34: {  	[smem:$0x3FB9] =	sst s10  }
0x35: {  	s10 =	sld [smem:$0x3FB8];
	_ =	sdelay $0x3  }
0x36: {  	p1 =	seq.s32 s10, $0x1;
	s10 =	sld [smem:$0x3FB9];
	_ =	sdelay $0x3  }
0x37: {  	[smem:$0x3FB9] =	sst s10  }
0x38: {  	s10 =	sld [smem:$0x3FBA]  }
0x39: {  	_ = 	snop;
	(pc) =	sbr.ind lr, $3  }
0x3a: {  	_ = 	snop  }
0x3b: {  	_ = 	snop  }
0x3c: {  	p2 =	seq.s32 s10, $0x1;
	s10 =	sld [smem:$0x3FB9]  }
0x3d: {  	_ =	shalt  }
0x3e: {  	_ =	shalt  }
0x3f: {  	_ =	shalt  }
0x40: {  	_ =	shalt  }
0x41: {  	_ =	shalt  }
0x42: {  	_ =	shalt  }
0x43: {  	_ =	shalt  }
0x44: {  	_ =	shalt  }
0x45: {  	_ =	shalt  }
0x46: {  	_ =	shalt  }
0x47: {  	_ =	shalt  }
0x48: {  	_ =	shalt  }
0x49: {  	_ =	shalt  }
0x4a: {  	_ =	shalt  }
0x4b: {  	_ =	shalt  }
0x4c: {  	_ =	shalt  }
0x4d: {  	_ =	shalt  }
0x4e: {  	_ =	shalt  }
0x4f: {  	_ =	shalt  }
0x50: {  	_ =	shalt  }
0x51: {  	_ =	shalt  }
0x52: {  	_ =	shalt  }
0x53: {  	_ =	shalt  }
0x54: {  	_ =	shalt  }
0x55: {  	_ =	shalt  }
0x56: {  	_ =	shalt  }
0x57: {  	_ =	shalt  }
0x58: {  	_ =	shalt  }
0x59: {  	_ =	shalt  }
0x5a: {  	_ =	shalt  }
0x5b: {  	_ =	shalt  }
0x5c: {  	_ =	shalt  }
0x5d: {  	_ =	shalt  }
0x5e: {  	_ =	shalt  }
0x5f: {  	_ =	shalt  }
0x60: {  	_ =	shalt  }
0x61: {  	_ =	shalt  }
0x62: {  	_ =	shalt  }
0x63: {  	_ =	shalt  }
0x64: {  	_ =	shalt  }
0x65: {  	_ =	shalt  }
0x66: {  	_ =	shalt  }
0x67: {  	_ =	shalt  }
0x68: {  	_ =	shalt  }
0x69: {  	_ =	shalt  }
0x6a: {  	_ =	shalt  }
0x6b: {  	_ =	shalt  }
0x6c: {  	_ =	shalt  }
0x6d: {  	_ =	shalt  }
0x6e: {  	_ =	shalt  }
0x6f: {  	_ =	shalt  }
0x70: {  	_ =	shalt  }
0x71: {  	_ =	shalt  }
0x72: {  	_ =	shalt  }
0x73: {  	_ =	shalt  }
0x74: {  	_ =	shalt  }
0x75: {  	_ =	shalt  }
0x76: {  	_ =	shalt  }
0x77: {  	_ =	shalt  }
0x78: {  	_ =	shalt  }
0x79: {  	_ =	shalt  }
0x7a: {  	_ =	shalt  }
0x7b: {  	_ =	shalt  }
0x7c: {  	_ =	shalt  }
0x7d: {  	_ =	shalt  }
0x7e: {  	_ =	shalt  }
0x7f: {  	_ =	shalt  }
0x80: {  	_ =	shalt  }
0x81: {  	_ =	shalt  }
0x82: {  	_ =	shalt  }
0x83: {  	_ =	shalt  }
0x84: {  	_ =	shalt  }
0x85: {  	_ =	shalt  }
0x86: {  	_ =	shalt  }
0x87: {  	_ =	shalt  }
.Lfunc_end0:
.L_simem_size_0:
called_computation_lowered:
.L_overlay_start_0:
0x88: {  	s2 =	sld [smem:$0x3FD9]  }
0x89: {  	s3 =	sld [smem:$0x3FFE];
	_ =	sdelay $0x1  }
0x8a: {  	s1 =	srdreg.scid  }
0x8b: {  	s0 =	sand.u32 $0x1, s1  }
0x8c: {  	s17 =	sshll.u32 s0, $0xA;
	s2 =	sadd.s32 s3, s2  }
0x8d: {  	s2 =	sadd.s32 s2, s17  }
0x8e: {  	[smem:$0x3FC5] =	sst s2  }
0x8f: {  	_ = 	snop  }
0x90: {  	s2 =	sld [smem:$0x3FD0];
	(tm) =	ssettm $0x1  }
0x91: {  	s18 =	sld [smem:$0x3FFB];
	_ =	sdelay $0x3  }
0x92: {  	_ =	strace s18  }
0x93: {  	s3 =	sld [smem:$0x3FFC];
	_ =	sdelay $0x3  }
0x94: {  	_ =	strace s3  }
0x95: {  	s3 =	sld [smem:$0x3FFD];
	_ =	sdelay $0x3  }
0x96: {  	_ =	strace s3  }
0x97: {  	_ =	strace $0x8FFFFFFF  }
0x98: {  	s19 =	sld [smem:$0x3FDB];
	_ =	sdelay $0x1  }
0x99: {  	s4 =	simm.s32 $_scs_section_size  }
0x9a: {  	s5 =	simm.s32 $_size__tile_overlayer_lowered;
	s6 =	simm.s32 $_tile_overlayer_lowered  }
0x9b: {  	s22 =	simm.s32 $0x1BFF;
	s21 =	sshll.u32 s6, $0x1;
	s3 =	sadd.s32 s4, s19  }
0x9c: {  	s7 =	simm.s32 $0x0;
	s20 =	sshll.u32 s5, $0x1;
	s5 =	sadd.s32 s21, s3  }
0x9d: {  	[timem:s7], [sflag:s22] =	dma.local [hbm:s5], s20  }
0x9e: {  	_ =	swait.ge [sflag:s22], s20  }
0x9f: {  	s4 =	ssub.s32 $0x0, s20;
	[sflag:s22] =	ssyncset.done $0x0  }
0xa0: {  	[sflag:s22] =	ssyncadd.s32 s4;
	_ =	sdelay $0x1  }
0xa1: {  	s23 =	simm.s32 $0x1B8B  }
0xa2: {  	_ =	swait.ge [sflag:s23], $0x1  }
0xa3: {  	[sflag:s23] =	ssyncset.done $0x0  }
0xa4: {  	s25 =	simm.s32 $0x1B8E;
	s24 =	sld [smem:$0x3FFE];
	[sflag:s23] =	ssyncadd.s32 $0xFFFFFFFF  }
0xa5: {  	s26 =	simm.s32 $execute0_lowered;
	[smem:$0x3FD2] =	sst s25  }
0xa6: {  	s5 =	sshll.u32 s26, $0x1;
	_ =	strace $0x80000046;
	[dreg:$0x1] =	wrdreg $0xFFFFFFFF  }
0xa7: {  	s28 =	simm.s32 $_size_execute0_lowered;
	s3 =	sadd.s32 s3, s5;
	[dreg:$0x0] =	wrdreg $0x0  }
0xa8: {  	s5 =	sshll.u32 s28, $0x1;
	[dreg:$0x2] =	wrdreg s3  }
0xa9: {  	[dreg:$0x3] =	wrdreg s5  }
0xaa: {  	[dreg:$0x4] =	wrdreg $0xC0  }
0xab: {  	_ =	task [dreg:s7], $0x5FFFF  }
0xac: {  	[dreg:$0x1] =	wrdreg $0xFFFFFFFF  }
0xad: {  	[dreg:$0x0] =	wrdreg $0x60  }
0xae: {  	[dreg:$0x2] =	wrdreg s24  }
0xaf: {  	[dreg:$0x3] =	wrdreg s2  }
0xb0: {  	[dreg:$0x4] =	wrdreg $0x9  }
0xb1: {  	_ =	task.clear_ibuf [dreg:s7], $0x5FFFF;
	_ =	strace $0x90000046  }
0xb2: {  	s29 =	simm.s32 $0x9;
	_ =	strace $0x80000048  }
0xb3: {  	_ =	swait.ge [sflag:s29], $0x1  }
0xb4: {  	[sflag:s29] =	ssyncadd.s32 $0xFFFFFFFF  }
0xb5: {  	_ =	strace $0x90000048  }
0xb6: {  	_ =	sfence  }
0xb7: {  	s30 =	sld [smem:$0x0];
	_ =	sdelay $0x2  }
0xb8: {  	s31 =	sshll.u32 s1, $0xD;
	s1 =	sshrl.u32 s1, $0x2  }
0xb9: {  	s3 =	sand.u32 $0x4000, s31;
	s1 =	sadd.s32 s1, s30  }
0xba: {  	s0 =	sor.u32 s3, s0;
	s1 =	sshll.u32 s1, $0x11  }
0xbb: {  	s0 =	sor.u32 s1, s0  }
0xbc: {  	s0 =	sadd.s32 $0x8F2B, s0  }
0xbd: {  	[sflag:s0] =	ssyncadd.remote.s32 $0x1  }
0xbe: {  	_ =	sfence.sel $0xFFFF  }
0xbf: {  	[dreg:$0x0] =	wrdreg $0xFFFFFFFF;
	(pc) =	sbr.abs _section_cstart, $3  }
0xc0: {  	[dreg:$0x1] =	wrdreg $0xFFFFFFFF  }
0xc1: {  	_ =	task.clear_ibuf [dreg:s7], $0x2FFFF;
	_ =	strace $0x9FFFFFFF  }
0xc2: {  	(tm) =	ssettm $0x7FFFFFFF  }
0xc3: {  	_ =	shalt  }
tec
execute0_lowered:
.L_overlay_start_1:
0x0: {  	(tag) =	ssettag $0x1  }
0x1: {  	v0 =	vimm.s32 $0xFEDCBA98;
	v1 =	vimm.s32 $0x76543210  }
0x2: {  	v2 =	vimm.s32 $0xBA98FEDC;
	v3 =	vimm.s32 $0x32107654;
	v4 =	vimm.s32 $0xDCFE98BA  }
0x3: {  	v5 =	vimm.s32 $0x54761032;
	v6 =	vimm.s32 $0xEFCDAB89;
	v7 =	vimm.s32 $0x67452301  }
0x4: {  	s0 =	rddreg [dreg:$0x0];
	vm0 =	vmmov $0x1;
	vm1 =	vmmov $0x3;
	vm2 =	vmmov $0x7  }
0x5: {  	s1 =	rddreg [dreg:$0x1];
	s3 =	simm.s32 $0x0;
	s2 =	srdreg.scid;
	vm3 =	vmmov $0xf;
	vm4 =	vmmov $0x1f;
	vm5 =	vmmov $0x3f  }
0x6: {  	s4 =	stileid.u32;
	s14 =	simm.s32 $0x5;
	s15 =	simm.s32 $0x400;
	vm6 =	vmmov $0x7f;
	vm7 =	vmmov $0xff;
	vm8 =	vmmov $0x1ff  }
0x7: {  	s16 =	simm.s32 $0x80;
	s19 =	simm.s32 $0x200;
	vm9 =	vmmov $0x3ff;
	vm10 =	vmmov $0x7ff;
	vm11 =	vmmov $0xfff;
	s17 =	simm.s32 $0x4  }
0x8: {  	[smem:$0x7FF] =	sst s3;
	s2 =	sand.u32 $0x1, s2;
	s6 =	sshll.u32 s4, $0x10;
	v0 =	vunpack.c.l.s4.s8 v0;
	v1 =	vunpack.c.l.s4.s8 v1;
	v2 =	vunpack.c.l.s4.s8 v2  }
0x9: {  	s4 =	sadd.s32 $0x600, s0;
	v3 =	vunpack.c.l.s4.s8 v3;
	v4 =	vunpack.c.l.s4.s8 v4;
	v5 =	vunpack.c.l.s4.s8 v5;
	s7 =	sshll.u32 s2, $0xF;
	s28 =	ssub.s32 $0x2, s2  }
0xa: {  	s5 =	sadd.s32 $0x40600, s0;
	v6 =	vunpack.c.l.s4.s8 v6;
	v7 =	vunpack.c.l.s4.s8 v7;
	s6 =	sor.u32 s7, s6;
	v0 =	vunpack.c.0.s8.s32 v0;
	s9 =	sshrl.u32 s28, $0x1  }
0xb: {  	s7 =	sadd.s32 $0x420600, s0;
	v2 =	vunpack.c.0.s8.s32 v2;
	v3 =	vunpack.c.0.s8.s32 v3;
	v4 =	vunpack.c.0.s8.s32 v4;
	s29 =	sshrl.u32 s6, $0x3;
	s0 =	ssub.s32 s28, s9  }
.Ltmp0:
0xc: {  	v5 =	vunpack.c.0.s8.s32 v5;
	v6 =	vunpack.c.0.s8.s32 v6;
	v7 =	vunpack.c.0.s8.s32 v7;
	s8 =	sadd.s32 s4, s29;
	s0 =	smax.u32 s0, $0x1;
	(pc) =	sbr.rel .LBB2_1-.Ltmp0, $4  }
0xd: {  	vm12 =	vmmov $0x1fff;
	_ =	strace $0x80000047;
	v1 =	vunpack.c.0.s8.s32 v1;
	v2 =	vcombine.low v3, v2;
	s2 =	sadd.s32 $0x20000, s8;
	[dreg:$0x6] =	wrdreg s0  }
0xe: {  	s18 =	simm.s32 $0x0;
	v3 =	vcombine.low v5, v4;
	v4 =	vcombine.low v7, v6;
	v0 =	vand.u32 $0xF, v0;
	s30 =	sadd.s32 $0x20040, s8;
	[dreg:$0x3] =	wrdreg s2  }
0xf: {  	vm13 =	vmmov $0x3fff;
	vm14 =	vmmov $0x7fff;
	s11 =	sor.u32 $0x400, s6;
	s31 =	sadd.s32 $0x40, s8;
	v0 =	vcombine.low v0, v1;
	[dreg:$0x4] =	wrdreg s30  }
0x10: {  	s0 =	simm.s32 $0x600;
	[dreg:$0x5] =	wrdreg s31;
	v1 =	vand.u32 $0xF, v2;
	v2 =	vand.u32 $0xF, v3;
	v3 =	vand.u32 $0xF, v4;
	s2 =	simm.s32 $0x3  }
.LBB2_13:
0x11: {  	_ =	swait.ge [sflag:s2], $0x200  }
0x12: {  	[sflag:s2] =	ssyncset.done $0x0  }
0x13: {  	[sflag:s2] =	ssyncadd.s32 $0xFFFFFE00  }
0x14: {  	_ =	swait.ge [sflag:s17], $0x200  }
0x15: {  	s18 =	sadd.s32 $0x1, s18;
	s9 =	rddreg [dreg:$0x6]  }
0x16: {  	p0 =	sne.s32 s18, s9  }
.Ltmp1:
0x17: {  	_ = 	snop;
	(pc) =	sbr.rel @!p0 .LBB2_14-.Ltmp1, $3  }
0x18: {  	_ =	sdelay $0x1  }
0x19: {  	[sflag:s17] =	ssyncset.done $0x0  }
0x1a: {  	s15 =	simm.s32 $0x400;
	s19 =	simm.s32 $0x200;
	[sflag:s17] =	ssyncadd.s32 $0xFFFFFE00  }
.LBB2_1:
0x1b: {  	[tilespmem:s3], [sflag:$0x5] =	stream.linear.gather [hbm4b:s8+s3], $0x200, $0x38;
	[tilespmem:$0x10C00] =	vst v63  }
0x1c: {  	_ =	swait.ge [sflag:s14], $0x200  }
0x1d: {  	[sflag:s14] =	ssyncset.done $0x0  }
0x1e: {  	s9 =	rddreg [dreg:$0x3];
	[sflag:s14] =	ssyncadd.s32 $0xFFFFFE00  }
0x1f: {  	[tilespmem:s15], [sflag:$0x5] =	stream.linear.gather [hbm4b:s9+s3], $0x200, $0x38;
	[tilespmem:$0x10C00] =	vst v63  }
0x20: {  	_ =	swait.ge [sflag:s14], $0x200  }
0x21: {  	[sflag:s14] =	ssyncset.done $0x0  }
0x22: {  	s9 =	simm.s32 $0x0;
	[sflag:s14] =	ssyncadd.s32 $0xFFFFFE00  }
0x23: {  	v4 =	vld [tilespmem:s9+$0x0]  }
0x24: {  	v7 =	vld [tilespmem:s9+$0x400];
	_ =	sdelay $0x3  }
0x25: {  	v5 =	vshll.u32 v4, $0x2;
	v6 =	vshrl.u32 v4, $0xC  }
0x26: {  	v4 =	vand.u32 $0xFFFFC000, v4;
	v8 =	vshll.u32 v7, $0x2;
	v5 =	vand.u32 $0x3FFC, v5  }
0x27: {  	v6 =	vand.u32 $0x3, v6;
	v5 =	vor.u32 v4, v5;
	v4 =	vand.u32 $0xFFFFC000, v7  }
0x28: {  	s12 =	simm.s32 $0x40;
	s10 =	simm.s32 $0x80;
	v7 =	vshrl.u32 v7, $0xC;
	v5 =	vor.u32 v6, v5;
	v6 =	vand.u32 $0x3FFC, v8  }
.LBB2_2:
0x29: {  	p0 =	sne.s32 s10, $0x7C0  }
0x2a: {  	s13 =	sshra.s32 s12, $0x2;
	[tilespmem:s9+$0x0] =	vst v5;
	v4 =	vor.u32 v4, v6;
	v5 =	vand.u32 $0x3, v7;
	s12 =	smov.u32 s10;
	s10 =	sadd.s32 $0x40, s10  }
0x2b: {  	v6 =	vld [tilespmem:s13+$0x0];
	v4 =	vor.u32 v5, v4  }
0x2c: {  	[tilespmem:s9+$0x400] =	vst v4;
	s9 =	smov.u32 s13  }
0x2d: {  	v7 =	vld [tilespmem:s9+$0x400];
	_ =	sdelay $0x1  }
.Ltmp2:
0x2e: {  	(pc) =	sbr.rel @p0 .LBB2_2-.Ltmp2, $4  }
0x2f: {  	v4 =	vand.u32 $0xFFFFC000, v6;
	v5 =	vshll.u32 v6, $0x2;
	v6 =	vshrl.u32 v6, $0xC  }
0x30: {  	v5 =	vand.u32 $0x3FFC, v5;
	v6 =	vand.u32 $0x3, v6  }
0x31: {  	v5 =	vor.u32 v4, v5;
	v4 =	vand.u32 $0xFFFFC000, v7;
	v8 =	vshll.u32 v7, $0x2  }
0x32: {  	v7 =	vshrl.u32 v7, $0xC;
	v5 =	vor.u32 v6, v5;
	v6 =	vand.u32 $0x3FFC, v8  }
0x33: {  	s10 =	sshra.s32 s12, $0x2;
	[tilespmem:s9+$0x0] =	vst v5;
	v4 =	vor.u32 v4, v6;
	v5 =	vand.u32 $0x3, v7  }
0x34: {  	v6 =	vld [tilespmem:s10+$0x0];
	v4 =	vor.u32 v5, v4  }
0x35: {  	[tilespmem:s9+$0x400] =	vst v4  }
0x36: {  	v4 =	vld [tilespmem:s10+$0x400];
	_ =	sdelay $0x2  }
0x37: {  	v5 =	vshll.u32 v6, $0x2  }
0x38: {  	v7 =	vand.u32 $0xFFFFC000, v6;
	v6 =	vshrl.u32 v6, $0xC;
	v5 =	vand.u32 $0x3FFC, v5  }
0x39: {  	v6 =	vand.u32 $0x3, v6;
	v5 =	vor.u32 v7, v5;
	v7 =	vshll.u32 v4, $0x2  }
0x3a: {  	v8 =	vand.u32 $0xFFFFC000, v4;
	v4 =	vshrl.u32 v4, $0xC;
	v7 =	vand.u32 $0x3FFC, v7  }
0x3b: {  	v5 =	vor.u32 v6, v5;
	v4 =	vand.u32 $0x3, v4;
	v6 =	vor.u32 v8, v7  }
0x3c: {  	[tilespmem:s10+$0x0] =	vst v5;
	v4 =	vor.u32 v4, v6  }
0x3d: {  	s31 =	simm.s32 $0x800;
	s9 =	simm.s32 $0x0;
	[tilespmem:s10+$0x400] =	vst v4  }
0x3e: {  	[tilespmem:s31], [sflag:$0x1] =	stream.indirect.gather [hbm4b:s5+s16], $0x20, s9, s16, $0xb8;
	[tilespmem:$0x10C00] =	vst v63  }
0x3f: {  	s12 =	simm.s32 $0x8800  }
0x40: {  	[tilespmem:s12], [sflag:$0x1] =	stream.indirect.gather [hbm4b:s7+s16], $0x20, s15, s16, $0xb8;
	[tilespmem:$0x10C00] =	vst v63  }
0x41: {  	s13 =	simm.s32 $0x1800  }
0x42: {  	[tilespmem:s13], [sflag:$0x1] =	stream.indirect.gather [hbm4b:s5+s16], $0x20, s16, s16, $0xb8;
	[tilespmem:$0x10C00] =	vst v63  }
0x43: {  	s20 =	simm.s32 $0x9800;
	s15 =	simm.s32 $0x480  }
0x44: {  	[tilespmem:s20], [sflag:$0x1] =	stream.indirect.gather [hbm4b:s7+s16], $0x20, s15, s16, $0xb8;
	[tilespmem:$0x10C00] =	vst v63  }
0x45: {  	s21 =	simm.s32 $0x100;
	s22 =	simm.s32 $0x2800  }
0x46: {  	[tilespmem:s22], [sflag:$0x1] =	stream.indirect.gather [hbm4b:s5+s16], $0x20, s21, s16, $0xb8;
	[tilespmem:$0x10C00] =	vst v63  }
0x47: {  	s23 =	simm.s32 $0x500;
	s24 =	simm.s32 $0xA800  }
0x48: {  	[tilespmem:s24], [sflag:$0x1] =	stream.indirect.gather [hbm4b:s7+s16], $0x20, s23, s16, $0xb8;
	[tilespmem:$0x10C00] =	vst v63  }
0x49: {  	s25 =	simm.s32 $0x180;
	s26 =	simm.s32 $0x3800  }
0x4a: {  	[tilespmem:s26], [sflag:$0x1] =	stream.indirect.gather [hbm4b:s5+s16], $0x20, s25, s16, $0xb8;
	[tilespmem:$0x10C00] =	vst v63  }
0x4b: {  	s28 =	simm.s32 $0x580;
	s29 =	simm.s32 $0xB800  }
0x4c: {  	[tilespmem:s29], [sflag:$0x1] =	stream.indirect.gather [hbm4b:s7+s16], $0x20, s28, s16, $0xb8;
	[tilespmem:$0x10C00] =	vst v63  }
0x4d: {  	s30 =	rddreg [dreg:$0x5]  }
0x4e: {  	[tilespmem:s19], [sflag:$0x5] =	stream.linear.gather [hbm4b:s30+s9], $0x200, $0x38;
	[tilespmem:$0x10C00] =	vst v63  }
0x4f: {  	_ =	swait.ge [sflag:s14], $0x200  }
0x50: {  	[sflag:s14] =	ssyncset.done $0x0  }
0x51: {  	s31 =	rddreg [dreg:$0x4];
	[sflag:s14] =	ssyncadd.s32 $0xFFFFFE00  }
0x52: {  	[tilespmem:s0], [sflag:$0x5] =	stream.linear.gather [hbm4b:s31+s9], $0x200, $0x38;
	[tilespmem:$0x10C00] =	vst v63  }
0x53: {  	_ =	swait.ge [sflag:s14], $0x200  }
0x54: {  	[sflag:s14] =	ssyncset.done $0x0  }
0x55: {  	s9 =	simm.s32 $0x0;
	[sflag:s14] =	ssyncadd.s32 $0xFFFFFE00  }
0x56: {  	v4 =	vld [tilespmem:s9+$0x200]  }
0x57: {  	v7 =	vld [tilespmem:s9+$0x600];
	_ =	sdelay $0x3  }
0x58: {  	v5 =	vshll.u32 v4, $0x2;
	v6 =	vshrl.u32 v4, $0xC  }
0x59: {  	v4 =	vand.u32 $0xFFFFC000, v4;
	v8 =	vshll.u32 v7, $0x2;
	v5 =	vand.u32 $0x3FFC, v5  }
0x5a: {  	v6 =	vand.u32 $0x3, v6;
	v5 =	vor.u32 v4, v5;
	v4 =	vand.u32 $0xFFFFC000, v7  }
0x5b: {  	s10 =	simm.s32 $0x80;
	s12 =	simm.s32 $0x40;
	v7 =	vshrl.u32 v7, $0xC;
	v5 =	vor.u32 v6, v5;
	v6 =	vand.u32 $0x3FFC, v8  }
.LBB2_4:
0x5c: {  	p0 =	sne.s32 s10, $0x7C0  }
0x5d: {  	s13 =	sshra.s32 s12, $0x2;
	[tilespmem:s9+$0x200] =	vst v5;
	v4 =	vor.u32 v4, v6;
	v5 =	vand.u32 $0x3, v7;
	s12 =	smov.u32 s10;
	s10 =	sadd.s32 $0x40, s10  }
0x5e: {  	v6 =	vld [tilespmem:s13+$0x200];
	v4 =	vor.u32 v5, v4  }
0x5f: {  	[tilespmem:s9+$0x600] =	vst v4;
	s9 =	smov.u32 s13  }
0x60: {  	v7 =	vld [tilespmem:s9+$0x600];
	_ =	sdelay $0x1  }
.Ltmp3:
0x61: {  	(pc) =	sbr.rel @p0 .LBB2_4-.Ltmp3, $4  }
0x62: {  	v4 =	vand.u32 $0xFFFFC000, v6;
	v5 =	vshll.u32 v6, $0x2;
	v6 =	vshrl.u32 v6, $0xC  }
0x63: {  	v5 =	vand.u32 $0x3FFC, v5;
	v6 =	vand.u32 $0x3, v6  }
0x64: {  	v5 =	vor.u32 v4, v5;
	v4 =	vand.u32 $0xFFFFC000, v7;
	v8 =	vshll.u32 v7, $0x2  }
0x65: {  	v7 =	vshrl.u32 v7, $0xC;
	v5 =	vor.u32 v6, v5;
	v6 =	vand.u32 $0x3FFC, v8  }
0x66: {  	s10 =	sshra.s32 s12, $0x2;
	[tilespmem:s9+$0x200] =	vst v5;
	v4 =	vor.u32 v4, v6;
	v5 =	vand.u32 $0x3, v7  }
0x67: {  	v60 =	vld [tilespmem:s10+$0x200];
	v4 =	vor.u32 v5, v4  }
0x68: {  	[tilespmem:s9+$0x600] =	vst v4  }
0x69: {  	v4 =	vld [tilespmem:s10+$0x600];
	_ =	sdelay $0x2  }
0x6a: {  	v5 =	vshll.u32 v60, $0x2  }
0x6b: {  	v61 =	vand.u32 $0xFFFFC000, v60;
	v6 =	vshrl.u32 v60, $0xC;
	v5 =	vand.u32 $0x3FFC, v5  }
0x6c: {  	v6 =	vand.u32 $0x3, v6;
	v5 =	vor.u32 v61, v5;
	v62 =	vshll.u32 v4, $0x2  }
0x6d: {  	v8 =	vand.u32 $0xFFFFC000, v4;
	v4 =	vshrl.u32 v4, $0xC;
	v7 =	vand.u32 $0x3FFC, v62  }
0x6e: {  	v5 =	vor.u32 v6, v5;
	v4 =	vand.u32 $0x3, v4;
	v63 =	vor.u32 v8, v7  }
0x6f: {  	[tilespmem:s10+$0x200] =	vst v5;
	v4 =	vor.u32 v4, v63  }
0x70: {  	s13 =	simm.s32 $0x4800;
	[tilespmem:s10+$0x600] =	vst v4  }
0x71: {  	[tilespmem:s13], [sflag:$0x2] =	stream.indirect.gather [hbm4b:s5+s16], $0x20, s19, s16, $0xb8;
	[tilespmem:$0x10C00] =	vst v63  }
0x72: {  	s15 =	simm.s32 $0xC800  }
0x73: {  	[tilespmem:s15], [sflag:$0x2] =	stream.indirect.gather [hbm4b:s7+s16], $0x20, s0, s16, $0xb8;
	[tilespmem:$0x10C00] =	vst v63  }
0x74: {  	s20 =	simm.s32 $0x5800;
	s19 =	simm.s32 $0x280  }
0x75: {  	[tilespmem:s20], [sflag:$0x2] =	stream.indirect.gather [hbm4b:s5+s16], $0x20, s19, s16, $0xb8;
	[tilespmem:$0x10C00] =	vst v63  }
0x76: {  	s21 =	simm.s32 $0x680;
	s22 =	simm.s32 $0xD800  }
0x77: {  	[tilespmem:s22], [sflag:$0x2] =	stream.indirect.gather [hbm4b:s7+s16], $0x20, s21, s16, $0xb8;
	[tilespmem:$0x10C00] =	vst v63  }
0x78: {  	s23 =	simm.s32 $0x300;
	s24 =	simm.s32 $0x6800  }
0x79: {  	[tilespmem:s24], [sflag:$0x2] =	stream.indirect.gather [hbm4b:s5+s16], $0x20, s23, s16, $0xb8;
	[tilespmem:$0x10C00] =	vst v63  }
0x7a: {  	s25 =	simm.s32 $0x700;
	s26 =	simm.s32 $0xE800  }
0x7b: {  	[tilespmem:s26], [sflag:$0x2] =	stream.indirect.gather [hbm4b:s7+s16], $0x20, s25, s16, $0xb8;
	[tilespmem:$0x10C00] =	vst v63  }
.Ltmp4:
0x7c: {  	_ = 	snop;
	(pc) =	sbr.rel .LBB2_6-.Ltmp4, $4  }
0x7d: {  	s28 =	simm.s32 $0x380;
	s29 =	simm.s32 $0x7800;
	s30 =	simm.s32 $0x780  }
0x7e: {  	[tilespmem:s29], [sflag:$0x2] =	stream.indirect.gather [hbm4b:s5+s16], $0x20, s28, s16, $0xb8;
	[tilespmem:$0x10C00] =	vst v63  }
0x7f: {  	s31 =	simm.s32 $0xF800;
	p0 =	por $0x0, $0x0;
	s19 =	simm.s32 $0x0  }
0x80: {  	[tilespmem:s31], [sflag:$0x2] =	stream.indirect.gather [hbm4b:s7+s16], $0x20, s30, s16, $0xb8;
	[tilespmem:$0x10C00] =	vst v63  }
.LBB2_12:
0x81: {  	s19 =	sadd.s32 $0x1, s19  }
0x82: {  	p1 =	sne.s32 s19, $0x40  }
.Ltmp5:
0x83: {  	_ = 	snop;
	(pc) =	sbr.rel @!p1 .LBB2_13-.Ltmp5, $2  }
0x84: {  	_ =	sdelay $0x2  }
0x85: {  	p0 =	por !p0, !p0  }
.LBB2_6:
0x86: {  	s21 =	sand.u32 $0x1, s19  }
0x87: {  	s20 =	sadd.s32 $0x1, s21  }
0x88: {  	_ =	swait.ge [sflag:s20], $0x1000  }
0x89: {  	[sflag:s20] =	ssyncset.done $0x0  }
0x8a: {  	[sflag:s20] =	ssyncadd.s32 $0xFFFFF000  }
0x8b: {  	_ =	swait.ge [sflag:s20], $0x1000  }
0x8c: {  	[sflag:s20] =	ssyncset.done $0x0  }
0x8d: {  	[sflag:s20] =	ssyncadd.s32 $0xFFFFF000  }
0x8e: {  	_ =	swait.ge [sflag:s20], $0x1000  }
0x8f: {  	[sflag:s20] =	ssyncset.done $0x0  }
0x90: {  	[sflag:s20] =	ssyncadd.s32 $0xFFFFF000  }
0x91: {  	_ =	swait.ge [sflag:s20], $0x1000  }
0x92: {  	[sflag:s20] =	ssyncset.done $0x0  }
0x93: {  	[sflag:s20] =	ssyncadd.s32 $0xFFFFF000  }
0x94: {  	_ =	swait.ge [sflag:s20], $0x1000  }
0x95: {  	[sflag:s20] =	ssyncset.done $0x0  }
0x96: {  	[sflag:s20] =	ssyncadd.s32 $0xFFFFF000  }
0x97: {  	_ =	swait.ge [sflag:s20], $0x1000  }
0x98: {  	[sflag:s20] =	ssyncset.done $0x0  }
0x99: {  	[sflag:s20] =	ssyncadd.s32 $0xFFFFF000  }
0x9a: {  	s9 =	simm.s32 $0x1;
	_ =	swait.ge [sflag:s20], $0x1000  }
0x9b: {  	s9 =	simm.s32 @!p0 $0x0;
	[sflag:s20] =	ssyncset.done $0x0  }
0x9c: {  	s10 =	sshll.u32 s9, $0xE;
	[sflag:s20] =	ssyncadd.s32 $0xFFFFF000  }
0x9d: {  	s12 =	sor.u32 $0x9F0, s10;
	_ =	swait.ge [sflag:s20], $0x1000  }
0x9e: {  	p1 =	slt.u32 s19, $0x2;
	s10 =	sor.u32 $0x89F0, s10;
	v5 =	vmov s12;
	[sflag:s20] =	ssyncset.done $0x0  }
0x9f: {  	s12 =	sadd.s32 @!p1 $0x3, s21;
	v4 =	vmov s10;
	[sflag:s20] =	ssyncadd.s32 $0xFFFFF000  }
0xa0: {  	_ =	swait.ge @!p1 [sflag:s12], $0x200  }
0xa1: {  	[sflag:s12] =	ssyncset.done @!p1 $0x0  }
0xa2: {  	s31 =	simm.s32 $0x0;
	[sflag:s12] =	ssyncadd.s32 @!p1 $0xFFFFFE00  }
0xa3: {  	v6 =	vld.idx.msk [tilespmem:v5+s31+$0xFFFFFFF0 ss:$0x1], $0xffff  }
0xa4: {  	v7 =	vld.idx.msk [tilespmem:v4+s31+$0xFFFFFFF0 ss:$0x1], $0xffff  }
0xa5: {  	v8 =	vld.idx.msk [tilespmem:v5+s31+$0x0 ss:$0x1], $0xffff  }
0xa6: {  	v9 =	vld.idx.msk [tilespmem:v4+s31+$0x0 ss:$0x1], $0xffff  }
0xa7: {  	v10 =	vld.idx.msk [tilespmem:v5+s31+$0xFFFFFFD0 ss:$0x1], $0xffff  }
0xa8: {  	v11 =	vld.idx.msk [tilespmem:v4+s31+$0xFFFFFFD0 ss:$0x1], $0xffff  }
0xa9: {  	v12 =	vld.idx.msk [tilespmem:v5+s31+$0xFFFFFFE0 ss:$0x1], $0xffff  }
0xaa: {  	v13 =	vld.idx.msk [tilespmem:v4+s31+$0xFFFFFFE0 ss:$0x1], $0xffff  }
0xab: {  	v14 =	vld.idx.msk [tilespmem:v5+s31+$0xFFFFFFB0 ss:$0x1], $0xffff  }
0xac: {  	v15 =	vld.idx.msk [tilespmem:v4+s31+$0xFFFFFFB0 ss:$0x1], $0xffff  }
0xad: {  	v16 =	vld.idx.msk [tilespmem:v5+s31+$0xFFFFFFC0 ss:$0x1], $0xffff  }
0xae: {  	v17 =	vld.idx.msk [tilespmem:v4+s31+$0xFFFFFFC0 ss:$0x1], $0xffff  }
0xaf: {  	v18 =	vld.idx.msk [tilespmem:v5+s31+$0xFFFFFF90 ss:$0x1], $0xffff  }
0xb0: {  	v19 =	vld.idx.msk [tilespmem:v4+s31+$0xFFFFFF90 ss:$0x1], $0xffff  }
0xb1: {  	v20 =	vld.idx.msk [tilespmem:v5+s31+$0xFFFFFFA0 ss:$0x1], $0xffff  }
0xb2: {  	v21 =	vld.idx.msk [tilespmem:v4+s31+$0xFFFFFFA0 ss:$0x1], $0xffff  }
0xb3: {  	v22 =	vld.idx.msk [tilespmem:v5+s31+$0xFFFFFF70 ss:$0x1], $0xffff  }
0xb4: {  	v23 =	vld.idx.msk [tilespmem:v4+s31+$0xFFFFFF70 ss:$0x1], $0xffff  }
0xb5: {  	v24 =	vld.idx.msk [tilespmem:v5+s31+$0xFFFFFF80 ss:$0x1], $0xffff  }
0xb6: {  	v25 =	vld.idx.msk [tilespmem:v4+s31+$0xFFFFFF80 ss:$0x1], $0xffff  }
0xb7: {  	v26 =	vld.idx.msk [tilespmem:v5+s31+$0xFFFFFF50 ss:$0x1], $0xffff  }
0xb8: {  	v27 =	vld.idx.msk [tilespmem:v4+s31+$0xFFFFFF50 ss:$0x1], $0xffff  }
0xb9: {  	v28 =	vld.idx.msk [tilespmem:v5+s31+$0xFFFFFF60 ss:$0x1], $0xffff  }
0xba: {  	v29 =	vld.idx.msk [tilespmem:v4+s31+$0xFFFFFF60 ss:$0x1], $0xffff  }
0xbb: {  	v30 =	vld.idx.msk [tilespmem:v5+s31+$0xFFFFFF30 ss:$0x1], $0xffff  }
0xbc: {  	v31 =	vld.idx.msk [tilespmem:v4+s31+$0xFFFFFF30 ss:$0x1], $0xffff  }
0xbd: {  	v32 =	vld.idx.msk [tilespmem:v5+s31+$0xFFFFFF40 ss:$0x1], $0xffff  }
0xbe: {  	v33 =	vld.idx.msk [tilespmem:v4+s31+$0xFFFFFF40 ss:$0x1], $0xffff  }
0xbf: {  	v34 =	vld.idx.msk [tilespmem:v5+s31+$0xFFFFFF10 ss:$0x1], $0xffff  }
0xc0: {  	v35 =	vld.idx.msk [tilespmem:v4+s31+$0xFFFFFF10 ss:$0x1], $0xffff  }
0xc1: {  	v36 =	vld.idx.msk [tilespmem:v5+s31+$0xFFFFFEB0 ss:$0x1], $0xffff  }
0xc2: {  	v39 =	vld.idx.msk [tilespmem:v4+s31+$0xFFFFFEB0 ss:$0x1], $0xffff  }
0xc3: {  	v51 =	vld.idx.msk [tilespmem:v4+s31+$0xFFFFFE60 ss:$0x1], $0xffff  }
0xc4: {  	v54 =	vld.idx.msk [tilespmem:v4+s31+$0xFFFFFE80 ss:$0x1], $0xffff  }
0xc5: {  	v6 =	vmul.f32 v7, v6;
	v7 =	vmul.f32 v9, v8;
	v9 =	vld.idx.msk [tilespmem:v5+s31+$0xFFFFFF20 ss:$0x1], $0xffff  }
0xc6: {  	v8 =	vmul.f32 v11, v10;
	v10 =	vmul.f32 v13, v12;
	v11 =	vld.idx.msk [tilespmem:v4+s31+$0xFFFFFF20 ss:$0x1], $0xffff  }
0xc7: {  	v12 =	vmul.f32 v15, v14;
	v13 =	vmul.f32 v17, v16;
	v14 =	vld.idx.msk [tilespmem:v5+s31+$0xFFFFFEF0 ss:$0x1], $0xffff  }
0xc8: {  	v15 =	vmul.f32 v19, v18;
	v16 =	vmul.f32 v21, v20;
	v17 =	vld.idx.msk [tilespmem:v4+s31+$0xFFFFFEF0 ss:$0x1], $0xffff  }
0xc9: {  	v18 =	vld.idx.msk [tilespmem:v5+s31+$0xFFFFFED0 ss:$0x1], $0xffff;
	v22 =	vmul.f32 v23, v22;
	v23 =	vmul.f32 v25, v24  }
0xca: {  	v21 =	vld.idx.msk [tilespmem:v4+s31+$0xFFFFFED0 ss:$0x1], $0xffff;
	v25 =	vmul.f32 v27, v26;
	v26 =	vmul.f32 v29, v28;
	v8 =	vadd.f32 v10, v8  }
0xcb: {  	v28 =	vmul.f32 v31, v30;
	v29 =	vmul.f32 v33, v32;
	v6 =	vadd.f32 v7, v6;
	v10 =	vld.idx.msk [tilespmem:v5+s31+$0xFFFFFF00 ss:$0x1], $0xffff  }
0xcc: {  	v7 =	vadd.f32 v16, v15;
	v12 =	vadd.f32 v13, v12;
	v13 =	vld.idx.msk [tilespmem:v4+s31+$0xFFFFFF00 ss:$0x1], $0xffff;
	v15 =	vperm.xlane v8, v0  }
0xcd: {  	v16 =	vperm.xlane v6, v0;
	v9 =	vmul.f32 v11, v9;
	v11 =	vadd.f32 v23, v22;
	v22 =	vld.idx.msk [tilespmem:v5+s31+$0xFFFFFE80 ss:$0x1], $0xffff  }
0xce: {  	v19 =	vperm.xlane v7, v0;
	v14 =	vmul.f32 v17, v14;
	v17 =	vld.idx.msk [tilespmem:v5+s31+$0xFFFFFE50 ss:$0x1], $0xffff  }
0xcf: {  	v20 =	vperm.xlane v12, v0;
	v18 =	vmul.f32 v21, v18;
	v21 =	vld.idx.msk [tilespmem:v4+s31+$0xFFFFFE50 ss:$0x1], $0xffff  }
0xd0: {  	v30 =	vmul.f32 v35, v34;
	v23 =	vld.idx.msk [tilespmem:v5+s31+$0xFFFFFE60 ss:$0x1], $0xffff;
	v8 =	vadd.f32 v8, v15;
	v6 =	vadd.f32 v6, v16  }
0xd1: {  	v36 =	vmul.f32 v39, v36;
	v15 =	vld.idx.msk [tilespmem:v5+s31+$0xFFFFFEE0 ss:$0x1], $0xffff;
	v7 =	vadd.f32 v7, v19;
	v12 =	vadd.f32 v12, v20  }
0xd2: {  	v16 =	vld.idx.msk [tilespmem:v4+s31+$0xFFFFFEE0 ss:$0x1], $0xffff;
	v10 =	vmul.f32 v13, v10;
	v13 =	vadd.f32 v26, v25;
	v19 =	vperm.xlane v8, v1  }
0xd3: {  	v9 =	vadd.f32 v9, v30;
	v20 =	vperm.xlane v6, v1;
	v37 =	vperm.xlane v7, v1  }
0xd4: {  	v62 =	vld.idx.msk [tilespmem:v4+s31+$0xFFFFFEC0 ss:$0x1], $0xffff;
	v38 =	vperm.xlane v12, v1;
	v10 =	vadd.f32 v10, v14;
	v14 =	vperm.xlane v11, v0  }
0xd5: {  	v40 =	vld.idx.msk [tilespmem:v5+s31+$0xFFFFFE90 ss:$0x1], $0xffff;
	v25 =	vperm.xlane v13, v0;
	v8 =	vadd.f32 v8, v19;
	v6 =	vadd.f32 v6, v20  }
0xd6: {  	v43 =	vld.idx.msk [tilespmem:v4+s31+$0xFFFFFE90 ss:$0x1], $0xffff;
	v20 =	vadd.f32 v7, v37;
	v17 =	vmul.f32 v21, v17;
	v21 =	vmul.f32 v51, v23  }
0xd7: {  	v48 =	vld.idx.msk [tilespmem:v4+s31+$0xFFFFFE40 ss:$0x1], $0xffff;
	v12 =	vadd.f32 v12, v38;
	v22 =	vmul.f32 v54, v22;
	v15 =	vmul.f32 v16, v15  }
0xd8: {  	v27 =	vld.idx.msk [tilespmem:v5+s31+$0xFFFFFE70 ss:$0x1], $0xffff;
	v16 =	vadd.f32 v29, v28;
	v28 =	vperm.xlane v10, v0;
	v29 =	vperm.xlane v9, v0  }
0xd9: {  	v31 =	vld.idx.msk [tilespmem:v5+s31+$0xFFFFFE30 ss:$0x1], $0xffff;
	v11 =	vadd.f32 v11, v14;
	v7 =	vperm.xlane v8, v2;
	v63 =	vperm.xlane v6, v2  }
0xda: {  	v26 =	vld.idx.msk [tilespmem:v4+s31+$0xFFFFFE10 ss:$0x1], $0xffff;
	v13 =	vadd.f32 v13, v25;
	v41 =	vperm.xlane v20, v2;
	v42 =	vperm.xlane v12, v2  }
0xdb: {  	v19 =	vld.idx.msk [tilespmem:v5+s31+$0xFFFFFEC0 ss:$0x1], $0xffff;
	v17 =	vadd.f32 v21, v17;
	v15 =	vadd.f32 v15, v18;
	v18 =	vperm.xlane v16, v0  }
0xdc: {  	v14 =	vld.idx.msk [tilespmem:v5+s31+$0xFFFFFE10 ss:$0x1], $0xffff;
	v21 =	vmul.f32 v43, v40;
	v10 =	vadd.f32 v10, v28;
	v9 =	vadd.f32 v9, v29  }
0xdd: {  	v25 =	vperm.xlane v11, v1;
	v28 =	vld.idx.msk [tilespmem:v4+s31+$0xFFFFFE20 ss:$0x1], $0xffff;
	v7 =	vadd.f32 v8, v7;
	v16 =	vadd.f32 v16, v18  }
0xde: {  	v8 =	vadd.f32 v12, v42;
	v12 =	vld.idx.msk [tilespmem:v4+s31+$0xFFFFFE70 ss:$0x1], $0xffff;
	v30 =	vperm.xlane v15, v0;
	v45 =	vperm.xlane v10, v1  }
0xdf: {  	v6 =	vadd.f32 v6, v63;
	v18 =	vld.idx.msk [tilespmem:v5+s31+$0xFFFFFE20 ss:$0x1], $0xffff;
	v46 =	vperm.xlane v9, v1;
	v29 =	vperm.xlane v16, v1  }
0xe0: {  	v11 =	vadd.f32 v11, v25;
	v25 =	vld.idx.msk [tilespmem:v4+s31+$0xFFFFFE30 ss:$0x1], $0xffff;
	v15 =	vadd.f32 v15, v30;
	v30 =	vperm.xlane v13, v1  }
0xe1: {  	v19 =	vmul.f32 v62, v19;
	v10 =	vadd.f32 v10, v45;
	v16 =	vadd.f32 v16, v29;
	v29 =	vld.idx.msk [tilespmem:v5+s31+$0xFFFFFE40 ss:$0x1], $0xffff  }
0xe2: {  	v9 =	vadd.f32 v9, v46;
	v13 =	vadd.f32 v13, v30;
	v30 =	vperm.xlane v11, v2  }
0xe3: {  	v24 =	vld.idx.msk [tilespmem:v5+s31+$0xFFFFFEA0 ss:$0x1], $0xffff;
	v20 =	vadd.f32 v20, v41;
	v14 =	vmul.f32 v26, v14;
	v47 =	vperm.xlane v15, v1  }
0xe4: {  	v52 =	vperm.xlane v10, v2;
	v53 =	vperm.xlane v9, v2;
	v11 =	vadd.f32 v11, v30;
	v30 =	vld.idx.msk [tilespmem:v4+s31+$0xFFFFFEA0 ss:$0x1], $0xffff  }
0xe5: {  	v19 =	vadd.f32 v19, v36;
	v12 =	vmul.f32 v12, v27;
	v18 =	vmul.f32 v28, v18  }
0xe6: {  	v25 =	vmul.f32 v25, v31;
	v15 =	vadd.f32 v15, v47;
	v26 =	vmul.f32 v48, v29  }
0xe7: {  	v49 =	vperm.xlane v16, v2;
	v9 =	vadd.f32 v9, v53;
	v10 =	vadd.f32 v10, v52  }
0xe8: {  	v50 =	vperm.xlane v13, v2;
	v14 =	vadd.f32 v18, v14;
	v18 =	vadd.f32 v26, v25  }
0xe9: {  	v12 =	vadd.f32 v22, v12;
	v22 =	vperm.xlane v17, v0;
	v23 =	vmul.f32 v30, v24  }
0xea: {  	v13 =	vadd.f32 v13, v50;
	v24 =	vperm.xlane v14, v0;
	v25 =	vperm.xlane v18, v0  }
0xeb: {  	v55 =	vperm.xlane v15, v2;
	v16 =	vadd.f32 v16, v49;
	v21 =	vadd.f32 v23, v21  }
0xec: {  	v14 =	vadd.f32 v14, v24;
	v23 =	vperm.xlane v12, v0;
	v18 =	vadd.f32 v18, v25  }
0xed: {  	v17 =	vadd.f32 v17, v22;
	v24 =	vperm.xlane v19, v0;
	v22 =	vperm.xlane v21, v0  }
0xee: {  	v25 =	vperm.xlane v14, v1;
	v12 =	vadd.f32 v12, v23;
	v26 =	vperm.xlane v18, v1  }
0xef: {  	v23 =	vperm.xlane v17, v1;
	v19 =	vadd.f32 v19, v24;
	v21 =	vadd.f32 v21, v22  }
0xf0: {  	v14 =	vadd.f32 v14, v25;
	v22 =	vperm.xlane v12, v1;
	v18 =	vadd.f32 v18, v26  }
0xf1: {  	v17 =	vadd.f32 v17, v23;
	v24 =	vperm.xlane v19, v1;
	v23 =	vperm.xlane v21, v1  }
0xf2: {  	v25 =	vperm.xlane v14, v2;
	v12 =	vadd.f32 v12, v22;
	v26 =	vperm.xlane v18, v2  }
0xf3: {  	v22 =	vperm.xlane v17, v2;
	v19 =	vadd.f32 v19, v24;
	v21 =	vadd.f32 v21, v23  }
0xf4: {  	v14 =	vadd.f32 v14, v25;
	v23 =	vperm.xlane v12, v2;
	v18 =	vadd.f32 v18, v26  }
0xf5: {  	v17 =	vadd.f32 v17, v22;
	v24 =	vperm.xlane v19, v2;
	v22 =	vperm.xlane v21, v2  }
0xf6: {  	v25 =	vperm.xlane v14, v3;
	v12 =	vadd.f32 v12, v23;
	v26 =	vperm.xlane v18, v3  }
0xf7: {  	v23 =	vperm.xlane v17, v3;
	v19 =	vadd.f32 v19, v24;
	v21 =	vadd.f32 v21, v22  }
0xf8: {  	v14 =	vadd.f32 v14, v25;
	v22 =	vperm.xlane v12, v3;
	v18 =	vadd.f32 v18, v26  }
0xf9: {  	v15 =	vadd.f32 v15, v55;
	v17 =	vadd.f32 v17, v23;
	v23 =	vperm.xlane v21, v3  }
0xfa: {  	v12 =	vadd.f32 v12, v22;
	v14 =	vsel vm0, v14, v18;
	v18 =	vperm.xlane v19, v3  }
0xfb: {  	v14 =	vsel vm1, v14, v17;
	v17 =	vadd.f32 v21, v23;
	v21 =	vperm.xlane v15, v3  }
0xfc: {  	v12 =	vsel vm2, v14, v12;
	v14 =	vadd.f32 v19, v18;
	v18 =	vperm.xlane v10, v3  }
0xfd: {  	v12 =	vsel vm3, v12, v17;
	v15 =	vadd.f32 v15, v21;
	v17 =	vperm.xlane v9, v3  }
0xfe: {  	v12 =	vsel vm4, v12, v14;
	v10 =	vadd.f32 v10, v18;
	v14 =	vperm.xlane v16, v3  }
0xff: {  	v12 =	vsel vm5, v12, v15;
	v9 =	vadd.f32 v9, v17;
	v15 =	vperm.xlane v13, v3  }
0x100: {  	v10 =	vsel vm6, v12, v10;
	v12 =	vadd.f32 v16, v14;
	v14 =	vperm.xlane v11, v3  }
0x101: {  	v9 =	vsel vm7, v10, v9;
	v10 =	vadd.f32 v13, v15;
	v13 =	vperm.xlane v20, v3  }
0x102: {  	v9 =	vsel vm8, v9, v12;
	v11 =	vadd.f32 v11, v14;
	v12 =	vperm.xlane v8, v3  }
0x103: {  	v9 =	vsel vm9, v9, v10;
	v10 =	vadd.f32 v20, v13;
	v13 =	vperm.xlane v7, v3  }
0x104: {  	v9 =	vsel vm10, v9, v11;
	v8 =	vadd.f32 v8, v12;
	v11 =	vperm.xlane v6, v3  }
0x105: {  	v9 =	vsel vm11, v9, v10;
	v7 =	vadd.f32 v7, v13  }
0x106: {  	v8 =	vsel vm12, v9, v8;
	v6 =	vadd.f32 v6, v11  }
0x107: {  	s22 =	sshll.u32 s9, $0x9;
	v7 =	vsel vm13, v8, v7  }
0x108: {  	s23 =	sor.u32 $0x10800, s22;
	v6 =	vsel vm14, v7, v6  }
0x109: {  	s12 =	simm.s32 $0x200;
	[tilespmem:s23+$0x0] =	vst v6  }
0x10a: {  	v6 =	vld.idx.msk [tilespmem:v5+s12+$0xFFFFFFF0 ss:$0x1], $0xffff  }
0x10b: {  	v7 =	vld.idx.msk [tilespmem:v4+s12+$0xFFFFFFF0 ss:$0x1], $0xffff  }
0x10c: {  	v8 =	vld.idx.msk [tilespmem:v5+s12+$0x0 ss:$0x1], $0xffff  }
0x10d: {  	v9 =	vld.idx.msk [tilespmem:v4+s12+$0x0 ss:$0x1], $0xffff  }
0x10e: {  	v10 =	vld.idx.msk [tilespmem:v5+s12+$0xFFFFFFD0 ss:$0x1], $0xffff  }
0x10f: {  	v11 =	vld.idx.msk [tilespmem:v4+s12+$0xFFFFFFD0 ss:$0x1], $0xffff  }
0x110: {  	v12 =	vld.idx.msk [tilespmem:v5+s12+$0xFFFFFFE0 ss:$0x1], $0xffff  }
0x111: {  	v13 =	vld.idx.msk [tilespmem:v4+s12+$0xFFFFFFE0 ss:$0x1], $0xffff  }
0x112: {  	v14 =	vld.idx.msk [tilespmem:v5+s12+$0xFFFFFFB0 ss:$0x1], $0xffff  }
0x113: {  	v15 =	vld.idx.msk [tilespmem:v4+s12+$0xFFFFFFB0 ss:$0x1], $0xffff  }
0x114: {  	v16 =	vld.idx.msk [tilespmem:v5+s12+$0xFFFFFFC0 ss:$0x1], $0xffff  }
0x115: {  	v17 =	vld.idx.msk [tilespmem:v4+s12+$0xFFFFFFC0 ss:$0x1], $0xffff  }
0x116: {  	v18 =	vld.idx.msk [tilespmem:v5+s12+$0xFFFFFF90 ss:$0x1], $0xffff  }
0x117: {  	v19 =	vld.idx.msk [tilespmem:v4+s12+$0xFFFFFF90 ss:$0x1], $0xffff  }
0x118: {  	v20 =	vld.idx.msk [tilespmem:v5+s12+$0xFFFFFFA0 ss:$0x1], $0xffff  }
0x119: {  	v21 =	vld.idx.msk [tilespmem:v4+s12+$0xFFFFFFA0 ss:$0x1], $0xffff  }
0x11a: {  	v22 =	vld.idx.msk [tilespmem:v5+s12+$0xFFFFFF70 ss:$0x1], $0xffff  }
0x11b: {  	v23 =	vld.idx.msk [tilespmem:v4+s12+$0xFFFFFF70 ss:$0x1], $0xffff  }
0x11c: {  	v24 =	vld.idx.msk [tilespmem:v5+s12+$0xFFFFFF80 ss:$0x1], $0xffff  }
0x11d: {  	v25 =	vld.idx.msk [tilespmem:v4+s12+$0xFFFFFF80 ss:$0x1], $0xffff  }
0x11e: {  	v26 =	vld.idx.msk [tilespmem:v5+s12+$0xFFFFFF50 ss:$0x1], $0xffff  }
0x11f: {  	v27 =	vld.idx.msk [tilespmem:v4+s12+$0xFFFFFF50 ss:$0x1], $0xffff  }
0x120: {  	v28 =	vld.idx.msk [tilespmem:v5+s12+$0xFFFFFF60 ss:$0x1], $0xffff  }
0x121: {  	v29 =	vld.idx.msk [tilespmem:v4+s12+$0xFFFFFF60 ss:$0x1], $0xffff  }
0x122: {  	v30 =	vld.idx.msk [tilespmem:v5+s12+$0xFFFFFF30 ss:$0x1], $0xffff  }
0x123: {  	v31 =	vld.idx.msk [tilespmem:v4+s12+$0xFFFFFF30 ss:$0x1], $0xffff  }
0x124: {  	v56 =	vld.idx.msk [tilespmem:v5+s12+$0xFFFFFF40 ss:$0x1], $0xffff  }
0x125: {  	v57 =	vld.idx.msk [tilespmem:v4+s12+$0xFFFFFF40 ss:$0x1], $0xffff  }
0x126: {  	v58 =	vld.idx.msk [tilespmem:v5+s12+$0xFFFFFF10 ss:$0x1], $0xffff  }
0x127: {  	v59 =	vld.idx.msk [tilespmem:v4+s12+$0xFFFFFF10 ss:$0x1], $0xffff  }
0x128: {  	v60 =	vld.idx.msk [tilespmem:v5+s12+$0xFFFFFF20 ss:$0x1], $0xffff  }
0x129: {  	v61 =	vld.idx.msk [tilespmem:v4+s12+$0xFFFFFF20 ss:$0x1], $0xffff  }
0x12a: {  	v62 =	vld.idx.msk [tilespmem:v5+s12+$0xFFFFFEF0 ss:$0x1], $0xffff  }
0x12b: {  	v63 =	vld.idx.msk [tilespmem:v4+s12+$0xFFFFFEF0 ss:$0x1], $0xffff;
	v6 =	vmul.f32 v7, v6  }
0x12c: {  	v48 =	vld.idx.msk [tilespmem:v5+s12+$0xFFFFFF00 ss:$0x1], $0xffff;
	v7 =	vmul.f32 v9, v8;
	v8 =	vmul.f32 v11, v10  }
0x12d: {  	v49 =	vld.idx.msk [tilespmem:v4+s12+$0xFFFFFF00 ss:$0x1], $0xffff;
	v9 =	vmul.f32 v13, v12;
	v10 =	vmul.f32 v15, v14  }
0x12e: {  	v50 =	vld.idx.msk [tilespmem:v5+s12+$0xFFFFFED0 ss:$0x1], $0xffff;
	v11 =	vmul.f32 v17, v16;
	v12 =	vmul.f32 v19, v18  }
0x12f: {  	v44 =	vld.idx.msk [tilespmem:v5+s12+$0xFFFFFEE0 ss:$0x1], $0xffff;
	v13 =	vmul.f32 v21, v20;
	v22 =	vmul.f32 v23, v22  }
0x130: {  	v45 =	vld.idx.msk [tilespmem:v4+s12+$0xFFFFFEE0 ss:$0x1], $0xffff;
	v23 =	vmul.f32 v25, v24;
	v24 =	vmul.f32 v27, v26  }
0x131: {  	v51 =	vld.idx.msk [tilespmem:v4+s12+$0xFFFFFED0 ss:$0x1], $0xffff;
	v25 =	vmul.f32 v29, v28;
	v26 =	vmul.f32 v31, v30  }
0x132: {  	v27 =	vmul.f32 v57, v56;
	v28 =	vmul.f32 v59, v58  }
0x133: {  	v14 =	vld.idx.msk [tilespmem:v4+s12+$0xFFFFFEB0 ss:$0x1], $0xffff;
	v29 =	vmul.f32 v61, v60;
	v31 =	vmul.f32 v63, v62  }
0x134: {  	v15 =	vld.idx.msk [tilespmem:v4+s12+$0xFFFFFEC0 ss:$0x1], $0xffff;
	v52 =	vmul.f32 v49, v48;
	v8 =	vadd.f32 v9, v8;
	v6 =	vadd.f32 v7, v6  }
0x135: {  	v21 =	vld.idx.msk [tilespmem:v4+s12+$0xFFFFFE70 ss:$0x1], $0xffff;
	v54 =	vmul.f32 v45, v44;
	v7 =	vadd.f32 v13, v12;
	v9 =	vadd.f32 v11, v10  }
0x136: {  	v30 =	vadd.f32 v23, v22;
	v53 =	vadd.f32 v25, v24;
	v22 =	vld.idx.msk [tilespmem:v4+s12+$0xFFFFFE50 ss:$0x1], $0xffff;
	v25 =	vmul.f32 v51, v50  }
0x137: {  	v27 =	vadd.f32 v27, v26;
	v23 =	vld.idx.msk [tilespmem:v5+s12+$0xFFFFFE60 ss:$0x1], $0xffff;
	v31 =	vadd.f32 v52, v31;
	v10 =	vperm.xlane v8, v0  }
0x138: {  	v28 =	vadd.f32 v29, v28;
	v24 =	vld.idx.msk [tilespmem:v4+s12+$0xFFFFFE10 ss:$0x1], $0xffff;
	v11 =	vperm.xlane v6, v0;
	v12 =	vperm.xlane v7, v0  }
0x139: {  	v13 =	vperm.xlane v9, v0;
	v26 =	vperm.xlane v30, v0;
	v29 =	vadd.f32 v54, v25;
	v25 =	vld.idx.msk [tilespmem:v5+s12+$0xFFFFFE10 ss:$0x1], $0xffff  }
0x13a: {  	v55 =	vperm.xlane v27, v0;
	v56 =	vperm.xlane v53, v0;
	v7 =	vadd.f32 v7, v12;
	v12 =	vld.idx.msk [tilespmem:v5+s12+$0xFFFFFEB0 ss:$0x1], $0xffff  }
0x13b: {  	v57 =	vperm.xlane v31, v0;
	v8 =	vadd.f32 v8, v10;
	v9 =	vadd.f32 v9, v13;
	v13 =	vld.idx.msk [tilespmem:v5+s12+$0xFFFFFEC0 ss:$0x1], $0xffff  }
0x13c: {  	v58 =	vperm.xlane v28, v0;
	v6 =	vadd.f32 v6, v11;
	v30 =	vadd.f32 v30, v26;
	v26 =	vld.idx.msk [tilespmem:v5+s12+$0xFFFFFE20 ss:$0x1], $0xffff  }
0x13d: {  	v59 =	vperm.xlane v29, v0;
	v60 =	vadd.f32 v27, v55;
	v61 =	vadd.f32 v53, v56;
	v27 =	vld.idx.msk [tilespmem:v4+s12+$0xFFFFFE20 ss:$0x1], $0xffff  }
0x13e: {  	v34 =	vadd.f32 v28, v58;
	v28 =	vld.idx.msk [tilespmem:v5+s12+$0xFFFFFE30 ss:$0x1], $0xffff;
	v11 =	vperm.xlane v6, v1;
	v17 =	vperm.xlane v9, v1  }
0x13f: {  	v33 =	vadd.f32 v31, v57;
	v10 =	vperm.xlane v8, v1;
	v36 =	vadd.f32 v29, v59;
	v29 =	vld.idx.msk [tilespmem:v4+s12+$0xFFFFFE30 ss:$0x1], $0xffff  }
0x140: {  	v16 =	vperm.xlane v7, v1;
	v6 =	vadd.f32 v6, v11;
	v17 =	vadd.f32 v9, v17;
	v9 =	vld.idx.msk [tilespmem:v5+s12+$0xFFFFFE90 ss:$0x1], $0xffff  }
0x141: {  	v31 =	vperm.xlane v30, v1;
	v62 =	vperm.xlane v60, v1;
	v8 =	vadd.f32 v8, v10;
	v10 =	vld.idx.msk [tilespmem:v4+s12+$0xFFFFFE90 ss:$0x1], $0xffff  }
0x142: {  	s13 =	sshll.u32 s21, $0xE;
	v63 =	vperm.xlane v61, v1;
	v16 =	vadd.f32 v7, v16;
	v11 =	vld.idx.msk [tilespmem:v5+s12+$0xFFFFFEA0 ss:$0x1], $0xffff;
	v19 =	vperm.xlane v6, v2  }
0x143: {  	s25 =	sor.u32 $0x800, s13;
	v32 =	vadd.f32 v30, v31;
	v30 =	vld.idx.msk [tilespmem:v5+s12+$0xFFFFFE40 ss:$0x1], $0xffff;
	v7 =	vperm.xlane v8, v2;
	v20 =	vperm.xlane v17, v2  }
0x144: {  	s26 =	sor.u32 $0x8800, s13;
	s24 =	sor.u32 $0x1800, s13;
	s30 =	sor.u32 $0x9800, s13;
	v37 =	vperm.xlane v33, v1;
	v38 =	vperm.xlane v34, v1;
	v6 =	vadd.f32 v6, v19;
	v19 =	vld.idx.msk [tilespmem:v5+s12+$0xFFFFFE70 ss:$0x1], $0xffff  }
0x145: {  	s29 =	sor.u32 $0x2800, s13;
	s28 =	sor.u32 $0xA800, s13;
	s9 =	sor.u32 $0x3800, s13;
	v39 =	vperm.xlane v36, v1;
	v7 =	vadd.f32 v8, v7;
	v8 =	vadd.f32 v17, v20;
	v17 =	vld.idx.msk [tilespmem:v5+s12+$0xFFFFFE80 ss:$0x1], $0xffff  }
0x146: {  	s15 =	sor.u32 $0xB800, s13;
	s13 =	simm.s32 $0x1000;
	s10 =	sor.u32 $0x400, s22;
	v31 =	vadd.f32 v60, v62;
	v35 =	vadd.f32 v61, v63;
	v18 =	vperm.xlane v16, v2;
	v20 =	vld.idx.msk [tilespmem:v5+s12+$0xFFFFFE50 ss:$0x1], $0xffff  }
.LBB2_7:
0x147: {  	p1 =	sne.s32 s13, $0xF800;
	v40 =	vld.idx.msk [tilespmem:v4+s12+$0xFFFFFE40 ss:$0x1], $0xffff;
	v33 =	vadd.f32 v33, v37;
	v34 =	vadd.f32 v34, v38;
	v37 =	vperm.xlane v32, v2  }
0x148: {  	v38 =	vld.idx.msk [tilespmem:v4+s12+$0xFFFFFE60 ss:$0x1], $0xffff;
	v36 =	vadd.f32 v36, v39;
	v39 =	vperm.xlane v31, v2;
	v41 =	vperm.xlane v35, v2  }
0x149: {  	v16 =	vadd.f32 v16, v18;
	v42 =	vld.idx.msk [tilespmem:v4+s12+$0xFFFFFE80 ss:$0x1], $0xffff;
	v43 =	vperm.xlane v33, v2;
	v44 =	vperm.xlane v34, v2  }
0x14a: {  	v12 =	vmul.f32 v14, v12;
	v32 =	vadd.f32 v32, v37;
	v18 =	vld.idx.msk [tilespmem:v4+s12+$0xFFFFFEA0 ss:$0x1], $0xffff;
	v14 =	vperm.xlane v36, v2  }
0x14b: {  	v19 =	vmul.f32 v21, v19;
	v13 =	vmul.f32 v15, v13;
	v15 =	vadd.f32 v35, v41  }
0x14c: {  	v21 =	vmul.f32 v24, v25;
	v24 =	vmul.f32 v27, v26;
	v25 =	vadd.f32 v31, v39  }
0x14d: {  	v26 =	vmul.f32 v29, v28;
	v28 =	vadd.f32 v34, v44;
	v27 =	vmul.f32 v40, v30  }
0x14e: {  	v20 =	vmul.f32 v22, v20;
	v22 =	vmul.f32 v38, v23;
	v23 =	vadd.f32 v33, v43  }
0x14f: {  	v21 =	vadd.f32 v24, v21;
	v24 =	vadd.f32 v27, v26;
	v17 =	vmul.f32 v42, v17  }
0x150: {  	v9 =	vmul.f32 v10, v9;
	v20 =	vadd.f32 v22, v20;
	v10 =	vmul.f32 v18, v11  }
0x151: {  	v11 =	vperm.xlane v21, v0;
	v18 =	vperm.xlane v24, v0;
	v17 =	vadd.f32 v17, v19  }
0x152: {  	v19 =	vperm.xlane v20, v0;
	v9 =	vadd.f32 v10, v9;
	v10 =	vadd.f32 v13, v12  }
0x153: {  	v11 =	vadd.f32 v21, v11;
	v12 =	vadd.f32 v24, v18;
	v13 =	vperm.xlane v17, v0  }
0x154: {  	v18 =	vadd.f32 v20, v19;
	v19 =	vperm.xlane v9, v0;
	v20 =	vperm.xlane v10, v0  }
0x155: {  	v21 =	vperm.xlane v11, v1;
	v22 =	vperm.xlane v12, v1;
	v13 =	vadd.f32 v17, v13  }
0x156: {  	v17 =	vperm.xlane v18, v1;
	v9 =	vadd.f32 v9, v19;
	v10 =	vadd.f32 v10, v20  }
0x157: {  	v11 =	vadd.f32 v11, v21;
	v12 =	vadd.f32 v12, v22;
	v19 =	vperm.xlane v13, v1  }
0x158: {  	v17 =	vadd.f32 v18, v17;
	v18 =	vperm.xlane v9, v1;
	v20 =	vperm.xlane v10, v1  }
0x159: {  	v21 =	vperm.xlane v11, v2;
	v22 =	vperm.xlane v12, v2;
	v13 =	vadd.f32 v13, v19  }
0x15a: {  	v19 =	vperm.xlane v17, v2;
	v9 =	vadd.f32 v9, v18;
	v10 =	vadd.f32 v10, v20  }
0x15b: {  	v11 =	vadd.f32 v11, v21;
	v12 =	vadd.f32 v12, v22;
	v18 =	vperm.xlane v13, v2  }
0x15c: {  	v17 =	vadd.f32 v17, v19;
	v19 =	vperm.xlane v9, v2;
	v20 =	vperm.xlane v10, v2  }
0x15d: {  	v21 =	vperm.xlane v11, v3;
	v22 =	vperm.xlane v12, v3;
	v13 =	vadd.f32 v13, v18  }
0x15e: {  	v18 =	vperm.xlane v17, v3;
	v9 =	vadd.f32 v9, v19;
	v10 =	vadd.f32 v10, v20  }
0x15f: {  	v11 =	vadd.f32 v11, v21;
	v12 =	vadd.f32 v12, v22;
	v19 =	vperm.xlane v13, v3  }
0x160: {  	v14 =	vadd.f32 v36, v14;
	v17 =	vadd.f32 v17, v18;
	v18 =	vperm.xlane v9, v3  }
0x161: {  	v11 =	vsel vm0, v11, v12;
	v12 =	vadd.f32 v13, v19;
	v13 =	vperm.xlane v10, v3  }
0x162: {  	v11 =	vsel vm1, v11, v17;
	v9 =	vadd.f32 v9, v18;
	v17 =	vperm.xlane v14, v3  }
0x163: {  	v11 =	vsel vm2, v11, v12;
	v10 =	vadd.f32 v10, v13;
	v12 =	vperm.xlane v23, v3  }
0x164: {  	v13 =	vperm.xlane v28, v3;
	v9 =	vsel vm3, v11, v9;
	v11 =	vadd.f32 v14, v17  }
0x165: {  	v9 =	vsel vm4, v9, v10;
	v10 =	vadd.f32 v23, v12;
	v12 =	vperm.xlane v25, v3  }
0x166: {  	v9 =	vsel vm5, v9, v11;
	v11 =	vadd.f32 v28, v13;
	v13 =	vperm.xlane v15, v3  }
0x167: {  	v9 =	vsel vm6, v9, v10;
	v10 =	vadd.f32 v25, v12;
	v12 =	vperm.xlane v32, v3  }
0x168: {  	v9 =	vsel vm7, v9, v11;
	v11 =	vadd.f32 v15, v13;
	v13 =	vperm.xlane v16, v3  }
0x169: {  	v9 =	vsel vm8, v9, v10;
	v10 =	vadd.f32 v32, v12;
	v12 =	vperm.xlane v8, v3  }
0x16a: {  	v9 =	vsel vm9, v9, v11;
	v11 =	vadd.f32 v16, v13;
	v13 =	vperm.xlane v7, v3  }
0x16b: {  	v9 =	vsel vm10, v9, v10;
	v8 =	vadd.f32 v8, v12;
	v10 =	vperm.xlane v6, v3  }
0x16c: {  	v9 =	vsel vm11, v9, v11;
	v7 =	vadd.f32 v7, v13  }
0x16d: {  	v8 =	vsel vm12, v9, v8;
	v6 =	vadd.f32 v6, v10  }
0x16e: {  	v7 =	vsel vm13, v8, v7  }
0x16f: {  	s23 =	sadd.s32 $0x10, s23;
	v6 =	vsel vm14, v7, v6  }
0x170: {  	s12 =	sshra.s32 s13, $0x2;
	[tilespmem:s23+$0x0] =	vst v6  }
0x171: {  	v6 =	vld.idx.msk [tilespmem:v5+s12+$0xFFFFFFF0 ss:$0x1], $0xffff  }
0x172: {  	v7 =	vld.idx.msk [tilespmem:v4+s12+$0xFFFFFFF0 ss:$0x1], $0xffff  }
0x173: {  	v8 =	vld.idx.msk [tilespmem:v5+s12+$0x0 ss:$0x1], $0xffff  }
0x174: {  	v9 =	vld.idx.msk [tilespmem:v4+s12+$0x0 ss:$0x1], $0xffff  }
0x175: {  	v10 =	vld.idx.msk [tilespmem:v5+s12+$0xFFFFFFD0 ss:$0x1], $0xffff  }
0x176: {  	v11 =	vld.idx.msk [tilespmem:v4+s12+$0xFFFFFFD0 ss:$0x1], $0xffff  }
0x177: {  	v12 =	vld.idx.msk [tilespmem:v5+s12+$0xFFFFFFE0 ss:$0x1], $0xffff  }
0x178: {  	v13 =	vld.idx.msk [tilespmem:v4+s12+$0xFFFFFFE0 ss:$0x1], $0xffff  }
0x179: {  	v14 =	vld.idx.msk [tilespmem:v5+s12+$0xFFFFFFB0 ss:$0x1], $0xffff  }
0x17a: {  	v15 =	vld.idx.msk [tilespmem:v4+s12+$0xFFFFFFB0 ss:$0x1], $0xffff  }
0x17b: {  	v16 =	vld.idx.msk [tilespmem:v5+s12+$0xFFFFFFC0 ss:$0x1], $0xffff  }
0x17c: {  	v17 =	vld.idx.msk [tilespmem:v4+s12+$0xFFFFFFC0 ss:$0x1], $0xffff  }
0x17d: {  	v18 =	vld.idx.msk [tilespmem:v5+s12+$0xFFFFFF90 ss:$0x1], $0xffff  }
0x17e: {  	v19 =	vld.idx.msk [tilespmem:v4+s12+$0xFFFFFF90 ss:$0x1], $0xffff  }
0x17f: {  	v20 =	vld.idx.msk [tilespmem:v5+s12+$0xFFFFFFA0 ss:$0x1], $0xffff  }
0x180: {  	v21 =	vld.idx.msk [tilespmem:v4+s12+$0xFFFFFFA0 ss:$0x1], $0xffff  }
0x181: {  	v22 =	vld.idx.msk [tilespmem:v5+s12+$0xFFFFFF70 ss:$0x1], $0xffff  }
0x182: {  	v23 =	vld.idx.msk [tilespmem:v4+s12+$0xFFFFFF70 ss:$0x1], $0xffff  }
0x183: {  	v24 =	vld.idx.msk [tilespmem:v5+s12+$0xFFFFFF80 ss:$0x1], $0xffff  }
0x184: {  	v25 =	vld.idx.msk [tilespmem:v4+s12+$0xFFFFFF80 ss:$0x1], $0xffff  }
0x185: {  	v26 =	vld.idx.msk [tilespmem:v5+s12+$0xFFFFFF50 ss:$0x1], $0xffff  }
0x186: {  	v27 =	vld.idx.msk [tilespmem:v4+s12+$0xFFFFFF50 ss:$0x1], $0xffff  }
0x187: {  	v28 =	vld.idx.msk [tilespmem:v5+s12+$0xFFFFFF60 ss:$0x1], $0xffff  }
0x188: {  	v29 =	vld.idx.msk [tilespmem:v4+s12+$0xFFFFFF60 ss:$0x1], $0xffff  }
0x189: {  	v30 =	vld.idx.msk [tilespmem:v5+s12+$0xFFFFFF30 ss:$0x1], $0xffff  }
0x18a: {  	v31 =	vld.idx.msk [tilespmem:v4+s12+$0xFFFFFF30 ss:$0x1], $0xffff  }
0x18b: {  	v32 =	vld.idx.msk [tilespmem:v5+s12+$0xFFFFFF40 ss:$0x1], $0xffff  }
0x18c: {  	v33 =	vld.idx.msk [tilespmem:v4+s12+$0xFFFFFF40 ss:$0x1], $0xffff  }
0x18d: {  	v34 =	vld.idx.msk [tilespmem:v5+s12+$0xFFFFFF10 ss:$0x1], $0xffff  }
0x18e: {  	v35 =	vld.idx.msk [tilespmem:v4+s12+$0xFFFFFF10 ss:$0x1], $0xffff  }
0x18f: {  	v6 =	vmul.f32 v7, v6;
	v7 =	vmul.f32 v9, v8;
	v36 =	vld.idx.msk [tilespmem:v5+s12+$0xFFFFFF20 ss:$0x1], $0xffff  }
0x190: {  	v8 =	vmul.f32 v11, v10;
	v9 =	vmul.f32 v13, v12;
	v37 =	vld.idx.msk [tilespmem:v4+s12+$0xFFFFFF20 ss:$0x1], $0xffff  }
0x191: {  	v10 =	vmul.f32 v15, v14;
	v11 =	vmul.f32 v17, v16;
	v38 =	vld.idx.msk [tilespmem:v5+s12+$0xFFFFFEF0 ss:$0x1], $0xffff  }
0x192: {  	v12 =	vmul.f32 v19, v18;
	v13 =	vmul.f32 v21, v20;
	v39 =	vld.idx.msk [tilespmem:v4+s12+$0xFFFFFEF0 ss:$0x1], $0xffff  }
0x193: {  	v6 =	vadd.f32 v7, v6;
	v8 =	vadd.f32 v9, v8;
	v40 =	vld.idx.msk [tilespmem:v5+s12+$0xFFFFFF00 ss:$0x1], $0xffff  }
0x194: {  	v9 =	vadd.f32 v11, v10;
	v7 =	vadd.f32 v13, v12;
	v41 =	vld.idx.msk [tilespmem:v4+s12+$0xFFFFFF00 ss:$0x1], $0xffff  }
0x195: {  	v10 =	vperm.xlane v8, v0;
	v11 =	vperm.xlane v6, v0;
	v42 =	vld.idx.msk [tilespmem:v5+s12+$0xFFFFFED0 ss:$0x1], $0xffff  }
0x196: {  	v13 =	vperm.xlane v9, v0;
	v12 =	vperm.xlane v7, v0;
	v43 =	vld.idx.msk [tilespmem:v4+s12+$0xFFFFFED0 ss:$0x1], $0xffff  }
0x197: {  	v8 =	vadd.f32 v8, v10;
	v6 =	vadd.f32 v6, v11;
	v44 =	vld.idx.msk [tilespmem:v5+s12+$0xFFFFFEE0 ss:$0x1], $0xffff  }
0x198: {  	v9 =	vadd.f32 v9, v13;
	v7 =	vadd.f32 v7, v12;
	v45 =	vld.idx.msk [tilespmem:v4+s12+$0xFFFFFEE0 ss:$0x1], $0xffff  }
0x199: {  	v10 =	vperm.xlane v8, v1;
	v11 =	vperm.xlane v6, v1;
	v12 =	vld.idx.msk [tilespmem:v5+s12+$0xFFFFFEB0 ss:$0x1], $0xffff  }
0x19a: {  	v17 =	vperm.xlane v9, v1;
	v16 =	vperm.xlane v7, v1;
	v14 =	vld.idx.msk [tilespmem:v4+s12+$0xFFFFFEB0 ss:$0x1], $0xffff  }
0x19b: {  	v8 =	vadd.f32 v8, v10;
	v6 =	vadd.f32 v6, v11;
	v13 =	vld.idx.msk [tilespmem:v5+s12+$0xFFFFFEC0 ss:$0x1], $0xffff  }
0x19c: {  	v17 =	vadd.f32 v9, v17;
	v16 =	vadd.f32 v7, v16;
	v15 =	vld.idx.msk [tilespmem:v4+s12+$0xFFFFFEC0 ss:$0x1], $0xffff  }
0x19d: {  	v19 =	vperm.xlane v6, v2;
	v7 =	vperm.xlane v8, v2;
	v9 =	vld.idx.msk [tilespmem:v5+s12+$0xFFFFFE90 ss:$0x1], $0xffff  }
0x19e: {  	v20 =	vperm.xlane v17, v2;
	v18 =	vperm.xlane v16, v2;
	v10 =	vld.idx.msk [tilespmem:v4+s12+$0xFFFFFE90 ss:$0x1], $0xffff  }
0x19f: {  	v22 =	vmul.f32 v23, v22;
	v23 =	vmul.f32 v25, v24;
	v6 =	vadd.f32 v6, v19;
	v11 =	vld.idx.msk [tilespmem:v5+s12+$0xFFFFFEA0 ss:$0x1], $0xffff  }
0x1a0: {  	v24 =	vmul.f32 v27, v26;
	v25 =	vmul.f32 v29, v28;
	v7 =	vadd.f32 v8, v7;
	v19 =	vld.idx.msk [tilespmem:v5+s12+$0xFFFFFE70 ss:$0x1], $0xffff  }
0x1a1: {  	v26 =	vmul.f32 v31, v30;
	v27 =	vmul.f32 v33, v32;
	v8 =	vadd.f32 v17, v20;
	v21 =	vld.idx.msk [tilespmem:v4+s12+$0xFFFFFE70 ss:$0x1], $0xffff  }
0x1a2: {  	v30 =	vadd.f32 v23, v22;
	v28 =	vmul.f32 v35, v34;
	v29 =	vmul.f32 v37, v36;
	v17 =	vld.idx.msk [tilespmem:v5+s12+$0xFFFFFE80 ss:$0x1], $0xffff  }
0x1a3: {  	v33 =	vadd.f32 v25, v24;
	v31 =	vmul.f32 v39, v38;
	v32 =	vmul.f32 v41, v40;
	v20 =	vld.idx.msk [tilespmem:v5+s12+$0xFFFFFE50 ss:$0x1], $0xffff  }
0x1a4: {  	v27 =	vadd.f32 v27, v26;
	v25 =	vmul.f32 v43, v42;
	v34 =	vmul.f32 v45, v44;
	v22 =	vld.idx.msk [tilespmem:v4+s12+$0xFFFFFE50 ss:$0x1], $0xffff  }
0x1a5: {  	v26 =	vperm.xlane v30, v0;
	v28 =	vadd.f32 v29, v28;
	v31 =	vadd.f32 v32, v31;
	v23 =	vld.idx.msk [tilespmem:v5+s12+$0xFFFFFE60 ss:$0x1], $0xffff  }
0x1a6: {  	v32 =	vperm.xlane v27, v0;
	v29 =	vadd.f32 v34, v25;
	v34 =	vperm.xlane v33, v0;
	v24 =	vld.idx.msk [tilespmem:v4+s12+$0xFFFFFE10 ss:$0x1], $0xffff  }
0x1a7: {  	v30 =	vadd.f32 v30, v26;
	v36 =	vperm.xlane v28, v0;
	v35 =	vperm.xlane v31, v0;
	v25 =	vld.idx.msk [tilespmem:v5+s12+$0xFFFFFE10 ss:$0x1], $0xffff  }
.Ltmp6:
0x1a8: {  	v40 =	vadd.f32 v27, v32;
	v37 =	vperm.xlane v29, v0;
	v41 =	vadd.f32 v33, v34;
	v26 =	vld.idx.msk [tilespmem:v5+s12+$0xFFFFFE20 ss:$0x1], $0xffff;
	(pc) =	sbr.rel @p1 .LBB2_7-.Ltmp6, $4  }
0x1a9: {  	v33 =	vadd.f32 v31, v35;
	v34 =	vadd.f32 v28, v36;
	v31 =	vperm.xlane v30, v1;
	v27 =	vld.idx.msk [tilespmem:v4+s12+$0xFFFFFE20 ss:$0x1], $0xffff  }
0x1aa: {  	v35 =	vperm.xlane v40, v1;
	v36 =	vadd.f32 v29, v37;
	v42 =	vperm.xlane v41, v1;
	v28 =	vld.idx.msk [tilespmem:v5+s12+$0xFFFFFE30 ss:$0x1], $0xffff  }
0x1ab: {  	v37 =	vperm.xlane v33, v1;
	v38 =	vperm.xlane v34, v1;
	v32 =	vadd.f32 v30, v31;
	v29 =	vld.idx.msk [tilespmem:v4+s12+$0xFFFFFE30 ss:$0x1], $0xffff  }
0x1ac: {  	s13 =	sadd.s32 $0x800, s13;
	v31 =	vadd.f32 v40, v35;
	v39 =	vperm.xlane v36, v1;
	v35 =	vadd.f32 v41, v42;
	v30 =	vld.idx.msk [tilespmem:v5+s12+$0xFFFFFE40 ss:$0x1], $0xffff  }
0x1ad: {  	_ =	sdelay $0x1  }
0x1ae: {  	v50 =	vperm.xlane v32, v2  }
0x1af: {  	v12 =	vmul.f32 v14, v12;
	v19 =	vmul.f32 v21, v19  }
0x1b0: {  	v5 =	vadd.f32 v33, v37;
	v51 =	vld.idx.msk [tilespmem:v4+s12+$0xFFFFFE40 ss:$0x1], $0xffff;
	v13 =	vmul.f32 v15, v13;
	v56 =	vmul.f32 v24, v25  }
0x1b1: {  	v49 =	vadd.f32 v34, v38;
	v40 =	vld.idx.msk [tilespmem:v4+s12+$0xFFFFFE60 ss:$0x1], $0xffff;
	v20 =	vmul.f32 v22, v20;
	v9 =	vmul.f32 v10, v9  }
0x1b2: {  	v54 =	vld.idx.msk [tilespmem:v4+s12+$0xFFFFFE80 ss:$0x1], $0xffff;
	v36 =	vadd.f32 v36, v39;
	v52 =	vperm.xlane v31, v2;
	v53 =	vperm.xlane v35, v2  }
0x1b3: {  	v16 =	vadd.f32 v16, v18;
	v4 =	vld.idx.msk [tilespmem:v4+s12+$0xFFFFFEA0 ss:$0x1], $0xffff;
	v57 =	vmul.f32 v27, v26;
	v41 =	vperm.xlane v5, v2  }
0x1b4: {  	v42 =	vperm.xlane v49, v2;
	v32 =	vadd.f32 v32, v50;
	v55 =	vperm.xlane v36, v2  }
0x1b5: {  	v15 =	vadd.f32 v35, v53;
	v59 =	vmul.f32 v29, v28;
	v60 =	vmul.f32 v51, v30  }
0x1b6: {  	v58 =	vadd.f32 v31, v52;
	v21 =	vadd.f32 v57, v56;
	v62 =	vmul.f32 v40, v23  }
0x1b7: {  	v61 =	vadd.f32 v49, v42;
	v17 =	vmul.f32 v54, v17;
	v63 =	vadd.f32 v60, v59  }
0x1b8: {  	v5 =	vadd.f32 v5, v41;
	v4 =	vmul.f32 v4, v11;
	v24 =	vadd.f32 v62, v20  }
0x1b9: {  	v26 =	vperm.xlane v21, v0;
	v17 =	vadd.f32 v17, v19;
	v27 =	vperm.xlane v63, v0  }
0x1ba: {  	v30 =	vadd.f32 v13, v12;
	v4 =	vadd.f32 v4, v9;
	v29 =	vperm.xlane v24, v0  }
0x1bb: {  	v10 =	vadd.f32 v21, v26;
	v31 =	vperm.xlane v17, v0;
	v11 =	vadd.f32 v63, v27  }
0x1bc: {  	v35 =	vperm.xlane v30, v0;
	v34 =	vperm.xlane v4, v0;
	v33 =	vadd.f32 v24, v29  }
0x1bd: {  	v37 =	vperm.xlane v10, v1;
	v12 =	vadd.f32 v17, v31;
	v38 =	vperm.xlane v11, v1  }
0x1be: {  	v9 =	vadd.f32 v30, v35;
	v4 =	vadd.f32 v4, v34;
	v39 =	vperm.xlane v33, v1  }
0x1bf: {  	v10 =	vadd.f32 v10, v37;
	v40 =	vperm.xlane v12, v1;
	v11 =	vadd.f32 v11, v38  }
0x1c0: {  	v19 =	vperm.xlane v9, v1;
	v41 =	vperm.xlane v4, v1;
	v13 =	vadd.f32 v33, v39  }
0x1c1: {  	v20 =	vperm.xlane v10, v2;
	v12 =	vadd.f32 v12, v40;
	v21 =	vperm.xlane v11, v2  }
0x1c2: {  	v9 =	vadd.f32 v9, v19;
	v4 =	vadd.f32 v4, v41;
	v42 =	vperm.xlane v13, v2  }
0x1c3: {  	v10 =	vadd.f32 v10, v20;
	v43 =	vperm.xlane v12, v2;
	v11 =	vadd.f32 v11, v21  }
0x1c4: {  	v19 =	vperm.xlane v9, v2;
	v44 =	vperm.xlane v4, v2;
	v13 =	vadd.f32 v13, v42  }
0x1c5: {  	v20 =	vperm.xlane v10, v3;
	v12 =	vadd.f32 v12, v43;
	v21 =	vperm.xlane v11, v3  }
0x1c6: {  	v9 =	vadd.f32 v9, v19;
	v4 =	vadd.f32 v4, v44;
	v45 =	vperm.xlane v13, v3  }
0x1c7: {  	v10 =	vadd.f32 v10, v20;
	v46 =	vperm.xlane v12, v3;
	v11 =	vadd.f32 v11, v21  }
0x1c8: {  	v14 =	vadd.f32 v36, v55;
	v47 =	vperm.xlane v4, v3;
	v13 =	vadd.f32 v13, v45  }
0x1c9: {  	v49 =	vperm.xlane v9, v3;
	v48 =	vadd.f32 v12, v46;
	v10 =	vsel vm0, v10, v11  }
0x1ca: {  	v50 =	vperm.xlane v14, v3;
	v4 =	vadd.f32 v4, v47;
	v10 =	vsel vm1, v10, v13  }
0x1cb: {  	v51 =	vperm.xlane v5, v3;
	v9 =	vadd.f32 v9, v49;
	v10 =	vsel vm2, v10, v48  }
0x1cc: {  	v53 =	vperm.xlane v61, v3;
	v52 =	vadd.f32 v14, v50;
	v4 =	vsel vm3, v10, v4  }
0x1cd: {  	v54 =	vperm.xlane v58, v3;
	v5 =	vadd.f32 v5, v51;
	v4 =	vsel vm4, v4, v9  }
0x1ce: {  	v56 =	vperm.xlane v15, v3;
	v55 =	vadd.f32 v61, v53;
	v4 =	vsel vm5, v4, v52  }
0x1cf: {  	v57 =	vperm.xlane v32, v3;
	v4 =	vsel vm6, v4, v5;
	v5 =	vadd.f32 v58, v54  }
0x1d0: {  	v59 =	vperm.xlane v16, v3;
	v58 =	vadd.f32 v15, v56;
	v4 =	vsel vm7, v4, v55  }
0x1d1: {  	v60 =	vperm.xlane v8, v3;
	v4 =	vsel vm8, v4, v5;
	v5 =	vadd.f32 v32, v57  }
0x1d2: {  	v62 =	vperm.xlane v7, v3;
	v61 =	vadd.f32 v16, v59;
	v4 =	vsel vm9, v4, v58  }
0x1d3: {  	v63 =	vperm.xlane v6, v3;
	v4 =	vsel vm10, v4, v5;
	v5 =	vadd.f32 v8, v60  }
0x1d4: {  	p1 =	sgt.u32 s19, $0x3D;
	v7 =	vadd.f32 v7, v62;
	v4 =	vsel vm11, v4, v61  }
.Ltmp7:
0x1d5: {  	s13 =	sshll.u32 s19, $0x9;
	v4 =	vsel vm12, v4, v5;
	v5 =	vadd.f32 v6, v63;
	(pc) =	sbr.rel @p1 .LBB2_12-.Ltmp7, $4  }
0x1d6: {  	s31 =	sor.u32 s6, s13;
	v4 =	vsel vm13, v4, v7  }
0x1d7: {  	s23 =	sadd.s32 $0x10, s23;
	s12 =	sshll.u32 s21, $0x9;
	s31 =	sshrl.u32 s31, $0x3;
	v4 =	vsel vm14, v4, v5  }
0x1d8: {  	s21 =	sadd.s32 $0x3, s21;
	[tilespmem:s23+$0x0] =	vst v4;
	s23 =	sadd.s32 s1, s31;
	s31 =	sor.u32 $0x10800, s12  }
0x1d9: {  	[hbm4b:s23+s3] =	stream.linear.scatter [tilespmem:s31], [sflag:s21], $0x200, $0x38;
	[tilespmem:$0x10C00] =	vst v63  }
0x1da: {  	s13 =	sadd.s32 s13, s11  }
0x1db: {  	s13 =	sshrl.u32 s13, $0x3  }
0x1dc: {  	s23 =	simm.s32 $0x0;
	s21 =	sadd.s32 s4, s13  }
0x1dd: {  	[tilespmem:s12], [sflag:$0x5] =	stream.linear.gather [hbm4b:s21+s23], $0x200, $0x38;
	[tilespmem:$0x10C00] =	vst v63  }
0x1de: {  	_ =	swait.ge [sflag:s14], $0x200  }
0x1df: {  	[sflag:s14] =	ssyncset.done $0x0  }
0x1e0: {  	v5 =	vmov s22;
	s13 =	sor.u32 $0x400, s12;
	s21 =	sadd.s32 $0x20000, s21;
	[sflag:s14] =	ssyncadd.s32 $0xFFFFFE00  }
0x1e1: {  	[tilespmem:s13], [sflag:$0x5] =	stream.linear.gather [hbm4b:s21+s23], $0x200, $0x38;
	[tilespmem:$0x10C00] =	vst v63  }
0x1e2: {  	_ =	swait.ge [sflag:s14], $0x200  }
0x1e3: {  	[sflag:s14] =	ssyncset.done $0x0  }
0x1e4: {  	s21 =	simm.s32 $0x0;
	[sflag:s14] =	ssyncadd.s32 $0xFFFFFE00  }
0x1e5: {  	v6 =	vld.idx.msk [tilespmem:v5+s21+$0x0 ss:$0x1], $0xffff;
	_ =	sdelay $0x4  }
0x1e6: {  	v4 =	vmov s10;
	v7 =	vshll.u32 v6, $0x2  }
0x1e7: {  	v8 =	vshrl.u32 v6, $0xC;
	v6 =	vand.u32 $0xFFFFC000, v6;
	v7 =	vand.u32 $0x3FFC, v7  }
0x1e8: {  	v6 =	vor.u32 v6, v7;
	v7 =	vand.u32 $0x3, v8  }
0x1e9: {  	v6 =	vor.u32 v7, v6  }
0x1ea: {  	[tilespmem:v5+s21+$0x0 ss:$0x1] =	vst.idx.msk $0xffff, v6  }
0x1eb: {  	v6 =	vld.idx.msk [tilespmem:v4+s21+$0x0 ss:$0x1], $0xffff;
	_ =	sdelay $0x4  }
0x1ec: {  	v7 =	vshll.u32 v6, $0x2  }
0x1ed: {  	v8 =	vshrl.u32 v6, $0xC;
	v6 =	vand.u32 $0xFFFFC000, v6;
	v7 =	vand.u32 $0x3FFC, v7  }
0x1ee: {  	v6 =	vor.u32 v6, v7;
	v7 =	vand.u32 $0x3, v8  }
0x1ef: {  	s10 =	simm.s32 $0x40;
	s22 =	simm.s32 $0x80;
	v6 =	vor.u32 v7, v6  }
.LBB2_10:
0x1f0: {  	p1 =	sne.s32 s22, $0x7C0  }
0x1f1: {  	[tilespmem:v4+s21+$0x0 ss:$0x1] =	vst.idx.msk $0xffff, v6;
	s21 =	sshra.s32 s10, $0x2;
	s10 =	smov.u32 s22;
	s22 =	sadd.s32 $0x40, s22  }
0x1f2: {  	v6 =	vld.idx.msk [tilespmem:v5+s21+$0x0 ss:$0x1], $0xffff;
	_ =	sdelay $0x5  }
0x1f3: {  	v7 =	vshll.u32 v6, $0x2;
	v8 =	vshrl.u32 v6, $0xC  }
0x1f4: {  	v6 =	vand.u32 $0xFFFFC000, v6;
	v7 =	vand.u32 $0x3FFC, v7  }
0x1f5: {  	v6 =	vor.u32 v6, v7;
	v7 =	vand.u32 $0x3, v8  }
0x1f6: {  	v6 =	vor.u32 v7, v6  }
0x1f7: {  	[tilespmem:v5+s21+$0x0 ss:$0x1] =	vst.idx.msk $0xffff, v6  }
0x1f8: {  	v6 =	vld.idx.msk [tilespmem:v4+s21+$0x0 ss:$0x1], $0xffff;
	_ =	sdelay $0x4  }
.Ltmp8:
0x1f9: {  	(pc) =	sbr.rel @p1 .LBB2_10-.Ltmp8, $4  }
0x1fa: {  	v7 =	vshll.u32 v6, $0x2;
	v8 =	vshrl.u32 v6, $0xC  }
0x1fb: {  	v6 =	vand.u32 $0xFFFFC000, v6;
	v7 =	vand.u32 $0x3FFC, v7  }
0x1fc: {  	v6 =	vor.u32 v6, v7;
	v7 =	vand.u32 $0x3, v8  }
0x1fd: {  	v6 =	vor.u32 v7, v6  }
0x1fe: {  	_ =	sdelay $0x3  }
0x1ff: {  	s10 =	sshra.s32 s10, $0x2;
	[tilespmem:v4+s21+$0x0 ss:$0x1] =	vst.idx.msk $0xffff, v6  }
0x200: {  	v6 =	vld.idx.msk [tilespmem:v5+s10+$0x0 ss:$0x1], $0xffff;
	_ =	sdelay $0x4  }
0x201: {  	v7 =	vshll.u32 v6, $0x2  }
0x202: {  	v8 =	vshrl.u32 v6, $0xC;
	v6 =	vand.u32 $0xFFFFC000, v6;
	v7 =	vand.u32 $0x3FFC, v7  }
0x203: {  	v60 =	vand.u32 $0x3, v8;
	v6 =	vor.u32 v6, v7  }
0x204: {  	v6 =	vor.u32 v60, v6  }
0x205: {  	[tilespmem:v5+s10+$0x0 ss:$0x1] =	vst.idx.msk $0xffff, v6  }
0x206: {  	v5 =	vld.idx.msk [tilespmem:v4+s10+$0x0 ss:$0x1], $0xffff;
	_ =	sdelay $0x4  }
0x207: {  	v61 =	vshll.u32 v5, $0x2  }
0x208: {  	v62 =	vshrl.u32 v5, $0xC;
	v5 =	vand.u32 $0xFFFFC000, v5;
	v6 =	vand.u32 $0x3FFC, v61  }
0x209: {  	v63 =	vand.u32 $0x3, v62;
	v5 =	vor.u32 v5, v6  }
0x20a: {  	v5 =	vor.u32 v63, v5  }
0x20b: {  	[tilespmem:v4+s10+$0x0 ss:$0x1] =	vst.idx.msk $0xffff, v5  }
0x20c: {  	[tilespmem:s25], [sflag:s20] =	stream.indirect.gather [hbm4b:s5+s16], $0x20, s12, s16, $0xb8;
	[tilespmem:$0x10C00] =	vst v63  }
0x20d: {  	_ = 	snop  }
0x20e: {  	[tilespmem:s26], [sflag:s20] =	stream.indirect.gather [hbm4b:s7+s16], $0x20, s13, s16, $0xb8;
	[tilespmem:$0x10C00] =	vst v63  }
0x20f: {  	s23 =	sor.u32 $0x80, s12  }
0x210: {  	[tilespmem:s24], [sflag:s20] =	stream.indirect.gather [hbm4b:s5+s16], $0x20, s23, s16, $0xb8;
	[tilespmem:$0x10C00] =	vst v63  }
0x211: {  	s25 =	sor.u32 $0x480, s12  }
0x212: {  	[tilespmem:s30], [sflag:s20] =	stream.indirect.gather [hbm4b:s7+s16], $0x20, s25, s16, $0xb8;
	[tilespmem:$0x10C00] =	vst v63  }
0x213: {  	s26 =	sor.u32 $0x100, s12  }
0x214: {  	[tilespmem:s29], [sflag:s20] =	stream.indirect.gather [hbm4b:s5+s16], $0x20, s26, s16, $0xb8;
	[tilespmem:$0x10C00] =	vst v63  }
0x215: {  	s29 =	sor.u32 $0x500, s12  }
0x216: {  	[tilespmem:s28], [sflag:s20] =	stream.indirect.gather [hbm4b:s7+s16], $0x20, s29, s16, $0xb8;
	[tilespmem:$0x10C00] =	vst v63  }
.Ltmp9:
0x217: {  	_ = 	snop;
	(pc) =	sbr.rel .LBB2_12-.Ltmp9, $4  }
0x218: {  	s30 =	sor.u32 $0x180, s12  }
0x219: {  	[tilespmem:s9], [sflag:s20] =	stream.indirect.gather [hbm4b:s5+s16], $0x20, s30, s16, $0xb8;
	[tilespmem:$0x10C00] =	vst v63  }
0x21a: {  	s31 =	sor.u32 $0x580, s12  }
0x21b: {  	[tilespmem:s15], [sflag:s20] =	stream.indirect.gather [hbm4b:s7+s16], $0x20, s31, s16, $0xb8;
	[tilespmem:$0x10C00] =	vst v63  }
.LBB2_14:
0x21c: {  	_ =	sfence.sel $0x180000  }
0x21d: {  	[bflag:$0x0] =	sbarrier.arrive $0xFFFF  }
0x21e: {  	_ =	strace $0x90000047  }
0x21f: {  	s0 =	stileid.u32;
	[bflag:$0x2] =	sbarrier.arrive $0xFFFF  }
0x220: {  	p0 =	sne.s32 s0, $0x0;
	s0 =	rddreg [dreg:$0x2]  }
0x221: {  	s0 =	sadd.s32 @!p0 $0x100000, s0  }
0x222: {  	[sflag:s0] =	ssyncadd.tile.s32 @!p0 $0x1;
	_ =	shalt  }
.Lfunc_end2:
_tile_overlayer_lowered:
.L_overlay_start_2:
0x223: {  	(tag) =	ssettag $0x2  }
0x224: {  	s0 =	rddreg [dreg:$0x0];
	s2 =	stileid.u32  }
0x225: {  	s1 =	rddreg [dreg:$0x1];
	p0 =	sne.s32 s2, $0x0  }
0x226: {  	s3 =	rddreg [dreg:$0x2];
	[bflag:$0x3] =	sbarrier.arrive $0xFFFF;
	s2 =	simm.s32 @!p0 $0x1C05  }
0x227: {  	[timem:s3], [sflag:s2] =	dma.local @!p0 [hbm:s0], s1  }
0x228: {  	s0 =	simm.s32 @!p0 $0x5  }
0x229: {  	_ =	swait.ge @!p0 [sflag:s0], s1  }
0x22a: {  	s1 =	ssub.s32 @!p0 $0x0, s1;
	[sflag:s0] =	ssyncset.done @!p0 $0x0  }
0x22b: {  	[sflag:s0] =	ssyncadd.s32 @!p0 s1  }
0x22c: {  	[bflag:$0x3] =	sbarrier.arrive $0xFFFF  }
0x22d: {  	_ =	shalt  }

</sc_bundles>
